<compile_context>
chip_gen: v7x
topology: tpu7x:2x2x1
jax: 0.10.2.dev20260603
libtpu: 0.0.44.dev20260713+nightly
codegen_flags: <defaults>
</compile_context>

<pallas_src>
import functools

import jax
import jax.numpy as jnp
from jax import lax
from jax.experimental import pallas as pl
from jax.experimental.pallas import tpu as pltpu
from jax.experimental.pallas import tpu_sc as plsc

_NC = 2
_NS = 16
_NW = _NC * _NS
_LANES = 16
_UNROLL = 2

_B = 4
_S = 4096
_E = 1024
_R = 8
_ROWS_PER_W = _S // _NW
_T = _ROWS_PER_W // _R


def _sc_body(tok_hbm, pos_hbm, out_hbm,
             pos0, pos1, tok0, tok1, tok2,
             isem0, isem1, osem0, osem1):
    wid = lax.axis_index("s") * _NC + lax.axis_index("c")
    s0 = wid * _ROWS_PER_W
    pos_bufs = (pos0, pos1)
    tok_sets = (tok0, tok1, tok2)
    isems = (isem0, isem1)
    osems = (osem0, osem1)

    def issue_in(t):
        row = s0 + t * _R
        sem = isems[t % 2]
        tset = tok_sets[t % 3]
        return [
            pltpu.async_copy(pos_hbm.at[pl.ds(row, _R), :],
                             pos_bufs[t % 2], sem),
            pltpu.async_copy(tok_hbm.at[:, pl.ds(row, _R), :], tset, sem),
        ]

    def issue_out(t):
        row = s0 + t * _R
        tset = tok_sets[t % 3]
        return [pltpu.async_copy(
            tset, out_hbm.at[:, pl.ds(row, _R), :], osems[t % 2])]

    def compute(t):
        pos_v = pos_bufs[t % 2]
        tset = tok_sets[t % 3]

        @plsc.parallel_loop(0, _R)
        def _row_loop(r):
            @plsc.parallel_loop(0, _E, step=_LANES, unroll=_UNROLL)
            def _add_loop(c):
                sl = pl.ds(c, _LANES)
                p = pos_v[r, sl]
                for b in range(_B):
                    plsc.addupdate(tset.at[b, r, sl], p)

    in_h = {0: issue_in(0)}
    out_h = {}
    for t in range(_T):
        if t >= 2:
            for h in out_h[t - 2]:
                h.wait()
        if t + 1 < _T:
            in_h[t + 1] = issue_in(t + 1)
        for h in in_h[t]:
            h.wait()
        compute(t)
        out_h[t] = issue_out(t)
    for h in out_h[_T - 2]:
        h.wait()
    for h in out_h[_T - 1]:
        h.wait()


def kernel(token_embedding, pos_table):
    B, S, E = token_embedding.shape

    mesh = plsc.VectorSubcoreMesh(core_axis_name="c", subcore_axis_name="s")
    run = functools.partial(
        pl.kernel,
        out_type=jax.ShapeDtypeStruct((B, S, E), jnp.float32),
        mesh=mesh,
        scratch_types=(
            [pltpu.VMEM((_R, _E), jnp.float32)] * 2
            + [pltpu.VMEM((_B, _R, _E), jnp.float32)] * 3
            + [pltpu.SemaphoreType.DMA] * 4
        ),
    )(_sc_body)
    return run(token_embedding, pos_table)

# --- scband reference (transcript-rebuilt; emitter-appended) ---
"""Pipeline reference for scband-learnable-position-encoding-2027224563891 (READ-ONLY COPY).

The authoritative reference and input builder live on the scoring server;
editing this copy changes nothing except your own understanding.
"""

import jax, jax.numpy as jnp
import numpy as np

EMB_SIZE = 1024
MAXLEN = 8192
BATCH = 4
SEQ = 4096

def setup_inputs(seed: int = 0) -> dict:
    key = jax.random.key(seed)
    k1, k2 = jax.random.split(key)
    token_embedding = jax.random.normal(k1, (BATCH, SEQ, EMB_SIZE), dtype=jnp.float32)
    # learned position embedding table, as in nn.Embedding(maxlen, emb_size)
    pos_table = jax.random.normal(k2, (MAXLEN, EMB_SIZE), dtype=jnp.float32)
    return {"token_embedding": token_embedding, "pos_table": pos_table}

def reference(token_embedding, pos_table):
    # position_ids = arange(maxlen)[None, :seq_len]
    seq_len = token_embedding.shape[1]
    position_ids = jnp.arange(seq_len)
    pos_emb = jnp.take(pos_table, position_ids, axis=0)  # [S, E]
    out = token_embedding + pos_emb[None, :, :]
    # dropout p=0.0 -> identity
    return out

if __name__ == "__main__":
    import jax
    _d = setup_inputs()
    print(jax.jit(kernel)(*tuple(_d.values())))

</pallas_src>

<mosaic_0001>
#map = affine_map<(d0, d1) -> (0, 0, 0)>
#map1 = affine_map<(d0, d1) -> (0, 0)>
module attributes {stable_mosaic.version = 14 : i64} {
  func.func @_sc_body(%arg0: i32, %arg1: i32, %arg2: memref<4x4096x1024xf32, #tpu.memory_space<hbm>>, %arg3: memref<8192x1024xf32, #tpu.memory_space<hbm>>, %arg4: memref<4x4096x1024xf32, #tpu.memory_space<hbm>>, %arg5: memref<8x1024xf32, #tpu.memory_space<vmem>>, %arg6: memref<8x1024xf32, #tpu.memory_space<vmem>>, %arg7: memref<4x8x1024xf32, #tpu.memory_space<vmem>>, %arg8: memref<4x8x1024xf32, #tpu.memory_space<vmem>>, %arg9: memref<4x8x1024xf32, #tpu.memory_space<vmem>>, %arg10: memref<!tpu.dma_semaphore, #tpu.memory_space<semaphore_mem>>, %arg11: memref<!tpu.dma_semaphore, #tpu.memory_space<semaphore_mem>>, %arg12: memref<!tpu.dma_semaphore, #tpu.memory_space<semaphore_mem>>, %arg13: memref<!tpu.dma_semaphore, #tpu.memory_space<semaphore_mem>>) attributes {dimension_semantics = [#tpu.dimension_semantics<core_parallel>, #tpu.dimension_semantics<subcore_parallel>], iteration_bounds = array<i64: 2, 16>, scalar_prefetch = 0 : i64, scratch_operands = 9 : i64, tpu.core_type = #tpu.core_type<sc_vector_subcore>, window_params = [{transform_indices = #map}, {transform_indices = #map1}, {transform_indices = #map}]} {
    %mul3A = arith.constant 2 : i32
    %mul3A_0 = arith.muli %arg1, %mul3A : i32
    %add3A = arith.addi %mul3A_0, %arg0 : i32
    %mul3A_1 = arith.constant 128 : i32
    %mul3A_2 = arith.muli %add3A, %mul3A_1 : i32
    %add3A_3 = arith.constant 0 : i32
    %add3A_4 = arith.addi %mul3A_2, %add3A_3 : i32
    %dma_start3A = arith.constant 0 : i32
    %dma_start3A_5 = tpu.memref_slice %arg3[%add3A_4, %dma_start3A] : memref<8192x1024xf32, #tpu.memory_space<hbm>> -> memref<8x1024xf32, #tpu.memory_space<hbm>>
    %dma_start3A_6 = arith.constant 0 : i32
    %dma_start3A_7 = tpu.memref_slice %arg3[%add3A_4, %dma_start3A_6] : memref<8192x1024xf32, #tpu.memory_space<hbm>> -> memref<8x1024xf32, #tpu.memory_space<hbm>>
    tpu.enqueue_dma source(%dma_start3A_7 : memref<8x1024xf32, #tpu.memory_space<hbm>>) target(%arg5 : memref<8x1024xf32, #tpu.memory_space<vmem>>) target_semaphore(%arg10 : memref<!tpu.dma_semaphore, #tpu.memory_space<semaphore_mem>>)
    %dma_start3A_8 = arith.constant 0 : i32
    %dma_start3A_9 = arith.constant 0 : i32
    %dma_start3A_10 = tpu.memref_slice %arg2[%dma_start3A_8, %add3A_4, %dma_start3A_9] : memref<4x4096x1024xf32, #tpu.memory_space<hbm>> -> memref<4x8x1024xf32, #tpu.memory_space<hbm>>
    %dma_start3A_11 = arith.constant 0 : i32
    %dma_start3A_12 = arith.constant 0 : i32
    %dma_start3A_13 = tpu.memref_slice %arg2[%dma_start3A_11, %add3A_4, %dma_start3A_12] : memref<4x4096x1024xf32, #tpu.memory_space<hbm>> -> memref<4x8x1024xf32, #tpu.memory_space<hbm>>
    tpu.enqueue_dma source(%dma_start3A_13 : memref<4x8x1024xf32, #tpu.memory_space<hbm>>) target(%arg7 : memref<4x8x1024xf32, #tpu.memory_space<vmem>>) target_semaphore(%arg10 : memref<!tpu.dma_semaphore, #tpu.memory_space<semaphore_mem>>)
    %add3A_14 = arith.constant 8 : i32
    %add3A_15 = arith.addi %mul3A_2, %add3A_14 : i32
    %dma_start3A_16 = arith.constant 0 : i32
    %dma_start3A_17 = tpu.memref_slice %arg3[%add3A_15, %dma_start3A_16] : memref<8192x1024xf32, #tpu.memory_space<hbm>> -> memref<8x1024xf32, #tpu.memory_space<hbm>>
    %dma_start3A_18 = arith.constant 0 : i32
    %dma_start3A_19 = tpu.memref_slice %arg3[%add3A_15, %dma_start3A_18] : memref<8192x1024xf32, #tpu.memory_space<hbm>> -> memref<8x1024xf32, #tpu.memory_space<hbm>>
    tpu.enqueue_dma source(%dma_start3A_19 : memref<8x1024xf32, #tpu.memory_space<hbm>>) target(%arg6 : memref<8x1024xf32, #tpu.memory_space<vmem>>) target_semaphore(%arg11 : memref<!tpu.dma_semaphore, #tpu.memory_space<semaphore_mem>>)
    %dma_start3A_20 = arith.constant 0 : i32
    %dma_start3A_21 = arith.constant 0 : i32
    %dma_start3A_22 = tpu.memref_slice %arg2[%dma_start3A_20, %add3A_15, %dma_start3A_21] : memref<4x4096x1024xf32, #tpu.memory_space<hbm>> -> memref<4x8x1024xf32, #tpu.memory_space<hbm>>
    %dma_start3A_23 = arith.constant 0 : i32
    %dma_start3A_24 = arith.constant 0 : i32
    %dma_start3A_25 = tpu.memref_slice %arg2[%dma_start3A_23, %add3A_15, %dma_start3A_24] : memref<4x4096x1024xf32, #tpu.memory_space<hbm>> -> memref<4x8x1024xf32, #tpu.memory_space<hbm>>
    tpu.enqueue_dma source(%dma_start3A_25 : memref<4x8x1024xf32, #tpu.memory_space<hbm>>) target(%arg8 : memref<4x8x1024xf32, #tpu.memory_space<vmem>>) target_semaphore(%arg11 : memref<!tpu.dma_semaphore, #tpu.memory_space<semaphore_mem>>)
    %dma_wait3A = arith.constant 0 : i32
    %dma_wait3A_26 = tpu.memref_slice %arg3[%add3A_4, %dma_wait3A] : memref<8192x1024xf32, #tpu.memory_space<hbm>> -> memref<8x1024xf32, #tpu.memory_space<hbm>>
    %dma_wait3A_27 = arith.constant 0 : i32
    %dma_wait3A_28 = tpu.memref_slice %arg3[%add3A_4, %dma_wait3A_27] : memref<8192x1024xf32, #tpu.memory_space<hbm>> -> memref<8x1024xf32, #tpu.memory_space<hbm>>
    tpu.wait_dma2 semaphore(%arg10 : memref<!tpu.dma_semaphore, #tpu.memory_space<semaphore_mem>>) src(%dma_wait3A_28 : memref<8x1024xf32, #tpu.memory_space<hbm>>) dst(%arg5 : memref<8x1024xf32, #tpu.memory_space<vmem>>)
    %dma_wait3A_29 = arith.constant 0 : i32
    %dma_wait3A_30 = arith.constant 0 : i32
    %dma_wait3A_31 = tpu.memref_slice %arg2[%dma_wait3A_29, %add3A_4, %dma_wait3A_30] : memref<4x4096x1024xf32, #tpu.memory_space<hbm>> -> memref<4x8x1024xf32, #tpu.memory_space<hbm>>
    %dma_wait3A_32 = arith.constant 0 : i32
    %dma_wait3A_33 = arith.constant 0 : i32
    %dma_wait3A_34 = tpu.memref_slice %arg2[%dma_wait3A_32, %add3A_4, %dma_wait3A_33] : memref<4x4096x1024xf32, #tpu.memory_space<hbm>> -> memref<4x8x1024xf32, #tpu.memory_space<hbm>>
    tpu.wait_dma2 semaphore(%arg10 : memref<!tpu.dma_semaphore, #tpu.memory_space<semaphore_mem>>) src(%dma_wait3A_34 : memref<4x8x1024xf32, #tpu.memory_space<hbm>>) dst(%arg7 : memref<4x8x1024xf32, #tpu.memory_space<vmem>>)
    %parallel_loop3A = arith.constant 0 : i32
    %parallel_loop3A_35 = arith.constant 8 : i32
    %parallel_loop3A_36 = arith.constant 1 : i32
    scf.for %parallel_loop3A_624 = %parallel_loop3A to %parallel_loop3A_35 step %parallel_loop3A_36  : i32 {
      %parallel_loop3A_625 = arith.constant 0 : i32
      %parallel_loop3A_626 = arith.constant 1024 : i32
      %parallel_loop3A_627 = arith.constant 16 : i32
      scf.for %parallel_loop3A_628 = %parallel_loop3A_625 to %parallel_loop3A_626 step %parallel_loop3A_627  : i32 {
        %parallel_loop3A_629 = arith.index_cast %parallel_loop3A_624 : i32 to index
        %parallel_loop3A_630 = arith.index_cast %parallel_loop3A_628 : i32 to index
        %parallel_loop3A_631 = tpu.vector_load %arg5[%parallel_loop3A_629, %parallel_loop3A_630] {strides = array<i32>} : memref<8x1024xf32, #tpu.memory_space<vmem>>, vector<1x16xf32>,
        %parallel_loop3A_632 = vector.shape_cast %parallel_loop3A_631 : vector<1x16xf32> to vector<16xf32>
        %parallel_loop3A_633 = arith.constant 0 : i32
        %parallel_loop3A_634 = arith.index_cast %parallel_loop3A_633 : i32 to index
        %parallel_loop3A_635 = arith.index_cast %parallel_loop3A_624 : i32 to index
        %parallel_loop3A_636 = arith.index_cast %parallel_loop3A_628 : i32 to index
        %parallel_loop3A_637 = tpu.vector_load %arg7[%parallel_loop3A_634, %parallel_loop3A_635, %parallel_loop3A_636] {strides = array<i32>} : memref<4x8x1024xf32, #tpu.memory_space<vmem>>, vector<1x1x16xf32>,
        %parallel_loop3A_638 = vector.shape_cast %parallel_loop3A_637 : vector<1x1x16xf32> to vector<16xf32>
        %parallel_loop3A_639 = vector.shape_cast %parallel_loop3A_632 : vector<16xf32> to vector<1x1x16xf32>
        tpu.vector_store %arg7[%parallel_loop3A_634, %parallel_loop3A_635, %parallel_loop3A_636], %parallel_loop3A_639 {add = true, strides = array<i32>} : memref<4x8x1024xf32, #tpu.memory_space<vmem>>, vector<1x1x16xf32>,
        %parallel_loop3A_640 = arith.constant 1 : i32
        %parallel_loop3A_641 = arith.index_cast %parallel_loop3A_640 : i32 to index
        %parallel_loop3A_642 = arith.index_cast %parallel_loop3A_624 : i32 to index
        %parallel_loop3A_643 = arith.index_cast %parallel_loop3A_628 : i32 to index
        %parallel_loop3A_644 = tpu.vector_load %arg7[%parallel_loop3A_641, %parallel_loop3A_642, %parallel_loop3A_643] {strides = array<i32>} : memref<4x8x1024xf32, #tpu.memory_space<vmem>>, vector<1x1x16xf32>,
        %parallel_loop3A_645 = vector.shape_cast %parallel_loop3A_644 : vector<1x1x16xf32> to vector<16xf32>
        %parallel_loop3A_646 = vector.shape_cast %parallel_loop3A_632 : vector<16xf32> to vector<1x1x16xf32>
        tpu.vector_store %arg7[%parallel_loop3A_641, %parallel_loop3A_642, %parallel_loop3A_643], %parallel_loop3A_646 {add = true, strides = array<i32>} : memref<4x8x1024xf32, #tpu.memory_space<vmem>>, vector<1x1x16xf32>,
        %parallel_loop3A_647 = arith.constant 2 : i32
        %parallel_loop3A_648 = arith.index_cast %parallel_loop3A_647 : i32 to index
        %parallel_loop3A_649 = arith.index_cast %parallel_loop3A_624 : i32 to index
        %parallel_loop3A_650 = arith.index_cast %parallel_loop3A_628 : i32 to index
        %parallel_loop3A_651 = tpu.vector_load %arg7[%parallel_loop3A_648, %parallel_loop3A_649, %parallel_loop3A_650] {strides = array<i32>} : memref<4x8x1024xf32, #tpu.memory_space<vmem>>, vector<1x1x16xf32>,
        %parallel_loop3A_652 = vector.shape_cast %parallel_loop3A_651 : vector<1x1x16xf32> to vector<16xf32>
        %parallel_loop3A_653 = vector.shape_cast %parallel_loop3A_632 : vector<16xf32> to vector<1x1x16xf32>
        tpu.vector_store %arg7[%parallel_loop3A_648, %parallel_loop3A_649, %parallel_loop3A_650], %parallel_loop3A_653 {add = true, strides = array<i32>} : memref<4x8x1024xf32, #tpu.memory_space<vmem>>, vector<1x1x16xf32>,
        %parallel_loop3A_654 = arith.constant 3 : i32
        %parallel_loop3A_655 = arith.index_cast %parallel_loop3A_654 : i32 to index
        %parallel_loop3A_656 = arith.index_cast %parallel_loop3A_624 : i32 to index
        %parallel_loop3A_657 = arith.index_cast %parallel_loop3A_628 : i32 to index
        %parallel_loop3A_658 = tpu.vector_load %arg7[%parallel_loop3A_655, %parallel_loop3A_656, %parallel_loop3A_657] {strides = array<i32>} : memref<4x8x1024xf32, #tpu.memory_space<vmem>>, vector<1x1x16xf32>,
        %parallel_loop3A_659 = vector.shape_cast %parallel_loop3A_658 : vector<1x1x16xf32> to vector<16xf32>
        %parallel_loop3A_660 = vector.shape_cast %parallel_loop3A_632 : vector<16xf32> to vector<1x1x16xf32>
        tpu.vector_store %arg7[%parallel_loop3A_655, %parallel_loop3A_656, %parallel_loop3A_657], %parallel_loop3A_660 {add = true, strides = array<i32>} : memref<4x8x1024xf32, #tpu.memory_space<vmem>>, vector<1x1x16xf32>,
      } {sc.loop_unroll_factor = 2 : i64, sc.parallel_access}
    } {sc.loop_unroll_factor = 1 : i64, sc.parallel_access}
    %add3A_37 = arith.constant 0 : i32
    %add3A_38 = arith.addi %mul3A_2, %add3A_37 : i32
    %dma_start3A_39 = arith.constant 0 : i32
    %dma_start3A_40 = arith.constant 0 : i32
    %dma_start3A_41 = tpu.memref_slice %arg4[%dma_start3A_39, %add3A_38, %dma_start3A_40] : memref<4x4096x1024xf32, #tpu.memory_space<hbm>> -> memref<4x8x1024xf32, #tpu.memory_space<hbm>>
    %dma_start3A_42 = arith.constant 0 : i32
    %dma_start3A_43 = arith.constant 0 : i32
    %dma_start3A_44 = tpu.memref_slice %arg4[%dma_start3A_42, %add3A_38, %dma_start3A_43] : memref<4x4096x1024xf32, #tpu.memory_space<hbm>> -> memref<4x8x1024xf32, #tpu.memory_space<hbm>>
    tpu.enqueue_dma source(%arg7 : memref<4x8x1024xf32, #tpu.memory_space<vmem>>) target(%dma_start3A_44 : memref<4x8x1024xf32, #tpu.memory_space<hbm>>) target_semaphore(%arg12 : memref<!tpu.dma_semaphore, #tpu.memory_space<semaphore_mem>>)
    %add3A_45 = arith.constant 16 : i32
    %add3A_46 = arith.addi %mul3A_2, %add3A_45 : i32
    %dma_start3A_47 = arith.constant 0 : i32
    %dma_start3A_48 = tpu.memref_slice %arg3[%add3A_46, %dma_start3A_47] : memref<8192x1024xf32, #tpu.memory_space<hbm>> -> memref<8x1024xf32, #tpu.memory_space<hbm>>
    %dma_start3A_49 = arith.constant 0 : i32
    %dma_start3A_50 = tpu.memref_slice %arg3[%add3A_46, %dma_start3A_49] : memref<8192x1024xf32, #tpu.memory_space<hbm>> -> memref<8x1024xf32, #tpu.memory_space<hbm>>
    tpu.enqueue_dma source(%dma_start3A_50 : memref<8x1024xf32, #tpu.memory_space<hbm>>) target(%arg5 : memref<8x1024xf32, #tpu.memory_space<vmem>>) target_semaphore(%arg10 : memref<!tpu.dma_semaphore, #tpu.memory_space<semaphore_mem>>)
    %dma_start3A_51 = arith.constant 0 : i32
    %dma_start3A_52 = arith.constant 0 : i32
    %dma_start3A_53 = tpu.memref_slice %arg2[%dma_start3A_51, %add3A_46, %dma_start3A_52] : memref<4x4096x1024xf32, #tpu.memory_space<hbm>> -> memref<4x8x1024xf32, #tpu.memory_space<hbm>>
    %dma_start3A_54 = arith.constant 0 : i32
    %dma_start3A_55 = arith.constant 0 : i32
    %dma_start3A_56 = tpu.memref_slice %arg2[%dma_start3A_54, %add3A_46, %dma_start3A_55] : memref<4x4096x1024xf32, #tpu.memory_space<hbm>> -> memref<4x8x1024xf32, #tpu.memory_space<hbm>>
    tpu.enqueue_dma source(%dma_start3A_56 : memref<4x8x1024xf32, #tpu.memory_space<hbm>>) target(%arg9 : memref<4x8x1024xf32, #tpu.memory_space<vmem>>) target_semaphore(%arg10 : memref<!tpu.dma_semaphore, #tpu.memory_space<semaphore_mem>>)
    %dma_wait3A_57 = arith.constant 0 : i32
    %dma_wait3A_58 = tpu.memref_slice %arg3[%add3A_15, %dma_wait3A_57] : memref<8192x1024xf32, #tpu.memory_space<hbm>> -> memref<8x1024xf32, #tpu.memory_space<hbm>>
    %dma_wait3A_59 = arith.constant 0 : i32
    %dma_wait3A_60 = tpu.memref_slice %arg3[%add3A_15, %dma_wait3A_59] : memref<8192x1024xf32, #tpu.memory_space<hbm>> -> memref<8x1024xf32, #tpu.memory_space<hbm>>
    tpu.wait_dma2 semaphore(%arg11 : memref<!tpu.dma_semaphore, #tpu.memory_space<semaphore_mem>>) src(%dma_wait3A_60 : memref<8x1024xf32, #tpu.memory_space<hbm>>) dst(%arg6 : memref<8x1024xf32, #tpu.memory_space<vmem>>)
    %dma_wait3A_61 = arith.constant 0 : i32
    %dma_wait3A_62 = arith.constant 0 : i32
    %dma_wait3A_63 = tpu.memref_slice %arg2[%dma_wait3A_61, %add3A_15, %dma_wait3A_62] : memref<4x4096x1024xf32, #tpu.memory_space<hbm>> -> memref<4x8x1024xf32, #tpu.memory_space<hbm>>
    %dma_wait3A_64 = arith.constant 0 : i32
    %dma_wait3A_65 = arith.constant 0 : i32
    %dma_wait3A_66 = tpu.memref_slice %arg2[%dma_wait3A_64, %add3A_15, %dma_wait3A_65] : memref<4x4096x1024xf32, #tpu.memory_space<hbm>> -> memref<4x8x1024xf32, #tpu.memory_space<hbm>>
    tpu.wait_dma2 semaphore(%arg11 : memref<!tpu.dma_semaphore, #tpu.memory_space<semaphore_mem>>) src(%dma_wait3A_66 : memref<4x8x1024xf32, #tpu.memory_space<hbm>>) dst(%arg8 : memref<4x8x1024xf32, #tpu.memory_space<vmem>>)
    %parallel_loop3A_67 = arith.constant 0 : i32
    %parallel_loop3A_68 = arith.constant 8 : i32
    %parallel_loop3A_69 = arith.constant 1 : i32
    scf.for %parallel_loop3A_624 = %parallel_loop3A_67 to %parallel_loop3A_68 step %parallel_loop3A_69  : i32 {
      %parallel_loop3A_625 = arith.constant 0 : i32
      %parallel_loop3A_626 = arith.constant 1024 : i32
      %parallel_loop3A_627 = arith.constant 16 : i32
      scf.for %parallel_loop3A_628 = %parallel_loop3A_625 to %parallel_loop3A_626 step %parallel_loop3A_627  : i32 {
        %parallel_loop3A_629 = arith.index_cast %parallel_loop3A_624 : i32 to index
        %parallel_loop3A_630 = arith.index_cast %parallel_loop3A_628 : i32 to index
        %parallel_loop3A_631 = tpu.vector_load %arg6[%parallel_loop3A_629, %parallel_loop3A_630] {strides = array<i32>} : memref<8x1024xf32, #tpu.memory_space<vmem>>, vector<1x16xf32>,
        %parallel_loop3A_632 = vector.shape_cast %parallel_loop3A_631 : vector<1x16xf32> to vector<16xf32>
        %parallel_loop3A_633 = arith.constant 0 : i32
        %parallel_loop3A_634 = arith.index_cast %parallel_loop3A_633 : i32 to index
        %parallel_loop3A_635 = arith.index_cast %parallel_loop3A_624 : i32 to index
        %parallel_loop3A_636 = arith.index_cast %parallel_loop3A_628 : i32 to index
        %parallel_loop3A_637 = tpu.vector_load %arg8[%parallel_loop3A_634, %parallel_loop3A_635, %parallel_loop3A_636] {strides = array<i32>} : memref<4x8x1024xf32, #tpu.memory_space<vmem>>, vector<1x1x16xf32>,
        %parallel_loop3A_638 = vector.shape_cast %parallel_loop3A_637 : vector<1x1x16xf32> to vector<16xf32>
        %parallel_loop3A_639 = vector.shape_cast %parallel_loop3A_632 : vector<16xf32> to vector<1x1x16xf32>
        tpu.vector_store %arg8[%parallel_loop3A_634, %parallel_loop3A_635, %parallel_loop3A_636], %parallel_loop3A_639 {add = true, strides = array<i32>} : memref<4x8x1024xf32, #tpu.memory_space<vmem>>, vector<1x1x16xf32>,
        %parallel_loop3A_640 = arith.constant 1 : i32
        %parallel_loop3A_641 = arith.index_cast %parallel_loop3A_640 : i32 to index
        %parallel_loop3A_642 = arith.index_cast %parallel_loop3A_624 : i32 to index
        %parallel_loop3A_643 = arith.index_cast %parallel_loop3A_628 : i32 to index
        %parallel_loop3A_644 = tpu.vector_load %arg8[%parallel_loop3A_641, %parallel_loop3A_642, %parallel_loop3A_643] {strides = array<i32>} : memref<4x8x1024xf32, #tpu.memory_space<vmem>>, vector<1x1x16xf32>,
        %parallel_loop3A_645 = vector.shape_cast %parallel_loop3A_644 : vector<1x1x16xf32> to vector<16xf32>
        %parallel_loop3A_646 = vector.shape_cast %parallel_loop3A_632 : vector<16xf32> to vector<1x1x16xf32>
        tpu.vector_store %arg8[%parallel_loop3A_641, %parallel_loop3A_642, %parallel_loop3A_643], %parallel_loop3A_646 {add = true, strides = array<i32>} : memref<4x8x1024xf32, #tpu.memory_space<vmem>>, vector<1x1x16xf32>,
        %parallel_loop3A_647 = arith.constant 2 : i32
        %parallel_loop3A_648 = arith.index_cast %parallel_loop3A_647 : i32 to index
        %parallel_loop3A_649 = arith.index_cast %parallel_loop3A_624 : i32 to index
        %parallel_loop3A_650 = arith.index_cast %parallel_loop3A_628 : i32 to index
        %parallel_loop3A_651 = tpu.vector_load %arg8[%parallel_loop3A_648, %parallel_loop3A_649, %parallel_loop3A_650] {strides = array<i32>} : memref<4x8x1024xf32, #tpu.memory_space<vmem>>, vector<1x1x16xf32>,
        %parallel_loop3A_652 = vector.shape_cast %parallel_loop3A_651 : vector<1x1x16xf32> to vector<16xf32>
        %parallel_loop3A_653 = vector.shape_cast %parallel_loop3A_632 : vector<16xf32> to vector<1x1x16xf32>
        tpu.vector_store %arg8[%parallel_loop3A_648, %parallel_loop3A_649, %parallel_loop3A_650], %parallel_loop3A_653 {add = true, strides = array<i32>} : memref<4x8x1024xf32, #tpu.memory_space<vmem>>, vector<1x1x16xf32>,
        %parallel_loop3A_654 = arith.constant 3 : i32
        %parallel_loop3A_655 = arith.index_cast %parallel_loop3A_654 : i32 to index
        %parallel_loop3A_656 = arith.index_cast %parallel_loop3A_624 : i32 to index
        %parallel_loop3A_657 = arith.index_cast %parallel_loop3A_628 : i32 to index
        %parallel_loop3A_658 = tpu.vector_load %arg8[%parallel_loop3A_655, %parallel_loop3A_656, %parallel_loop3A_657] {strides = array<i32>} : memref<4x8x1024xf32, #tpu.memory_space<vmem>>, vector<1x1x16xf32>,
        %parallel_loop3A_659 = vector.shape_cast %parallel_loop3A_658 : vector<1x1x16xf32> to vector<16xf32>
        %parallel_loop3A_660 = vector.shape_cast %parallel_loop3A_632 : vector<16xf32> to vector<1x1x16xf32>
        tpu.vector_store %arg8[%parallel_loop3A_655, %parallel_loop3A_656, %parallel_loop3A_657], %parallel_loop3A_660 {add = true, strides = array<i32>} : memref<4x8x1024xf32, #tpu.memory_space<vmem>>, vector<1x1x16xf32>,
      } {sc.loop_unroll_factor = 2 : i64, sc.parallel_access}
    } {sc.loop_unroll_factor = 1 : i64, sc.parallel_access}
    %add3A_70 = arith.constant 8 : i32
    %add3A_71 = arith.addi %mul3A_2, %add3A_70 : i32
    %dma_start3A_72 = arith.constant 0 : i32
    %dma_start3A_73 = arith.constant 0 : i32
    %dma_start3A_74 = tpu.memref_slice %arg4[%dma_start3A_72, %add3A_71, %dma_start3A_73] : memref<4x4096x1024xf32, #tpu.memory_space<hbm>> -> memref<4x8x1024xf32, #tpu.memory_space<hbm>>
    %dma_start3A_75 = arith.constant 0 : i32
    %dma_start3A_76 = arith.constant 0 : i32
    %dma_start3A_77 = tpu.memref_slice %arg4[%dma_start3A_75, %add3A_71, %dma_start3A_76] : memref<4x4096x1024xf32, #tpu.memory_space<hbm>> -> memref<4x8x1024xf32, #tpu.memory_space<hbm>>
    tpu.enqueue_dma source(%arg8 : memref<4x8x1024xf32, #tpu.memory_space<vmem>>) target(%dma_start3A_77 : memref<4x8x1024xf32, #tpu.memory_space<hbm>>) target_semaphore(%arg13 : memref<!tpu.dma_semaphore, #tpu.memory_space<semaphore_mem>>)
    %dma_wait3A_78 = arith.constant 0 : i32
    %dma_wait3A_79 = arith.constant 0 : i32
    %dma_wait3A_80 = tpu.memref_slice %arg4[%dma_wait3A_78, %add3A_38, %dma_wait3A_79] : memref<4x4096x1024xf32, #tpu.memory_space<hbm>> -> memref<4x8x1024xf32, #tpu.memory_space<hbm>>
    %dma_wait3A_81 = arith.constant 0 : i32
    %dma_wait3A_82 = arith.constant 0 : i32
    %dma_wait3A_83 = tpu.memref_slice %arg4[%dma_wait3A_81, %add3A_38, %dma_wait3A_82] : memref<4x4096x1024xf32, #tpu.memory_space<hbm>> -> memref<4x8x1024xf32, #tpu.memory_space<hbm>>
    tpu.wait_dma2 semaphore(%arg12 : memref<!tpu.dma_semaphore, #tpu.memory_space<semaphore_mem>>) src(%arg7 : memref<4x8x1024xf32, #tpu.memory_space<vmem>>) dst(%dma_wait3A_83 : memref<4x8x1024xf32, #tpu.memory_space<hbm>>)
    %add3A_84 = arith.constant 24 : i32
    %add3A_85 = arith.addi %mul3A_2, %add3A_84 : i32
    %dma_start3A_86 = arith.constant 0 : i32
    %dma_start3A_87 = tpu.memref_slice %arg3[%add3A_85, %dma_start3A_86] : memref<8192x1024xf32, #tpu.memory_space<hbm>> -> memref<8x1024xf32, #tpu.memory_space<hbm>>
    %dma_start3A_88 = arith.constant 0 : i32
    %dma_start3A_89 = tpu.memref_slice %arg3[%add3A_85, %dma_start3A_88] : memref<8192x1024xf32, #tpu.memory_space<hbm>> -> memref<8x1024xf32, #tpu.memory_space<hbm>>
    tpu.enqueue_dma source(%dma_start3A_89 : memref<8x1024xf32, #tpu.memory_space<hbm>>) target(%arg6 : memref<8x1024xf32, #tpu.memory_space<vmem>>) target_semaphore(%arg11 : memref<!tpu.dma_semaphore, #tpu.memory_space<semaphore_mem>>)
    %dma_start3A_90 = arith.constant 0 : i32
    %dma_start3A_91 = arith.constant 0 : i32
    %dma_start3A_92 = tpu.memref_slice %arg2[%dma_start3A_90, %add3A_85, %dma_start3A_91] : memref<4x4096x1024xf32, #tpu.memory_space<hbm>> -> memref<4x8x1024xf32, #tpu.memory_space<hbm>>
    %dma_start3A_93 = arith.constant 0 : i32
    %dma_start3A_94 = arith.constant 0 : i32
    %dma_start3A_95 = tpu.memref_slice %arg2[%dma_start3A_93, %add3A_85, %dma_start3A_94] : memref<4x4096x1024xf32, #tpu.memory_space<hbm>> -> memref<4x8x1024xf32, #tpu.memory_space<hbm>>
    tpu.enqueue_dma source(%dma_start3A_95 : memref<4x8x1024xf32, #tpu.memory_space<hbm>>) target(%arg7 : memref<4x8x1024xf32, #tpu.memory_space<vmem>>) target_semaphore(%arg11 : memref<!tpu.dma_semaphore, #tpu.memory_space<semaphore_mem>>)
    %dma_wait3A_96 = arith.constant 0 : i32
    %dma_wait3A_97 = tpu.memref_slice %arg3[%add3A_46, %dma_wait3A_96] : memref<8192x1024xf32, #tpu.memory_space<hbm>> -> memref<8x1024xf32, #tpu.memory_space<hbm>>
    %dma_wait3A_98 = arith.constant 0 : i32
    %dma_wait3A_99 = tpu.memref_slice %arg3[%add3A_46, %dma_wait3A_98] : memref<8192x1024xf32, #tpu.memory_space<hbm>> -> memref<8x1024xf32, #tpu.memory_space<hbm>>
    tpu.wait_dma2 semaphore(%arg10 : memref<!tpu.dma_semaphore, #tpu.memory_space<semaphore_mem>>) src(%dma_wait3A_99 : memref<8x1024xf32, #tpu.memory_space<hbm>>) dst(%arg5 : memref<8x1024xf32, #tpu.memory_space<vmem>>)
    %dma_wait3A_100 = arith.constant 0 : i32
    %dma_wait3A_101 = arith.constant 0 : i32
    %dma_wait3A_102 = tpu.memref_slice %arg2[%dma_wait3A_100, %add3A_46, %dma_wait3A_101] : memref<4x4096x1024xf32, #tpu.memory_space<hbm>> -> memref<4x8x1024xf32, #tpu.memory_space<hbm>>
    %dma_wait3A_103 = arith.constant 0 : i32
    %dma_wait3A_104 = arith.constant 0 : i32
    %dma_wait3A_105 = tpu.memref_slice %arg2[%dma_wait3A_103, %add3A_46, %dma_wait3A_104] : memref<4x4096x1024xf32, #tpu.memory_space<hbm>> -> memref<4x8x1024xf32, #tpu.memory_space<hbm>>
    tpu.wait_dma2 semaphore(%arg10 : memref<!tpu.dma_semaphore, #tpu.memory_space<semaphore_mem>>) src(%dma_wait3A_105 : memref<4x8x1024xf32, #tpu.memory_space<hbm>>) dst(%arg9 : memref<4x8x1024xf32, #tpu.memory_space<vmem>>)
    %parallel_loop3A_106 = arith.constant 0 : i32
    %parallel_loop3A_107 = arith.constant 8 : i32
    %parallel_loop3A_108 = arith.constant 1 : i32
    scf.for %parallel_loop3A_624 = %parallel_loop3A_106 to %parallel_loop3A_107 step %parallel_loop3A_108  : i32 {
      %parallel_loop3A_625 = arith.constant 0 : i32
      %parallel_loop3A_626 = arith.constant 1024 : i32
      %parallel_loop3A_627 = arith.constant 16 : i32
      scf.for %parallel_loop3A_628 = %parallel_loop3A_625 to %parallel_loop3A_626 step %parallel_loop3A_627  : i32 {
        %parallel_loop3A_629 = arith.index_cast %parallel_loop3A_624 : i32 to index
        %parallel_loop3A_630 = arith.index_cast %parallel_loop3A_628 : i32 to index
        %parallel_loop3A_631 = tpu.vector_load %arg5[%parallel_loop3A_629, %parallel_loop3A_630] {strides = array<i32>} : memref<8x1024xf32, #tpu.memory_space<vmem>>, vector<1x16xf32>,
        %parallel_loop3A_632 = vector.shape_cast %parallel_loop3A_631 : vector<1x16xf32> to vector<16xf32>
        %parallel_loop3A_633 = arith.constant 0 : i32
        %parallel_loop3A_634 = arith.index_cast %parallel_loop3A_633 : i32 to index
        %parallel_loop3A_635 = arith.index_cast %parallel_loop3A_624 : i32 to index
        %parallel_loop3A_636 = arith.index_cast %parallel_loop3A_628 : i32 to index
        %parallel_loop3A_637 = tpu.vector_load %arg9[%parallel_loop3A_634, %parallel_loop3A_635, %parallel_loop3A_636] {strides = array<i32>} : memref<4x8x1024xf32, #tpu.memory_space<vmem>>, vector<1x1x16xf32>,
        %parallel_loop3A_638 = vector.shape_cast %parallel_loop3A_637 : vector<1x1x16xf32> to vector<16xf32>
        %parallel_loop3A_639 = vector.shape_cast %parallel_loop3A_632 : vector<16xf32> to vector<1x1x16xf32>
        tpu.vector_store %arg9[%parallel_loop3A_634, %parallel_loop3A_635, %parallel_loop3A_636], %parallel_loop3A_639 {add = true, strides = array<i32>} : memref<4x8x1024xf32, #tpu.memory_space<vmem>>, vector<1x1x16xf32>,
        %parallel_loop3A_640 = arith.constant 1 : i32
        %parallel_loop3A_641 = arith.index_cast %parallel_loop3A_640 : i32 to index
        %parallel_loop3A_642 = arith.index_cast %parallel_loop3A_624 : i32 to index
        %parallel_loop3A_643 = arith.index_cast %parallel_loop3A_628 : i32 to index
        %parallel_loop3A_644 = tpu.vector_load %arg9[%parallel_loop3A_641, %parallel_loop3A_642, %parallel_loop3A_643] {strides = array<i32>} : memref<4x8x1024xf32, #tpu.memory_space<vmem>>, vector<1x1x16xf32>,
        %parallel_loop3A_645 = vector.shape_cast %parallel_loop3A_644 : vector<1x1x16xf32> to vector<16xf32>
        %parallel_loop3A_646 = vector.shape_cast %parallel_loop3A_632 : vector<16xf32> to vector<1x1x16xf32>
        tpu.vector_store %arg9[%parallel_loop3A_641, %parallel_loop3A_642, %parallel_loop3A_643], %parallel_loop3A_646 {add = true, strides = array<i32>} : memref<4x8x1024xf32, #tpu.memory_space<vmem>>, vector<1x1x16xf32>,
        %parallel_loop3A_647 = arith.constant 2 : i32
        %parallel_loop3A_648 = arith.index_cast %parallel_loop3A_647 : i32 to index
        %parallel_loop3A_649 = arith.index_cast %parallel_loop3A_624 : i32 to index
        %parallel_loop3A_650 = arith.index_cast %parallel_loop3A_628 : i32 to index
        %parallel_loop3A_651 = tpu.vector_load %arg9[%parallel_loop3A_648, %parallel_loop3A_649, %parallel_loop3A_650] {strides = array<i32>} : memref<4x8x1024xf32, #tpu.memory_space<vmem>>, vector<1x1x16xf32>,
        %parallel_loop3A_652 = vector.shape_cast %parallel_loop3A_651 : vector<1x1x16xf32> to vector<16xf32>
        %parallel_loop3A_653 = vector.shape_cast %parallel_loop3A_632 : vector<16xf32> to vector<1x1x16xf32>
        tpu.vector_store %arg9[%parallel_loop3A_648, %parallel_loop3A_649, %parallel_loop3A_650], %parallel_loop3A_653 {add = true, strides = array<i32>} : memref<4x8x1024xf32, #tpu.memory_space<vmem>>, vector<1x1x16xf32>,
        %parallel_loop3A_654 = arith.constant 3 : i32
        %parallel_loop3A_655 = arith.index_cast %parallel_loop3A_654 : i32 to index
        %parallel_loop3A_656 = arith.index_cast %parallel_loop3A_624 : i32 to index
        %parallel_loop3A_657 = arith.index_cast %parallel_loop3A_628 : i32 to index
        %parallel_loop3A_658 = tpu.vector_load %arg9[%parallel_loop3A_655, %parallel_loop3A_656, %parallel_loop3A_657] {strides = array<i32>} : memref<4x8x1024xf32, #tpu.memory_space<vmem>>, vector<1x1x16xf32>,
        %parallel_loop3A_659 = vector.shape_cast %parallel_loop3A_658 : vector<1x1x16xf32> to vector<16xf32>
        %parallel_loop3A_660 = vector.shape_cast %parallel_loop3A_632 : vector<16xf32> to vector<1x1x16xf32>
        tpu.vector_store %arg9[%parallel_loop3A_655, %parallel_loop3A_656, %parallel_loop3A_657], %parallel_loop3A_660 {add = true, strides = array<i32>} : memref<4x8x1024xf32, #tpu.memory_space<vmem>>, vector<1x1x16xf32>,
      } {sc.loop_unroll_factor = 2 : i64, sc.parallel_access}
    } {sc.loop_unroll_factor = 1 : i64, sc.parallel_access}
    %add3A_109 = arith.constant 16 : i32
    %add3A_110 = arith.addi %mul3A_2, %add3A_109 : i32
    %dma_start3A_111 = arith.constant 0 : i32
    %dma_start3A_112 = arith.constant 0 : i32
    %dma_start3A_113 = tpu.memref_slice %arg4[%dma_start3A_111, %add3A_110, %dma_start3A_112] : memref<4x4096x1024xf32, #tpu.memory_space<hbm>> -> memref<4x8x1024xf32, #tpu.memory_space<hbm>>
    %dma_start3A_114 = arith.constant 0 : i32
    %dma_start3A_115 = arith.constant 0 : i32
    %dma_start3A_116 = tpu.memref_slice %arg4[%dma_start3A_114, %add3A_110, %dma_start3A_115] : memref<4x4096x1024xf32, #tpu.memory_space<hbm>> -> memref<4x8x1024xf32, #tpu.memory_space<hbm>>
    tpu.enqueue_dma source(%arg9 : memref<4x8x1024xf32, #tpu.memory_space<vmem>>) target(%dma_start3A_116 : memref<4x8x1024xf32, #tpu.memory_space<hbm>>) target_semaphore(%arg12 : memref<!tpu.dma_semaphore, #tpu.memory_space<semaphore_mem>>)
    %dma_wait3A_117 = arith.constant 0 : i32
    %dma_wait3A_118 = arith.constant 0 : i32
    %dma_wait3A_119 = tpu.memref_slice %arg4[%dma_wait3A_117, %add3A_71, %dma_wait3A_118] : memref<4x4096x1024xf32, #tpu.memory_space<hbm>> -> memref<4x8x1024xf32, #tpu.memory_space<hbm>>
    %dma_wait3A_120 = arith.constant 0 : i32
    %dma_wait3A_121 = arith.constant 0 : i32
    %dma_wait3A_122 = tpu.memref_slice %arg4[%dma_wait3A_120, %add3A_71, %dma_wait3A_121] : memref<4x4096x1024xf32, #tpu.memory_space<hbm>> -> memref<4x8x1024xf32, #tpu.memory_space<hbm>>
    tpu.wait_dma2 semaphore(%arg13 : memref<!tpu.dma_semaphore, #tpu.memory_space<semaphore_mem>>) src(%arg8 : memref<4x8x1024xf32, #tpu.memory_space<vmem>>) dst(%dma_wait3A_122 : memref<4x8x1024xf32, #tpu.memory_space<hbm>>)
    %add3A_123 = arith.constant 32 : i32
    %add3A_124 = arith.addi %mul3A_2, %add3A_123 : i32
    %dma_start3A_125 = arith.constant 0 : i32
    %dma_start3A_126 = tpu.memref_slice %arg3[%add3A_124, %dma_start3A_125] : memref<8192x1024xf32, #tpu.memory_space<hbm>> -> memref<8x1024xf32, #tpu.memory_space<hbm>>
    %dma_start3A_127 = arith.constant 0 : i32
    %dma_start3A_128 = tpu.memref_slice %arg3[%add3A_124, %dma_start3A_127] : memref<8192x1024xf32, #tpu.memory_space<hbm>> -> memref<8x1024xf32, #tpu.memory_space<hbm>>
    tpu.enqueue_dma source(%dma_start3A_128 : memref<8x1024xf32, #tpu.memory_space<hbm>>) target(%arg5 : memref<8x1024xf32, #tpu.memory_space<vmem>>) target_semaphore(%arg10 : memref<!tpu.dma_semaphore, #tpu.memory_space<semaphore_mem>>)
    %dma_start3A_129 = arith.constant 0 : i32
    %dma_start3A_130 = arith.constant 0 : i32
    %dma_start3A_131 = tpu.memref_slice %arg2[%dma_start3A_129, %add3A_124, %dma_start3A_130] : memref<4x4096x1024xf32, #tpu.memory_space<hbm>> -> memref<4x8x1024xf32, #tpu.memory_space<hbm>>
    %dma_start3A_132 = arith.constant 0 : i32
    %dma_start3A_133 = arith.constant 0 : i32
    %dma_start3A_134 = tpu.memref_slice %arg2[%dma_start3A_132, %add3A_124, %dma_start3A_133] : memref<4x4096x1024xf32, #tpu.memory_space<hbm>> -> memref<4x8x1024xf32, #tpu.memory_space<hbm>>
    tpu.enqueue_dma source(%dma_start3A_134 : memref<4x8x1024xf32, #tpu.memory_space<hbm>>) target(%arg8 : memref<4x8x1024xf32, #tpu.memory_space<vmem>>) target_semaphore(%arg10 : memref<!tpu.dma_semaphore, #tpu.memory_space<semaphore_mem>>)
    %dma_wait3A_135 = arith.constant 0 : i32
    %dma_wait3A_136 = tpu.memref_slice %arg3[%add3A_85, %dma_wait3A_135] : memref<8192x1024xf32, #tpu.memory_space<hbm>> -> memref<8x1024xf32, #tpu.memory_space<hbm>>
    %dma_wait3A_137 = arith.constant 0 : i32
    %dma_wait3A_138 = tpu.memref_slice %arg3[%add3A_85, %dma_wait3A_137] : memref<8192x1024xf32, #tpu.memory_space<hbm>> -> memref<8x1024xf32, #tpu.memory_space<hbm>>
    tpu.wait_dma2 semaphore(%arg11 : memref<!tpu.dma_semaphore, #tpu.memory_space<semaphore_mem>>) src(%dma_wait3A_138 : memref<8x1024xf32, #tpu.memory_space<hbm>>) dst(%arg6 : memref<8x1024xf32, #tpu.memory_space<vmem>>)
    %dma_wait3A_139 = arith.constant 0 : i32
    %dma_wait3A_140 = arith.constant 0 : i32
    %dma_wait3A_141 = tpu.memref_slice %arg2[%dma_wait3A_139, %add3A_85, %dma_wait3A_140] : memref<4x4096x1024xf32, #tpu.memory_space<hbm>> -> memref<4x8x1024xf32, #tpu.memory_space<hbm>>
    %dma_wait3A_142 = arith.constant 0 : i32
    %dma_wait3A_143 = arith.constant 0 : i32
    %dma_wait3A_144 = tpu.memref_slice %arg2[%dma_wait3A_142, %add3A_85, %dma_wait3A_143] : memref<4x4096x1024xf32, #tpu.memory_space<hbm>> -> memref<4x8x1024xf32, #tpu.memory_space<hbm>>
    tpu.wait_dma2 semaphore(%arg11 : memref<!tpu.dma_semaphore, #tpu.memory_space<semaphore_mem>>) src(%dma_wait3A_144 : memref<4x8x1024xf32, #tpu.memory_space<hbm>>) dst(%arg7 : memref<4x8x1024xf32, #tpu.memory_space<vmem>>)
    %parallel_loop3A_145 = arith.constant 0 : i32
    %parallel_loop3A_146 = arith.constant 8 : i32
    %parallel_loop3A_147 = arith.constant 1 : i32
    scf.for %parallel_loop3A_624 = %parallel_loop3A_145 to %parallel_loop3A_146 step %parallel_loop3A_147  : i32 {
      %parallel_loop3A_625 = arith.constant 0 : i32
      %parallel_loop3A_626 = arith.constant 1024 : i32
      %parallel_loop3A_627 = arith.constant 16 : i32
      scf.for %parallel_loop3A_628 = %parallel_loop3A_625 to %parallel_loop3A_626 step %parallel_loop3A_627  : i32 {
        %parallel_loop3A_629 = arith.index_cast %parallel_loop3A_624 : i32 to index
        %parallel_loop3A_630 = arith.index_cast %parallel_loop3A_628 : i32 to index
        %parallel_loop3A_631 = tpu.vector_load %arg6[%parallel_loop3A_629, %parallel_loop3A_630] {strides = array<i32>} : memref<8x1024xf32, #tpu.memory_space<vmem>>, vector<1x16xf32>,
        %parallel_loop3A_632 = vector.shape_cast %parallel_loop3A_631 : vector<1x16xf32> to vector<16xf32>
        %parallel_loop3A_633 = arith.constant 0 : i32
        %parallel_loop3A_634 = arith.index_cast %parallel_loop3A_633 : i32 to index
        %parallel_loop3A_635 = arith.index_cast %parallel_loop3A_624 : i32 to index
        %parallel_loop3A_636 = arith.index_cast %parallel_loop3A_628 : i32 to index
        %parallel_loop3A_637 = tpu.vector_load %arg7[%parallel_loop3A_634, %parallel_loop3A_635, %parallel_loop3A_636] {strides = array<i32>} : memref<4x8x1024xf32, #tpu.memory_space<vmem>>, vector<1x1x16xf32>,
        %parallel_loop3A_638 = vector.shape_cast %parallel_loop3A_637 : vector<1x1x16xf32> to vector<16xf32>
        %parallel_loop3A_639 = vector.shape_cast %parallel_loop3A_632 : vector<16xf32> to vector<1x1x16xf32>
        tpu.vector_store %arg7[%parallel_loop3A_634, %parallel_loop3A_635, %parallel_loop3A_636], %parallel_loop3A_639 {add = true, strides = array<i32>} : memref<4x8x1024xf32, #tpu.memory_space<vmem>>, vector<1x1x16xf32>,
        %parallel_loop3A_640 = arith.constant 1 : i32
        %parallel_loop3A_641 = arith.index_cast %parallel_loop3A_640 : i32 to index
        %parallel_loop3A_642 = arith.index_cast %parallel_loop3A_624 : i32 to index
        %parallel_loop3A_643 = arith.index_cast %parallel_loop3A_628 : i32 to index
        %parallel_loop3A_644 = tpu.vector_load %arg7[%parallel_loop3A_641, %parallel_loop3A_642, %parallel_loop3A_643] {strides = array<i32>} : memref<4x8x1024xf32, #tpu.memory_space<vmem>>, vector<1x1x16xf32>,
        %parallel_loop3A_645 = vector.shape_cast %parallel_loop3A_644 : vector<1x1x16xf32> to vector<16xf32>
        %parallel_loop3A_646 = vector.shape_cast %parallel_loop3A_632 : vector<16xf32> to vector<1x1x16xf32>
        tpu.vector_store %arg7[%parallel_loop3A_641, %parallel_loop3A_642, %parallel_loop3A_643], %parallel_loop3A_646 {add = true, strides = array<i32>} : memref<4x8x1024xf32, #tpu.memory_space<vmem>>, vector<1x1x16xf32>,
        %parallel_loop3A_647 = arith.constant 2 : i32
        %parallel_loop3A_648 = arith.index_cast %parallel_loop3A_647 : i32 to index
        %parallel_loop3A_649 = arith.index_cast %parallel_loop3A_624 : i32 to index
        %parallel_loop3A_650 = arith.index_cast %parallel_loop3A_628 : i32 to index
        %parallel_loop3A_651 = tpu.vector_load %arg7[%parallel_loop3A_648, %parallel_loop3A_649, %parallel_loop3A_650] {strides = array<i32>} : memref<4x8x1024xf32, #tpu.memory_space<vmem>>, vector<1x1x16xf32>,
        %parallel_loop3A_652 = vector.shape_cast %parallel_loop3A_651 : vector<1x1x16xf32> to vector<16xf32>
        %parallel_loop3A_653 = vector.shape_cast %parallel_loop3A_632 : vector<16xf32> to vector<1x1x16xf32>
        tpu.vector_store %arg7[%parallel_loop3A_648, %parallel_loop3A_649, %parallel_loop3A_650], %parallel_loop3A_653 {add = true, strides = array<i32>} : memref<4x8x1024xf32, #tpu.memory_space<vmem>>, vector<1x1x16xf32>,
        %parallel_loop3A_654 = arith.constant 3 : i32
        %parallel_loop3A_655 = arith.index_cast %parallel_loop3A_654 : i32 to index
        %parallel_loop3A_656 = arith.index_cast %parallel_loop3A_624 : i32 to index
        %parallel_loop3A_657 = arith.index_cast %parallel_loop3A_628 : i32 to index
        %parallel_loop3A_658 = tpu.vector_load %arg7[%parallel_loop3A_655, %parallel_loop3A_656, %parallel_loop3A_657] {strides = array<i32>} : memref<4x8x1024xf32, #tpu.memory_space<vmem>>, vector<1x1x16xf32>,
        %parallel_loop3A_659 = vector.shape_cast %parallel_loop3A_658 : vector<1x1x16xf32> to vector<16xf32>
        %parallel_loop3A_660 = vector.shape_cast %parallel_loop3A_632 : vector<16xf32> to vector<1x1x16xf32>
        tpu.vector_store %arg7[%parallel_loop3A_655, %parallel_loop3A_656, %parallel_loop3A_657], %parallel_loop3A_660 {add = true, strides = array<i32>} : memref<4x8x1024xf32, #tpu.memory_space<vmem>>, vector<1x1x16xf32>,
      } {sc.loop_unroll_factor = 2 : i64, sc.parallel_access}
    } {sc.loop_unroll_factor = 1 : i64, sc.parallel_access}
    %add3A_148 = arith.constant 24 : i32
    %add3A_149 = arith.addi %mul3A_2, %add3A_148 : i32
    %dma_start3A_150 = arith.constant 0 : i32
    %dma_start3A_151 = arith.constant 0 : i32
    %dma_start3A_152 = tpu.memref_slice %arg4[%dma_start3A_150, %add3A_149, %dma_start3A_151] : memref<4x4096x1024xf32, #tpu.memory_space<hbm>> -> memref<4x8x1024xf32, #tpu.memory_space<hbm>>
    %dma_start3A_153 = arith.constant 0 : i32
    %dma_start3A_154 = arith.constant 0 : i32
    %dma_start3A_155 = tpu.memref_slice %arg4[%dma_start3A_153, %add3A_149, %dma_start3A_154] : memref<4x4096x1024xf32, #tpu.memory_space<hbm>> -> memref<4x8x1024xf32, #tpu.memory_space<hbm>>
    tpu.enqueue_dma source(%arg7 : memref<4x8x1024xf32, #tpu.memory_space<vmem>>) target(%dma_start3A_155 : memref<4x8x1024xf32, #tpu.memory_space<hbm>>) target_semaphore(%arg13 : memref<!tpu.dma_semaphore, #tpu.memory_space<semaphore_mem>>)
    %dma_wait3A_156 = arith.constant 0 : i32
    %dma_wait3A_157 = arith.constant 0 : i32
    %dma_wait3A_158 = tpu.memref_slice %arg4[%dma_wait3A_156, %add3A_110, %dma_wait3A_157] : memref<4x4096x1024xf32, #tpu.memory_space<hbm>> -> memref<4x8x1024xf32, #tpu.memory_space<hbm>>
    %dma_wait3A_159 = arith.constant 0 : i32
    %dma_wait3A_160 = arith.constant 0 : i32
    %dma_wait3A_161 = tpu.memref_slice %arg4[%dma_wait3A_159, %add3A_110, %dma_wait3A_160] : memref<4x4096x1024xf32, #tpu.memory_space<hbm>> -> memref<4x8x1024xf32, #tpu.memory_space<hbm>>
    tpu.wait_dma2 semaphore(%arg12 : memref<!tpu.dma_semaphore, #tpu.memory_space<semaphore_mem>>) src(%arg9 : memref<4x8x1024xf32, #tpu.memory_space<vmem>>) dst(%dma_wait3A_161 : memref<4x8x1024xf32, #tpu.memory_space<hbm>>)
    %add3A_162 = arith.constant 40 : i32
    %add3A_163 = arith.addi %mul3A_2, %add3A_162 : i32
    %dma_start3A_164 = arith.constant 0 : i32
    %dma_start3A_165 = tpu.memref_slice %arg3[%add3A_163, %dma_start3A_164] : memref<8192x1024xf32, #tpu.memory_space<hbm>> -> memref<8x1024xf32, #tpu.memory_space<hbm>>
    %dma_start3A_166 = arith.constant 0 : i32
    %dma_start3A_167 = tpu.memref_slice %arg3[%add3A_163, %dma_start3A_166] : memref<8192x1024xf32, #tpu.memory_space<hbm>> -> memref<8x1024xf32, #tpu.memory_space<hbm>>
    tpu.enqueue_dma source(%dma_start3A_167 : memref<8x1024xf32, #tpu.memory_space<hbm>>) target(%arg6 : memref<8x1024xf32, #tpu.memory_space<vmem>>) target_semaphore(%arg11 : memref<!tpu.dma_semaphore, #tpu.memory_space<semaphore_mem>>)
    %dma_start3A_168 = arith.constant 0 : i32
    %dma_start3A_169 = arith.constant 0 : i32
    %dma_start3A_170 = tpu.memref_slice %arg2[%dma_start3A_168, %add3A_163, %dma_start3A_169] : memref<4x4096x1024xf32, #tpu.memory_space<hbm>> -> memref<4x8x1024xf32, #tpu.memory_space<hbm>>
    %dma_start3A_171 = arith.constant 0 : i32
    %dma_start3A_172 = arith.constant 0 : i32
    %dma_start3A_173 = tpu.memref_slice %arg2[%dma_start3A_171, %add3A_163, %dma_start3A_172] : memref<4x4096x1024xf32, #tpu.memory_space<hbm>> -> memref<4x8x1024xf32, #tpu.memory_space<hbm>>
    tpu.enqueue_dma source(%dma_start3A_173 : memref<4x8x1024xf32, #tpu.memory_space<hbm>>) target(%arg9 : memref<4x8x1024xf32, #tpu.memory_space<vmem>>) target_semaphore(%arg11 : memref<!tpu.dma_semaphore, #tpu.memory_space<semaphore_mem>>)
    %dma_wait3A_174 = arith.constant 0 : i32
    %dma_wait3A_175 = tpu.memref_slice %arg3[%add3A_124, %dma_wait3A_174] : memref<8192x1024xf32, #tpu.memory_space<hbm>> -> memref<8x1024xf32, #tpu.memory_space<hbm>>
    %dma_wait3A_176 = arith.constant 0 : i32
    %dma_wait3A_177 = tpu.memref_slice %arg3[%add3A_124, %dma_wait3A_176] : memref<8192x1024xf32, #tpu.memory_space<hbm>> -> memref<8x1024xf32, #tpu.memory_space<hbm>>
    tpu.wait_dma2 semaphore(%arg10 : memref<!tpu.dma_semaphore, #tpu.memory_space<semaphore_mem>>) src(%dma_wait3A_177 : memref<8x1024xf32, #tpu.memory_space<hbm>>) dst(%arg5 : memref<8x1024xf32, #tpu.memory_space<vmem>>)
    %dma_wait3A_178 = arith.constant 0 : i32
    %dma_wait3A_179 = arith.constant 0 : i32
    %dma_wait3A_180 = tpu.memref_slice %arg2[%dma_wait3A_178, %add3A_124, %dma_wait3A_179] : memref<4x4096x1024xf32, #tpu.memory_space<hbm>> -> memref<4x8x1024xf32, #tpu.memory_space<hbm>>
    %dma_wait3A_181 = arith.constant 0 : i32
    %dma_wait3A_182 = arith.constant 0 : i32
    %dma_wait3A_183 = tpu.memref_slice %arg2[%dma_wait3A_181, %add3A_124, %dma_wait3A_182] : memref<4x4096x1024xf32, #tpu.memory_space<hbm>> -> memref<4x8x1024xf32, #tpu.memory_space<hbm>>
    tpu.wait_dma2 semaphore(%arg10 : memref<!tpu.dma_semaphore, #tpu.memory_space<semaphore_mem>>) src(%dma_wait3A_183 : memref<4x8x1024xf32, #tpu.memory_space<hbm>>) dst(%arg8 : memref<4x8x1024xf32, #tpu.memory_space<vmem>>)
    %parallel_loop3A_184 = arith.constant 0 : i32
    %parallel_loop3A_185 = arith.constant 8 : i32
    %parallel_loop3A_186 = arith.constant 1 : i32
    scf.for %parallel_loop3A_624 = %parallel_loop3A_184 to %parallel_loop3A_185 step %parallel_loop3A_186  : i32 {
      %parallel_loop3A_625 = arith.constant 0 : i32
      %parallel_loop3A_626 = arith.constant 1024 : i32
      %parallel_loop3A_627 = arith.constant 16 : i32
      scf.for %parallel_loop3A_628 = %parallel_loop3A_625 to %parallel_loop3A_626 step %parallel_loop3A_627  : i32 {
        %parallel_loop3A_629 = arith.index_cast %parallel_loop3A_624 : i32 to index
        %parallel_loop3A_630 = arith.index_cast %parallel_loop3A_628 : i32 to index
        %parallel_loop3A_631 = tpu.vector_load %arg5[%parallel_loop3A_629, %parallel_loop3A_630] {strides = array<i32>} : memref<8x1024xf32, #tpu.memory_space<vmem>>, vector<1x16xf32>,
        %parallel_loop3A_632 = vector.shape_cast %parallel_loop3A_631 : vector<1x16xf32> to vector<16xf32>
        %parallel_loop3A_633 = arith.constant 0 : i32
        %parallel_loop3A_634 = arith.index_cast %parallel_loop3A_633 : i32 to index
        %parallel_loop3A_635 = arith.index_cast %parallel_loop3A_624 : i32 to index
        %parallel_loop3A_636 = arith.index_cast %parallel_loop3A_628 : i32 to index
        %parallel_loop3A_637 = tpu.vector_load %arg8[%parallel_loop3A_634, %parallel_loop3A_635, %parallel_loop3A_636] {strides = array<i32>} : memref<4x8x1024xf32, #tpu.memory_space<vmem>>, vector<1x1x16xf32>,
        %parallel_loop3A_638 = vector.shape_cast %parallel_loop3A_637 : vector<1x1x16xf32> to vector<16xf32>
        %parallel_loop3A_639 = vector.shape_cast %parallel_loop3A_632 : vector<16xf32> to vector<1x1x16xf32>
        tpu.vector_store %arg8[%parallel_loop3A_634, %parallel_loop3A_635, %parallel_loop3A_636], %parallel_loop3A_639 {add = true, strides = array<i32>} : memref<4x8x1024xf32, #tpu.memory_space<vmem>>, vector<1x1x16xf32>,
        %parallel_loop3A_640 = arith.constant 1 : i32
        %parallel_loop3A_641 = arith.index_cast %parallel_loop3A_640 : i32 to index
        %parallel_loop3A_642 = arith.index_cast %parallel_loop3A_624 : i32 to index
        %parallel_loop3A_643 = arith.index_cast %parallel_loop3A_628 : i32 to index
        %parallel_loop3A_644 = tpu.vector_load %arg8[%parallel_loop3A_641, %parallel_loop3A_642, %parallel_loop3A_643] {strides = array<i32>} : memref<4x8x1024xf32, #tpu.memory_space<vmem>>, vector<1x1x16xf32>,
        %parallel_loop3A_645 = vector.shape_cast %parallel_loop3A_644 : vector<1x1x16xf32> to vector<16xf32>
        %parallel_loop3A_646 = vector.shape_cast %parallel_loop3A_632 : vector<16xf32> to vector<1x1x16xf32>
        tpu.vector_store %arg8[%parallel_loop3A_641, %parallel_loop3A_642, %parallel_loop3A_643], %parallel_loop3A_646 {add = true, strides = array<i32>} : memref<4x8x1024xf32, #tpu.memory_space<vmem>>, vector<1x1x16xf32>,
        %parallel_loop3A_647 = arith.constant 2 : i32
        %parallel_loop3A_648 = arith.index_cast %parallel_loop3A_647 : i32 to index
        %parallel_loop3A_649 = arith.index_cast %parallel_loop3A_624 : i32 to index
        %parallel_loop3A_650 = arith.index_cast %parallel_loop3A_628 : i32 to index
        %parallel_loop3A_651 = tpu.vector_load %arg8[%parallel_loop3A_648, %parallel_loop3A_649, %parallel_loop3A_650] {strides = array<i32>} : memref<4x8x1024xf32, #tpu.memory_space<vmem>>, vector<1x1x16xf32>,
        %parallel_loop3A_652 = vector.shape_cast %parallel_loop3A_651 : vector<1x1x16xf32> to vector<16xf32>
        %parallel_loop3A_653 = vector.shape_cast %parallel_loop3A_632 : vector<16xf32> to vector<1x1x16xf32>
        tpu.vector_store %arg8[%parallel_loop3A_648, %parallel_loop3A_649, %parallel_loop3A_650], %parallel_loop3A_653 {add = true, strides = array<i32>} : memref<4x8x1024xf32, #tpu.memory_space<vmem>>, vector<1x1x16xf32>,
        %parallel_loop3A_654 = arith.constant 3 : i32
        %parallel_loop3A_655 = arith.index_cast %parallel_loop3A_654 : i32 to index
        %parallel_loop3A_656 = arith.index_cast %parallel_loop3A_624 : i32 to index
        %parallel_loop3A_657 = arith.index_cast %parallel_loop3A_628 : i32 to index
        %parallel_loop3A_658 = tpu.vector_load %arg8[%parallel_loop3A_655, %parallel_loop3A_656, %parallel_loop3A_657] {strides = array<i32>} : memref<4x8x1024xf32, #tpu.memory_space<vmem>>, vector<1x1x16xf32>,
        %parallel_loop3A_659 = vector.shape_cast %parallel_loop3A_658 : vector<1x1x16xf32> to vector<16xf32>
        %parallel_loop3A_660 = vector.shape_cast %parallel_loop3A_632 : vector<16xf32> to vector<1x1x16xf32>
        tpu.vector_store %arg8[%parallel_loop3A_655, %parallel_loop3A_656, %parallel_loop3A_657], %parallel_loop3A_660 {add = true, strides = array<i32>} : memref<4x8x1024xf32, #tpu.memory_space<vmem>>, vector<1x1x16xf32>,
      } {sc.loop_unroll_factor = 2 : i64, sc.parallel_access}
    } {sc.loop_unroll_factor = 1 : i64, sc.parallel_access}
    %add3A_187 = arith.constant 32 : i32
    %add3A_188 = arith.addi %mul3A_2, %add3A_187 : i32
    %dma_start3A_189 = arith.constant 0 : i32
    %dma_start3A_190 = arith.constant 0 : i32
    %dma_start3A_191 = tpu.memref_slice %arg4[%dma_start3A_189, %add3A_188, %dma_start3A_190] : memref<4x4096x1024xf32, #tpu.memory_space<hbm>> -> memref<4x8x1024xf32, #tpu.memory_space<hbm>>
    %dma_start3A_192 = arith.constant 0 : i32
    %dma_start3A_193 = arith.constant 0 : i32
    %dma_start3A_194 = tpu.memref_slice %arg4[%dma_start3A_192, %add3A_188, %dma_start3A_193] : memref<4x4096x1024xf32, #tpu.memory_space<hbm>> -> memref<4x8x1024xf32, #tpu.memory_space<hbm>>
    tpu.enqueue_dma source(%arg8 : memref<4x8x1024xf32, #tpu.memory_space<vmem>>) target(%dma_start3A_194 : memref<4x8x1024xf32, #tpu.memory_space<hbm>>) target_semaphore(%arg12 : memref<!tpu.dma_semaphore, #tpu.memory_space<semaphore_mem>>)
    %dma_wait3A_195 = arith.constant 0 : i32
    %dma_wait3A_196 = arith.constant 0 : i32
    %dma_wait3A_197 = tpu.memref_slice %arg4[%dma_wait3A_195, %add3A_149, %dma_wait3A_196] : memref<4x4096x1024xf32, #tpu.memory_space<hbm>> -> memref<4x8x1024xf32, #tpu.memory_space<hbm>>
    %dma_wait3A_198 = arith.constant 0 : i32
    %dma_wait3A_199 = arith.constant 0 : i32
    %dma_wait3A_200 = tpu.memref_slice %arg4[%dma_wait3A_198, %add3A_149, %dma_wait3A_199] : memref<4x4096x1024xf32, #tpu.memory_space<hbm>> -> memref<4x8x1024xf32, #tpu.memory_space<hbm>>
    tpu.wait_dma2 semaphore(%arg13 : memref<!tpu.dma_semaphore, #tpu.memory_space<semaphore_mem>>) src(%arg7 : memref<4x8x1024xf32, #tpu.memory_space<vmem>>) dst(%dma_wait3A_200 : memref<4x8x1024xf32, #tpu.memory_space<hbm>>)
    %add3A_201 = arith.constant 48 : i32
    %add3A_202 = arith.addi %mul3A_2, %add3A_201 : i32
    %dma_start3A_203 = arith.constant 0 : i32
    %dma_start3A_204 = tpu.memref_slice %arg3[%add3A_202, %dma_start3A_203] : memref<8192x1024xf32, #tpu.memory_space<hbm>> -> memref<8x1024xf32, #tpu.memory_space<hbm>>
    %dma_start3A_205 = arith.constant 0 : i32
    %dma_start3A_206 = tpu.memref_slice %arg3[%add3A_202, %dma_start3A_205] : memref<8192x1024xf32, #tpu.memory_space<hbm>> -> memref<8x1024xf32, #tpu.memory_space<hbm>>
    tpu.enqueue_dma source(%dma_start3A_206 : memref<8x1024xf32, #tpu.memory_space<hbm>>) target(%arg5 : memref<8x1024xf32, #tpu.memory_space<vmem>>) target_semaphore(%arg10 : memref<!tpu.dma_semaphore, #tpu.memory_space<semaphore_mem>>)
    %dma_start3A_207 = arith.constant 0 : i32
    %dma_start3A_208 = arith.constant 0 : i32
    %dma_start3A_209 = tpu.memref_slice %arg2[%dma_start3A_207, %add3A_202, %dma_start3A_208] : memref<4x4096x1024xf32, #tpu.memory_space<hbm>> -> memref<4x8x1024xf32, #tpu.memory_space<hbm>>
    %dma_start3A_210 = arith.constant 0 : i32
    %dma_start3A_211 = arith.constant 0 : i32
    %dma_start3A_212 = tpu.memref_slice %arg2[%dma_start3A_210, %add3A_202, %dma_start3A_211] : memref<4x4096x1024xf32, #tpu.memory_space<hbm>> -> memref<4x8x1024xf32, #tpu.memory_space<hbm>>
    tpu.enqueue_dma source(%dma_start3A_212 : memref<4x8x1024xf32, #tpu.memory_space<hbm>>) target(%arg7 : memref<4x8x1024xf32, #tpu.memory_space<vmem>>) target_semaphore(%arg10 : memref<!tpu.dma_semaphore, #tpu.memory_space<semaphore_mem>>)
    %dma_wait3A_213 = arith.constant 0 : i32
    %dma_wait3A_214 = tpu.memref_slice %arg3[%add3A_163, %dma_wait3A_213] : memref<8192x1024xf32, #tpu.memory_space<hbm>> -> memref<8x1024xf32, #tpu.memory_space<hbm>>
    %dma_wait3A_215 = arith.constant 0 : i32
    %dma_wait3A_216 = tpu.memref_slice %arg3[%add3A_163, %dma_wait3A_215] : memref<8192x1024xf32, #tpu.memory_space<hbm>> -> memref<8x1024xf32, #tpu.memory_space<hbm>>
    tpu.wait_dma2 semaphore(%arg11 : memref<!tpu.dma_semaphore, #tpu.memory_space<semaphore_mem>>) src(%dma_wait3A_216 : memref<8x1024xf32, #tpu.memory_space<hbm>>) dst(%arg6 : memref<8x1024xf32, #tpu.memory_space<vmem>>)
    %dma_wait3A_217 = arith.constant 0 : i32
    %dma_wait3A_218 = arith.constant 0 : i32
    %dma_wait3A_219 = tpu.memref_slice %arg2[%dma_wait3A_217, %add3A_163, %dma_wait3A_218] : memref<4x4096x1024xf32, #tpu.memory_space<hbm>> -> memref<4x8x1024xf32, #tpu.memory_space<hbm>>
    %dma_wait3A_220 = arith.constant 0 : i32
    %dma_wait3A_221 = arith.constant 0 : i32
    %dma_wait3A_222 = tpu.memref_slice %arg2[%dma_wait3A_220, %add3A_163, %dma_wait3A_221] : memref<4x4096x1024xf32, #tpu.memory_space<hbm>> -> memref<4x8x1024xf32, #tpu.memory_space<hbm>>
    tpu.wait_dma2 semaphore(%arg11 : memref<!tpu.dma_semaphore, #tpu.memory_space<semaphore_mem>>) src(%dma_wait3A_222 : memref<4x8x1024xf32, #tpu.memory_space<hbm>>) dst(%arg9 : memref<4x8x1024xf32, #tpu.memory_space<vmem>>)
    %parallel_loop3A_223 = arith.constant 0 : i32
    %parallel_loop3A_224 = arith.constant 8 : i32
    %parallel_loop3A_225 = arith.constant 1 : i32
    scf.for %parallel_loop3A_624 = %parallel_loop3A_223 to %parallel_loop3A_224 step %parallel_loop3A_225  : i32 {
      %parallel_loop3A_625 = arith.constant 0 : i32
      %parallel_loop3A_626 = arith.constant 1024 : i32
      %parallel_loop3A_627 = arith.constant 16 : i32
      scf.for %parallel_loop3A_628 = %parallel_loop3A_625 to %parallel_loop3A_626 step %parallel_loop3A_627  : i32 {
        %parallel_loop3A_629 = arith.index_cast %parallel_loop3A_624 : i32 to index
        %parallel_loop3A_630 = arith.index_cast %parallel_loop3A_628 : i32 to index
        %parallel_loop3A_631 = tpu.vector_load %arg6[%parallel_loop3A_629, %parallel_loop3A_630] {strides = array<i32>} : memref<8x1024xf32, #tpu.memory_space<vmem>>, vector<1x16xf32>,
        %parallel_loop3A_632 = vector.shape_cast %parallel_loop3A_631 : vector<1x16xf32> to vector<16xf32>
        %parallel_loop3A_633 = arith.constant 0 : i32
        %parallel_loop3A_634 = arith.index_cast %parallel_loop3A_633 : i32 to index
        %parallel_loop3A_635 = arith.index_cast %parallel_loop3A_624 : i32 to index
        %parallel_loop3A_636 = arith.index_cast %parallel_loop3A_628 : i32 to index
        %parallel_loop3A_637 = tpu.vector_load %arg9[%parallel_loop3A_634, %parallel_loop3A_635, %parallel_loop3A_636] {strides = array<i32>} : memref<4x8x1024xf32, #tpu.memory_space<vmem>>, vector<1x1x16xf32>,
        %parallel_loop3A_638 = vector.shape_cast %parallel_loop3A_637 : vector<1x1x16xf32> to vector<16xf32>
        %parallel_loop3A_639 = vector.shape_cast %parallel_loop3A_632 : vector<16xf32> to vector<1x1x16xf32>
        tpu.vector_store %arg9[%parallel_loop3A_634, %parallel_loop3A_635, %parallel_loop3A_636], %parallel_loop3A_639 {add = true, strides = array<i32>} : memref<4x8x1024xf32, #tpu.memory_space<vmem>>, vector<1x1x16xf32>,
        %parallel_loop3A_640 = arith.constant 1 : i32
        %parallel_loop3A_641 = arith.index_cast %parallel_loop3A_640 : i32 to index
        %parallel_loop3A_642 = arith.index_cast %parallel_loop3A_624 : i32 to index
        %parallel_loop3A_643 = arith.index_cast %parallel_loop3A_628 : i32 to index
        %parallel_loop3A_644 = tpu.vector_load %arg9[%parallel_loop3A_641, %parallel_loop3A_642, %parallel_loop3A_643] {strides = array<i32>} : memref<4x8x1024xf32, #tpu.memory_space<vmem>>, vector<1x1x16xf32>,
        %parallel_loop3A_645 = vector.shape_cast %parallel_loop3A_644 : vector<1x1x16xf32> to vector<16xf32>
        %parallel_loop3A_646 = vector.shape_cast %parallel_loop3A_632 : vector<16xf32> to vector<1x1x16xf32>
        tpu.vector_store %arg9[%parallel_loop3A_641, %parallel_loop3A_642, %parallel_loop3A_643], %parallel_loop3A_646 {add = true, strides = array<i32>} : memref<4x8x1024xf32, #tpu.memory_space<vmem>>, vector<1x1x16xf32>,
        %parallel_loop3A_647 = arith.constant 2 : i32
        %parallel_loop3A_648 = arith.index_cast %parallel_loop3A_647 : i32 to index
        %parallel_loop3A_649 = arith.index_cast %parallel_loop3A_624 : i32 to index
        %parallel_loop3A_650 = arith.index_cast %parallel_loop3A_628 : i32 to index
        %parallel_loop3A_651 = tpu.vector_load %arg9[%parallel_loop3A_648, %parallel_loop3A_649, %parallel_loop3A_650] {strides = array<i32>} : memref<4x8x1024xf32, #tpu.memory_space<vmem>>, vector<1x1x16xf32>,
        %parallel_loop3A_652 = vector.shape_cast %parallel_loop3A_651 : vector<1x1x16xf32> to vector<16xf32>
        %parallel_loop3A_653 = vector.shape_cast %parallel_loop3A_632 : vector<16xf32> to vector<1x1x16xf32>
        tpu.vector_store %arg9[%parallel_loop3A_648, %parallel_loop3A_649, %parallel_loop3A_650], %parallel_loop3A_653 {add = true, strides = array<i32>} : memref<4x8x1024xf32, #tpu.memory_space<vmem>>, vector<1x1x16xf32>,
        %parallel_loop3A_654 = arith.constant 3 : i32
        %parallel_loop3A_655 = arith.index_cast %parallel_loop3A_654 : i32 to index
        %parallel_loop3A_656 = arith.index_cast %parallel_loop3A_624 : i32 to index
        %parallel_loop3A_657 = arith.index_cast %parallel_loop3A_628 : i32 to index
        %parallel_loop3A_658 = tpu.vector_load %arg9[%parallel_loop3A_655, %parallel_loop3A_656, %parallel_loop3A_657] {strides = array<i32>} : memref<4x8x1024xf32, #tpu.memory_space<vmem>>, vector<1x1x16xf32>,
        %parallel_loop3A_659 = vector.shape_cast %parallel_loop3A_658 : vector<1x1x16xf32> to vector<16xf32>
        %parallel_loop3A_660 = vector.shape_cast %parallel_loop3A_632 : vector<16xf32> to vector<1x1x16xf32>
        tpu.vector_store %arg9[%parallel_loop3A_655, %parallel_loop3A_656, %parallel_loop3A_657], %parallel_loop3A_660 {add = true, strides = array<i32>} : memref<4x8x1024xf32, #tpu.memory_space<vmem>>, vector<1x1x16xf32>,
      } {sc.loop_unroll_factor = 2 : i64, sc.parallel_access}
    } {sc.loop_unroll_factor = 1 : i64, sc.parallel_access}
    %add3A_226 = arith.constant 40 : i32
    %add3A_227 = arith.addi %mul3A_2, %add3A_226 : i32
    %dma_start3A_228 = arith.constant 0 : i32
    %dma_start3A_229 = arith.constant 0 : i32
    %dma_start3A_230 = tpu.memref_slice %arg4[%dma_start3A_228, %add3A_227, %dma_start3A_229] : memref<4x4096x1024xf32, #tpu.memory_space<hbm>> -> memref<4x8x1024xf32, #tpu.memory_space<hbm>>
    %dma_start3A_231 = arith.constant 0 : i32
    %dma_start3A_232 = arith.constant 0 : i32
    %dma_start3A_233 = tpu.memref_slice %arg4[%dma_start3A_231, %add3A_227, %dma_start3A_232] : memref<4x4096x1024xf32, #tpu.memory_space<hbm>> -> memref<4x8x1024xf32, #tpu.memory_space<hbm>>
    tpu.enqueue_dma source(%arg9 : memref<4x8x1024xf32, #tpu.memory_space<vmem>>) target(%dma_start3A_233 : memref<4x8x1024xf32, #tpu.memory_space<hbm>>) target_semaphore(%arg13 : memref<!tpu.dma_semaphore, #tpu.memory_space<semaphore_mem>>)
    %dma_wait3A_234 = arith.constant 0 : i32
    %dma_wait3A_235 = arith.constant 0 : i32
    %dma_wait3A_236 = tpu.memref_slice %arg4[%dma_wait3A_234, %add3A_188, %dma_wait3A_235] : memref<4x4096x1024xf32, #tpu.memory_space<hbm>> -> memref<4x8x1024xf32, #tpu.memory_space<hbm>>
    %dma_wait3A_237 = arith.constant 0 : i32
    %dma_wait3A_238 = arith.constant 0 : i32
    %dma_wait3A_239 = tpu.memref_slice %arg4[%dma_wait3A_237, %add3A_188, %dma_wait3A_238] : memref<4x4096x1024xf32, #tpu.memory_space<hbm>> -> memref<4x8x1024xf32, #tpu.memory_space<hbm>>
    tpu.wait_dma2 semaphore(%arg12 : memref<!tpu.dma_semaphore, #tpu.memory_space<semaphore_mem>>) src(%arg8 : memref<4x8x1024xf32, #tpu.memory_space<vmem>>) dst(%dma_wait3A_239 : memref<4x8x1024xf32, #tpu.memory_space<hbm>>)
    %add3A_240 = arith.constant 56 : i32
    %add3A_241 = arith.addi %mul3A_2, %add3A_240 : i32
    %dma_start3A_242 = arith.constant 0 : i32
    %dma_start3A_243 = tpu.memref_slice %arg3[%add3A_241, %dma_start3A_242] : memref<8192x1024xf32, #tpu.memory_space<hbm>> -> memref<8x1024xf32, #tpu.memory_space<hbm>>
    %dma_start3A_244 = arith.constant 0 : i32
    %dma_start3A_245 = tpu.memref_slice %arg3[%add3A_241, %dma_start3A_244] : memref<8192x1024xf32, #tpu.memory_space<hbm>> -> memref<8x1024xf32, #tpu.memory_space<hbm>>
    tpu.enqueue_dma source(%dma_start3A_245 : memref<8x1024xf32, #tpu.memory_space<hbm>>) target(%arg6 : memref<8x1024xf32, #tpu.memory_space<vmem>>) target_semaphore(%arg11 : memref<!tpu.dma_semaphore, #tpu.memory_space<semaphore_mem>>)
    %dma_start3A_246 = arith.constant 0 : i32
    %dma_start3A_247 = arith.constant 0 : i32
    %dma_start3A_248 = tpu.memref_slice %arg2[%dma_start3A_246, %add3A_241, %dma_start3A_247] : memref<4x4096x1024xf32, #tpu.memory_space<hbm>> -> memref<4x8x1024xf32, #tpu.memory_space<hbm>>
    %dma_start3A_249 = arith.constant 0 : i32
    %dma_start3A_250 = arith.constant 0 : i32
    %dma_start3A_251 = tpu.memref_slice %arg2[%dma_start3A_249, %add3A_241, %dma_start3A_250] : memref<4x4096x1024xf32, #tpu.memory_space<hbm>> -> memref<4x8x1024xf32, #tpu.memory_space<hbm>>
    tpu.enqueue_dma source(%dma_start3A_251 : memref<4x8x1024xf32, #tpu.memory_space<hbm>>) target(%arg8 : memref<4x8x1024xf32, #tpu.memory_space<vmem>>) target_semaphore(%arg11 : memref<!tpu.dma_semaphore, #tpu.memory_space<semaphore_mem>>)
    %dma_wait3A_252 = arith.constant 0 : i32
    %dma_wait3A_253 = tpu.memref_slice %arg3[%add3A_202, %dma_wait3A_252] : memref<8192x1024xf32, #tpu.memory_space<hbm>> -> memref<8x1024xf32, #tpu.memory_space<hbm>>
    %dma_wait3A_254 = arith.constant 0 : i32
    %dma_wait3A_255 = tpu.memref_slice %arg3[%add3A_202, %dma_wait3A_254] : memref<8192x1024xf32, #tpu.memory_space<hbm>> -> memref<8x1024xf32, #tpu.memory_space<hbm>>
    tpu.wait_dma2 semaphore(%arg10 : memref<!tpu.dma_semaphore, #tpu.memory_space<semaphore_mem>>) src(%dma_wait3A_255 : memref<8x1024xf32, #tpu.memory_space<hbm>>) dst(%arg5 : memref<8x1024xf32, #tpu.memory_space<vmem>>)
    %dma_wait3A_256 = arith.constant 0 : i32
    %dma_wait3A_257 = arith.constant 0 : i32
    %dma_wait3A_258 = tpu.memref_slice %arg2[%dma_wait3A_256, %add3A_202, %dma_wait3A_257] : memref<4x4096x1024xf32, #tpu.memory_space<hbm>> -> memref<4x8x1024xf32, #tpu.memory_space<hbm>>
    %dma_wait3A_259 = arith.constant 0 : i32
    %dma_wait3A_260 = arith.constant 0 : i32
    %dma_wait3A_261 = tpu.memref_slice %arg2[%dma_wait3A_259, %add3A_202, %dma_wait3A_260] : memref<4x4096x1024xf32, #tpu.memory_space<hbm>> -> memref<4x8x1024xf32, #tpu.memory_space<hbm>>
    tpu.wait_dma2 semaphore(%arg10 : memref<!tpu.dma_semaphore, #tpu.memory_space<semaphore_mem>>) src(%dma_wait3A_261 : memref<4x8x1024xf32, #tpu.memory_space<hbm>>) dst(%arg7 : memref<4x8x1024xf32, #tpu.memory_space<vmem>>)
    %parallel_loop3A_262 = arith.constant 0 : i32
    %parallel_loop3A_263 = arith.constant 8 : i32
    %parallel_loop3A_264 = arith.constant 1 : i32
    scf.for %parallel_loop3A_624 = %parallel_loop3A_262 to %parallel_loop3A_263 step %parallel_loop3A_264  : i32 {
      %parallel_loop3A_625 = arith.constant 0 : i32
      %parallel_loop3A_626 = arith.constant 1024 : i32
      %parallel_loop3A_627 = arith.constant 16 : i32
      scf.for %parallel_loop3A_628 = %parallel_loop3A_625 to %parallel_loop3A_626 step %parallel_loop3A_627  : i32 {
        %parallel_loop3A_629 = arith.index_cast %parallel_loop3A_624 : i32 to index
        %parallel_loop3A_630 = arith.index_cast %parallel_loop3A_628 : i32 to index
        %parallel_loop3A_631 = tpu.vector_load %arg5[%parallel_loop3A_629, %parallel_loop3A_630] {strides = array<i32>} : memref<8x1024xf32, #tpu.memory_space<vmem>>, vector<1x16xf32>,
        %parallel_loop3A_632 = vector.shape_cast %parallel_loop3A_631 : vector<1x16xf32> to vector<16xf32>
        %parallel_loop3A_633 = arith.constant 0 : i32
        %parallel_loop3A_634 = arith.index_cast %parallel_loop3A_633 : i32 to index
        %parallel_loop3A_635 = arith.index_cast %parallel_loop3A_624 : i32 to index
        %parallel_loop3A_636 = arith.index_cast %parallel_loop3A_628 : i32 to index
        %parallel_loop3A_637 = tpu.vector_load %arg7[%parallel_loop3A_634, %parallel_loop3A_635, %parallel_loop3A_636] {strides = array<i32>} : memref<4x8x1024xf32, #tpu.memory_space<vmem>>, vector<1x1x16xf32>,
        %parallel_loop3A_638 = vector.shape_cast %parallel_loop3A_637 : vector<1x1x16xf32> to vector<16xf32>
        %parallel_loop3A_639 = vector.shape_cast %parallel_loop3A_632 : vector<16xf32> to vector<1x1x16xf32>
        tpu.vector_store %arg7[%parallel_loop3A_634, %parallel_loop3A_635, %parallel_loop3A_636], %parallel_loop3A_639 {add = true, strides = array<i32>} : memref<4x8x1024xf32, #tpu.memory_space<vmem>>, vector<1x1x16xf32>,
        %parallel_loop3A_640 = arith.constant 1 : i32
        %parallel_loop3A_641 = arith.index_cast %parallel_loop3A_640 : i32 to index
        %parallel_loop3A_642 = arith.index_cast %parallel_loop3A_624 : i32 to index
        %parallel_loop3A_643 = arith.index_cast %parallel_loop3A_628 : i32 to index
        %parallel_loop3A_644 = tpu.vector_load %arg7[%parallel_loop3A_641, %parallel_loop3A_642, %parallel_loop3A_643] {strides = array<i32>} : memref<4x8x1024xf32, #tpu.memory_space<vmem>>, vector<1x1x16xf32>,
        %parallel_loop3A_645 = vector.shape_cast %parallel_loop3A_644 : vector<1x1x16xf32> to vector<16xf32>
        %parallel_loop3A_646 = vector.shape_cast %parallel_loop3A_632 : vector<16xf32> to vector<1x1x16xf32>
        tpu.vector_store %arg7[%parallel_loop3A_641, %parallel_loop3A_642, %parallel_loop3A_643], %parallel_loop3A_646 {add = true, strides = array<i32>} : memref<4x8x1024xf32, #tpu.memory_space<vmem>>, vector<1x1x16xf32>,
        %parallel_loop3A_647 = arith.constant 2 : i32
        %parallel_loop3A_648 = arith.index_cast %parallel_loop3A_647 : i32 to index
        %parallel_loop3A_649 = arith.index_cast %parallel_loop3A_624 : i32 to index
        %parallel_loop3A_650 = arith.index_cast %parallel_loop3A_628 : i32 to index
        %parallel_loop3A_651 = tpu.vector_load %arg7[%parallel_loop3A_648, %parallel_loop3A_649, %parallel_loop3A_650] {strides = array<i32>} : memref<4x8x1024xf32, #tpu.memory_space<vmem>>, vector<1x1x16xf32>,
        %parallel_loop3A_652 = vector.shape_cast %parallel_loop3A_651 : vector<1x1x16xf32> to vector<16xf32>
        %parallel_loop3A_653 = vector.shape_cast %parallel_loop3A_632 : vector<16xf32> to vector<1x1x16xf32>
        tpu.vector_store %arg7[%parallel_loop3A_648, %parallel_loop3A_649, %parallel_loop3A_650], %parallel_loop3A_653 {add = true, strides = array<i32>} : memref<4x8x1024xf32, #tpu.memory_space<vmem>>, vector<1x1x16xf32>,
        %parallel_loop3A_654 = arith.constant 3 : i32
        %parallel_loop3A_655 = arith.index_cast %parallel_loop3A_654 : i32 to index
        %parallel_loop3A_656 = arith.index_cast %parallel_loop3A_624 : i32 to index
        %parallel_loop3A_657 = arith.index_cast %parallel_loop3A_628 : i32 to index
        %parallel_loop3A_658 = tpu.vector_load %arg7[%parallel_loop3A_655, %parallel_loop3A_656, %parallel_loop3A_657] {strides = array<i32>} : memref<4x8x1024xf32, #tpu.memory_space<vmem>>, vector<1x1x16xf32>,
        %parallel_loop3A_659 = vector.shape_cast %parallel_loop3A_658 : vector<1x1x16xf32> to vector<16xf32>
        %parallel_loop3A_660 = vector.shape_cast %parallel_loop3A_632 : vector<16xf32> to vector<1x1x16xf32>
        tpu.vector_store %arg7[%parallel_loop3A_655, %parallel_loop3A_656, %parallel_loop3A_657], %parallel_loop3A_660 {add = true, strides = array<i32>} : memref<4x8x1024xf32, #tpu.memory_space<vmem>>, vector<1x1x16xf32>,
      } {sc.loop_unroll_factor = 2 : i64, sc.parallel_access}
    } {sc.loop_unroll_factor = 1 : i64, sc.parallel_access}
    %add3A_265 = arith.constant 48 : i32
    %add3A_266 = arith.addi %mul3A_2, %add3A_265 : i32
    %dma_start3A_267 = arith.constant 0 : i32
    %dma_start3A_268 = arith.constant 0 : i32
    %dma_start3A_269 = tpu.memref_slice %arg4[%dma_start3A_267, %add3A_266, %dma_start3A_268] : memref<4x4096x1024xf32, #tpu.memory_space<hbm>> -> memref<4x8x1024xf32, #tpu.memory_space<hbm>>
    %dma_start3A_270 = arith.constant 0 : i32
    %dma_start3A_271 = arith.constant 0 : i32
    %dma_start3A_272 = tpu.memref_slice %arg4[%dma_start3A_270, %add3A_266, %dma_start3A_271] : memref<4x4096x1024xf32, #tpu.memory_space<hbm>> -> memref<4x8x1024xf32, #tpu.memory_space<hbm>>
    tpu.enqueue_dma source(%arg7 : memref<4x8x1024xf32, #tpu.memory_space<vmem>>) target(%dma_start3A_272 : memref<4x8x1024xf32, #tpu.memory_space<hbm>>) target_semaphore(%arg12 : memref<!tpu.dma_semaphore, #tpu.memory_space<semaphore_mem>>)
    %dma_wait3A_273 = arith.constant 0 : i32
    %dma_wait3A_274 = arith.constant 0 : i32
    %dma_wait3A_275 = tpu.memref_slice %arg4[%dma_wait3A_273, %add3A_227, %dma_wait3A_274] : memref<4x4096x1024xf32, #tpu.memory_space<hbm>> -> memref<4x8x1024xf32, #tpu.memory_space<hbm>>
    %dma_wait3A_276 = arith.constant 0 : i32
    %dma_wait3A_277 = arith.constant 0 : i32
    %dma_wait3A_278 = tpu.memref_slice %arg4[%dma_wait3A_276, %add3A_227, %dma_wait3A_277] : memref<4x4096x1024xf32, #tpu.memory_space<hbm>> -> memref<4x8x1024xf32, #tpu.memory_space<hbm>>
    tpu.wait_dma2 semaphore(%arg13 : memref<!tpu.dma_semaphore, #tpu.memory_space<semaphore_mem>>) src(%arg9 : memref<4x8x1024xf32, #tpu.memory_space<vmem>>) dst(%dma_wait3A_278 : memref<4x8x1024xf32, #tpu.memory_space<hbm>>)
    %add3A_279 = arith.constant 64 : i32
    %add3A_280 = arith.addi %mul3A_2, %add3A_279 : i32
    %dma_start3A_281 = arith.constant 0 : i32
    %dma_start3A_282 = tpu.memref_slice %arg3[%add3A_280, %dma_start3A_281] : memref<8192x1024xf32, #tpu.memory_space<hbm>> -> memref<8x1024xf32, #tpu.memory_space<hbm>>
    %dma_start3A_283 = arith.constant 0 : i32
    %dma_start3A_284 = tpu.memref_slice %arg3[%add3A_280, %dma_start3A_283] : memref<8192x1024xf32, #tpu.memory_space<hbm>> -> memref<8x1024xf32, #tpu.memory_space<hbm>>
    tpu.enqueue_dma source(%dma_start3A_284 : memref<8x1024xf32, #tpu.memory_space<hbm>>) target(%arg5 : memref<8x1024xf32, #tpu.memory_space<vmem>>) target_semaphore(%arg10 : memref<!tpu.dma_semaphore, #tpu.memory_space<semaphore_mem>>)
    %dma_start3A_285 = arith.constant 0 : i32
    %dma_start3A_286 = arith.constant 0 : i32
    %dma_start3A_287 = tpu.memref_slice %arg2[%dma_start3A_285, %add3A_280, %dma_start3A_286] : memref<4x4096x1024xf32, #tpu.memory_space<hbm>> -> memref<4x8x1024xf32, #tpu.memory_space<hbm>>
    %dma_start3A_288 = arith.constant 0 : i32
    %dma_start3A_289 = arith.constant 0 : i32
    %dma_start3A_290 = tpu.memref_slice %arg2[%dma_start3A_288, %add3A_280, %dma_start3A_289] : memref<4x4096x1024xf32, #tpu.memory_space<hbm>> -> memref<4x8x1024xf32, #tpu.memory_space<hbm>>
    tpu.enqueue_dma source(%dma_start3A_290 : memref<4x8x1024xf32, #tpu.memory_space<hbm>>) target(%arg9 : memref<4x8x1024xf32, #tpu.memory_space<vmem>>) target_semaphore(%arg10 : memref<!tpu.dma_semaphore, #tpu.memory_space<semaphore_mem>>)
    %dma_wait3A_291 = arith.constant 0 : i32
    %dma_wait3A_292 = tpu.memref_slice %arg3[%add3A_241, %dma_wait3A_291] : memref<8192x1024xf32, #tpu.memory_space<hbm>> -> memref<8x1024xf32, #tpu.memory_space<hbm>>
    %dma_wait3A_293 = arith.constant 0 : i32
    %dma_wait3A_294 = tpu.memref_slice %arg3[%add3A_241, %dma_wait3A_293] : memref<8192x1024xf32, #tpu.memory_space<hbm>> -> memref<8x1024xf32, #tpu.memory_space<hbm>>
    tpu.wait_dma2 semaphore(%arg11 : memref<!tpu.dma_semaphore, #tpu.memory_space<semaphore_mem>>) src(%dma_wait3A_294 : memref<8x1024xf32, #tpu.memory_space<hbm>>) dst(%arg6 : memref<8x1024xf32, #tpu.memory_space<vmem>>)
    %dma_wait3A_295 = arith.constant 0 : i32
    %dma_wait3A_296 = arith.constant 0 : i32
    %dma_wait3A_297 = tpu.memref_slice %arg2[%dma_wait3A_295, %add3A_241, %dma_wait3A_296] : memref<4x4096x1024xf32, #tpu.memory_space<hbm>> -> memref<4x8x1024xf32, #tpu.memory_space<hbm>>
    %dma_wait3A_298 = arith.constant 0 : i32
    %dma_wait3A_299 = arith.constant 0 : i32
    %dma_wait3A_300 = tpu.memref_slice %arg2[%dma_wait3A_298, %add3A_241, %dma_wait3A_299] : memref<4x4096x1024xf32, #tpu.memory_space<hbm>> -> memref<4x8x1024xf32, #tpu.memory_space<hbm>>
    tpu.wait_dma2 semaphore(%arg11 : memref<!tpu.dma_semaphore, #tpu.memory_space<semaphore_mem>>) src(%dma_wait3A_300 : memref<4x8x1024xf32, #tpu.memory_space<hbm>>) dst(%arg8 : memref<4x8x1024xf32, #tpu.memory_space<vmem>>)
    %parallel_loop3A_301 = arith.constant 0 : i32
    %parallel_loop3A_302 = arith.constant 8 : i32
    %parallel_loop3A_303 = arith.constant 1 : i32
    scf.for %parallel_loop3A_624 = %parallel_loop3A_301 to %parallel_loop3A_302 step %parallel_loop3A_303  : i32 {
      %parallel_loop3A_625 = arith.constant 0 : i32
      %parallel_loop3A_626 = arith.constant 1024 : i32
      %parallel_loop3A_627 = arith.constant 16 : i32
      scf.for %parallel_loop3A_628 = %parallel_loop3A_625 to %parallel_loop3A_626 step %parallel_loop3A_627  : i32 {
        %parallel_loop3A_629 = arith.index_cast %parallel_loop3A_624 : i32 to index
        %parallel_loop3A_630 = arith.index_cast %parallel_loop3A_628 : i32 to index
        %parallel_loop3A_631 = tpu.vector_load %arg6[%parallel_loop3A_629, %parallel_loop3A_630] {strides = array<i32>} : memref<8x1024xf32, #tpu.memory_space<vmem>>, vector<1x16xf32>,
        %parallel_loop3A_632 = vector.shape_cast %parallel_loop3A_631 : vector<1x16xf32> to vector<16xf32>
        %parallel_loop3A_633 = arith.constant 0 : i32
        %parallel_loop3A_634 = arith.index_cast %parallel_loop3A_633 : i32 to index
        %parallel_loop3A_635 = arith.index_cast %parallel_loop3A_624 : i32 to index
        %parallel_loop3A_636 = arith.index_cast %parallel_loop3A_628 : i32 to index
        %parallel_loop3A_637 = tpu.vector_load %arg8[%parallel_loop3A_634, %parallel_loop3A_635, %parallel_loop3A_636] {strides = array<i32>} : memref<4x8x1024xf32, #tpu.memory_space<vmem>>, vector<1x1x16xf32>,
        %parallel_loop3A_638 = vector.shape_cast %parallel_loop3A_637 : vector<1x1x16xf32> to vector<16xf32>
        %parallel_loop3A_639 = vector.shape_cast %parallel_loop3A_632 : vector<16xf32> to vector<1x1x16xf32>
        tpu.vector_store %arg8[%parallel_loop3A_634, %parallel_loop3A_635, %parallel_loop3A_636], %parallel_loop3A_639 {add = true, strides = array<i32>} : memref<4x8x1024xf32, #tpu.memory_space<vmem>>, vector<1x1x16xf32>,
        %parallel_loop3A_640 = arith.constant 1 : i32
        %parallel_loop3A_641 = arith.index_cast %parallel_loop3A_640 : i32 to index
        %parallel_loop3A_642 = arith.index_cast %parallel_loop3A_624 : i32 to index
        %parallel_loop3A_643 = arith.index_cast %parallel_loop3A_628 : i32 to index
        %parallel_loop3A_644 = tpu.vector_load %arg8[%parallel_loop3A_641, %parallel_loop3A_642, %parallel_loop3A_643] {strides = array<i32>} : memref<4x8x1024xf32, #tpu.memory_space<vmem>>, vector<1x1x16xf32>,
        %parallel_loop3A_645 = vector.shape_cast %parallel_loop3A_644 : vector<1x1x16xf32> to vector<16xf32>
        %parallel_loop3A_646 = vector.shape_cast %parallel_loop3A_632 : vector<16xf32> to vector<1x1x16xf32>
        tpu.vector_store %arg8[%parallel_loop3A_641, %parallel_loop3A_642, %parallel_loop3A_643], %parallel_loop3A_646 {add = true, strides = array<i32>} : memref<4x8x1024xf32, #tpu.memory_space<vmem>>, vector<1x1x16xf32>,
        %parallel_loop3A_647 = arith.constant 2 : i32
        %parallel_loop3A_648 = arith.index_cast %parallel_loop3A_647 : i32 to index
        %parallel_loop3A_649 = arith.index_cast %parallel_loop3A_624 : i32 to index
        %parallel_loop3A_650 = arith.index_cast %parallel_loop3A_628 : i32 to index
        %parallel_loop3A_651 = tpu.vector_load %arg8[%parallel_loop3A_648, %parallel_loop3A_649, %parallel_loop3A_650] {strides = array<i32>} : memref<4x8x1024xf32, #tpu.memory_space<vmem>>, vector<1x1x16xf32>,
        %parallel_loop3A_652 = vector.shape_cast %parallel_loop3A_651 : vector<1x1x16xf32> to vector<16xf32>
        %parallel_loop3A_653 = vector.shape_cast %parallel_loop3A_632 : vector<16xf32> to vector<1x1x16xf32>
        tpu.vector_store %arg8[%parallel_loop3A_648, %parallel_loop3A_649, %parallel_loop3A_650], %parallel_loop3A_653 {add = true, strides = array<i32>} : memref<4x8x1024xf32, #tpu.memory_space<vmem>>, vector<1x1x16xf32>,
        %parallel_loop3A_654 = arith.constant 3 : i32
        %parallel_loop3A_655 = arith.index_cast %parallel_loop3A_654 : i32 to index
        %parallel_loop3A_656 = arith.index_cast %parallel_loop3A_624 : i32 to index
        %parallel_loop3A_657 = arith.index_cast %parallel_loop3A_628 : i32 to index
        %parallel_loop3A_658 = tpu.vector_load %arg8[%parallel_loop3A_655, %parallel_loop3A_656, %parallel_loop3A_657] {strides = array<i32>} : memref<4x8x1024xf32, #tpu.memory_space<vmem>>, vector<1x1x16xf32>,
        %parallel_loop3A_659 = vector.shape_cast %parallel_loop3A_658 : vector<1x1x16xf32> to vector<16xf32>
        %parallel_loop3A_660 = vector.shape_cast %parallel_loop3A_632 : vector<16xf32> to vector<1x1x16xf32>
        tpu.vector_store %arg8[%parallel_loop3A_655, %parallel_loop3A_656, %parallel_loop3A_657], %parallel_loop3A_660 {add = true, strides = array<i32>} : memref<4x8x1024xf32, #tpu.memory_space<vmem>>, vector<1x1x16xf32>,
      } {sc.loop_unroll_factor = 2 : i64, sc.parallel_access}
    } {sc.loop_unroll_factor = 1 : i64, sc.parallel_access}
    %add3A_304 = arith.constant 56 : i32
    %add3A_305 = arith.addi %mul3A_2, %add3A_304 : i32
    %dma_start3A_306 = arith.constant 0 : i32
    %dma_start3A_307 = arith.constant 0 : i32
    %dma_start3A_308 = tpu.memref_slice %arg4[%dma_start3A_306, %add3A_305, %dma_start3A_307] : memref<4x4096x1024xf32, #tpu.memory_space<hbm>> -> memref<4x8x1024xf32, #tpu.memory_space<hbm>>
    %dma_start3A_309 = arith.constant 0 : i32
    %dma_start3A_310 = arith.constant 0 : i32
    %dma_start3A_311 = tpu.memref_slice %arg4[%dma_start3A_309, %add3A_305, %dma_start3A_310] : memref<4x4096x1024xf32, #tpu.memory_space<hbm>> -> memref<4x8x1024xf32, #tpu.memory_space<hbm>>
    tpu.enqueue_dma source(%arg8 : memref<4x8x1024xf32, #tpu.memory_space<vmem>>) target(%dma_start3A_311 : memref<4x8x1024xf32, #tpu.memory_space<hbm>>) target_semaphore(%arg13 : memref<!tpu.dma_semaphore, #tpu.memory_space<semaphore_mem>>)
    %dma_wait3A_312 = arith.constant 0 : i32
    %dma_wait3A_313 = arith.constant 0 : i32
    %dma_wait3A_314 = tpu.memref_slice %arg4[%dma_wait3A_312, %add3A_266, %dma_wait3A_313] : memref<4x4096x1024xf32, #tpu.memory_space<hbm>> -> memref<4x8x1024xf32, #tpu.memory_space<hbm>>
    %dma_wait3A_315 = arith.constant 0 : i32
    %dma_wait3A_316 = arith.constant 0 : i32
    %dma_wait3A_317 = tpu.memref_slice %arg4[%dma_wait3A_315, %add3A_266, %dma_wait3A_316] : memref<4x4096x1024xf32, #tpu.memory_space<hbm>> -> memref<4x8x1024xf32, #tpu.memory_space<hbm>>
    tpu.wait_dma2 semaphore(%arg12 : memref<!tpu.dma_semaphore, #tpu.memory_space<semaphore_mem>>) src(%arg7 : memref<4x8x1024xf32, #tpu.memory_space<vmem>>) dst(%dma_wait3A_317 : memref<4x8x1024xf32, #tpu.memory_space<hbm>>)
    %add3A_318 = arith.constant 72 : i32
    %add3A_319 = arith.addi %mul3A_2, %add3A_318 : i32
    %dma_start3A_320 = arith.constant 0 : i32
    %dma_start3A_321 = tpu.memref_slice %arg3[%add3A_319, %dma_start3A_320] : memref<8192x1024xf32, #tpu.memory_space<hbm>> -> memref<8x1024xf32, #tpu.memory_space<hbm>>
    %dma_start3A_322 = arith.constant 0 : i32
    %dma_start3A_323 = tpu.memref_slice %arg3[%add3A_319, %dma_start3A_322] : memref<8192x1024xf32, #tpu.memory_space<hbm>> -> memref<8x1024xf32, #tpu.memory_space<hbm>>
    tpu.enqueue_dma source(%dma_start3A_323 : memref<8x1024xf32, #tpu.memory_space<hbm>>) target(%arg6 : memref<8x1024xf32, #tpu.memory_space<vmem>>) target_semaphore(%arg11 : memref<!tpu.dma_semaphore, #tpu.memory_space<semaphore_mem>>)
    %dma_start3A_324 = arith.constant 0 : i32
    %dma_start3A_325 = arith.constant 0 : i32
    %dma_start3A_326 = tpu.memref_slice %arg2[%dma_start3A_324, %add3A_319, %dma_start3A_325] : memref<4x4096x1024xf32, #tpu.memory_space<hbm>> -> memref<4x8x1024xf32, #tpu.memory_space<hbm>>
    %dma_start3A_327 = arith.constant 0 : i32
    %dma_start3A_328 = arith.constant 0 : i32
    %dma_start3A_329 = tpu.memref_slice %arg2[%dma_start3A_327, %add3A_319, %dma_start3A_328] : memref<4x4096x1024xf32, #tpu.memory_space<hbm>> -> memref<4x8x1024xf32, #tpu.memory_space<hbm>>
    tpu.enqueue_dma source(%dma_start3A_329 : memref<4x8x1024xf32, #tpu.memory_space<hbm>>) target(%arg7 : memref<4x8x1024xf32, #tpu.memory_space<vmem>>) target_semaphore(%arg11 : memref<!tpu.dma_semaphore, #tpu.memory_space<semaphore_mem>>)
    %dma_wait3A_330 = arith.constant 0 : i32
    %dma_wait3A_331 = tpu.memref_slice %arg3[%add3A_280, %dma_wait3A_330] : memref<8192x1024xf32, #tpu.memory_space<hbm>> -> memref<8x1024xf32, #tpu.memory_space<hbm>>
    %dma_wait3A_332 = arith.constant 0 : i32
    %dma_wait3A_333 = tpu.memref_slice %arg3[%add3A_280, %dma_wait3A_332] : memref<8192x1024xf32, #tpu.memory_space<hbm>> -> memref<8x1024xf32, #tpu.memory_space<hbm>>
    tpu.wait_dma2 semaphore(%arg10 : memref<!tpu.dma_semaphore, #tpu.memory_space<semaphore_mem>>) src(%dma_wait3A_333 : memref<8x1024xf32, #tpu.memory_space<hbm>>) dst(%arg5 : memref<8x1024xf32, #tpu.memory_space<vmem>>)
    %dma_wait3A_334 = arith.constant 0 : i32
    %dma_wait3A_335 = arith.constant 0 : i32
    %dma_wait3A_336 = tpu.memref_slice %arg2[%dma_wait3A_334, %add3A_280, %dma_wait3A_335] : memref<4x4096x1024xf32, #tpu.memory_space<hbm>> -> memref<4x8x1024xf32, #tpu.memory_space<hbm>>
    %dma_wait3A_337 = arith.constant 0 : i32
    %dma_wait3A_338 = arith.constant 0 : i32
    %dma_wait3A_339 = tpu.memref_slice %arg2[%dma_wait3A_337, %add3A_280, %dma_wait3A_338] : memref<4x4096x1024xf32, #tpu.memory_space<hbm>> -> memref<4x8x1024xf32, #tpu.memory_space<hbm>>
    tpu.wait_dma2 semaphore(%arg10 : memref<!tpu.dma_semaphore, #tpu.memory_space<semaphore_mem>>) src(%dma_wait3A_339 : memref<4x8x1024xf32, #tpu.memory_space<hbm>>) dst(%arg9 : memref<4x8x1024xf32, #tpu.memory_space<vmem>>)
    %parallel_loop3A_340 = arith.constant 0 : i32
    %parallel_loop3A_341 = arith.constant 8 : i32
    %parallel_loop3A_342 = arith.constant 1 : i32
    scf.for %parallel_loop3A_624 = %parallel_loop3A_340 to %parallel_loop3A_341 step %parallel_loop3A_342  : i32 {
      %parallel_loop3A_625 = arith.constant 0 : i32
      %parallel_loop3A_626 = arith.constant 1024 : i32
      %parallel_loop3A_627 = arith.constant 16 : i32
      scf.for %parallel_loop3A_628 = %parallel_loop3A_625 to %parallel_loop3A_626 step %parallel_loop3A_627  : i32 {
        %parallel_loop3A_629 = arith.index_cast %parallel_loop3A_624 : i32 to index
        %parallel_loop3A_630 = arith.index_cast %parallel_loop3A_628 : i32 to index
        %parallel_loop3A_631 = tpu.vector_load %arg5[%parallel_loop3A_629, %parallel_loop3A_630] {strides = array<i32>} : memref<8x1024xf32, #tpu.memory_space<vmem>>, vector<1x16xf32>,
        %parallel_loop3A_632 = vector.shape_cast %parallel_loop3A_631 : vector<1x16xf32> to vector<16xf32>
        %parallel_loop3A_633 = arith.constant 0 : i32
        %parallel_loop3A_634 = arith.index_cast %parallel_loop3A_633 : i32 to index
        %parallel_loop3A_635 = arith.index_cast %parallel_loop3A_624 : i32 to index
        %parallel_loop3A_636 = arith.index_cast %parallel_loop3A_628 : i32 to index
        %parallel_loop3A_637 = tpu.vector_load %arg9[%parallel_loop3A_634, %parallel_loop3A_635, %parallel_loop3A_636] {strides = array<i32>} : memref<4x8x1024xf32, #tpu.memory_space<vmem>>, vector<1x1x16xf32>,
        %parallel_loop3A_638 = vector.shape_cast %parallel_loop3A_637 : vector<1x1x16xf32> to vector<16xf32>
        %parallel_loop3A_639 = vector.shape_cast %parallel_loop3A_632 : vector<16xf32> to vector<1x1x16xf32>
        tpu.vector_store %arg9[%parallel_loop3A_634, %parallel_loop3A_635, %parallel_loop3A_636], %parallel_loop3A_639 {add = true, strides = array<i32>} : memref<4x8x1024xf32, #tpu.memory_space<vmem>>, vector<1x1x16xf32>,
        %parallel_loop3A_640 = arith.constant 1 : i32
        %parallel_loop3A_641 = arith.index_cast %parallel_loop3A_640 : i32 to index
        %parallel_loop3A_642 = arith.index_cast %parallel_loop3A_624 : i32 to index
        %parallel_loop3A_643 = arith.index_cast %parallel_loop3A_628 : i32 to index
        %parallel_loop3A_644 = tpu.vector_load %arg9[%parallel_loop3A_641, %parallel_loop3A_642, %parallel_loop3A_643] {strides = array<i32>} : memref<4x8x1024xf32, #tpu.memory_space<vmem>>, vector<1x1x16xf32>,
        %parallel_loop3A_645 = vector.shape_cast %parallel_loop3A_644 : vector<1x1x16xf32> to vector<16xf32>
        %parallel_loop3A_646 = vector.shape_cast %parallel_loop3A_632 : vector<16xf32> to vector<1x1x16xf32>
        tpu.vector_store %arg9[%parallel_loop3A_641, %parallel_loop3A_642, %parallel_loop3A_643], %parallel_loop3A_646 {add = true, strides = array<i32>} : memref<4x8x1024xf32, #tpu.memory_space<vmem>>, vector<1x1x16xf32>,
        %parallel_loop3A_647 = arith.constant 2 : i32
        %parallel_loop3A_648 = arith.index_cast %parallel_loop3A_647 : i32 to index
        %parallel_loop3A_649 = arith.index_cast %parallel_loop3A_624 : i32 to index
        %parallel_loop3A_650 = arith.index_cast %parallel_loop3A_628 : i32 to index
        %parallel_loop3A_651 = tpu.vector_load %arg9[%parallel_loop3A_648, %parallel_loop3A_649, %parallel_loop3A_650] {strides = array<i32>} : memref<4x8x1024xf32, #tpu.memory_space<vmem>>, vector<1x1x16xf32>,
        %parallel_loop3A_652 = vector.shape_cast %parallel_loop3A_651 : vector<1x1x16xf32> to vector<16xf32>
        %parallel_loop3A_653 = vector.shape_cast %parallel_loop3A_632 : vector<16xf32> to vector<1x1x16xf32>
        tpu.vector_store %arg9[%parallel_loop3A_648, %parallel_loop3A_649, %parallel_loop3A_650], %parallel_loop3A_653 {add = true, strides = array<i32>} : memref<4x8x1024xf32, #tpu.memory_space<vmem>>, vector<1x1x16xf32>,
        %parallel_loop3A_654 = arith.constant 3 : i32
        %parallel_loop3A_655 = arith.index_cast %parallel_loop3A_654 : i32 to index
        %parallel_loop3A_656 = arith.index_cast %parallel_loop3A_624 : i32 to index
        %parallel_loop3A_657 = arith.index_cast %parallel_loop3A_628 : i32 to index
        %parallel_loop3A_658 = tpu.vector_load %arg9[%parallel_loop3A_655, %parallel_loop3A_656, %parallel_loop3A_657] {strides = array<i32>} : memref<4x8x1024xf32, #tpu.memory_space<vmem>>, vector<1x1x16xf32>,
        %parallel_loop3A_659 = vector.shape_cast %parallel_loop3A_658 : vector<1x1x16xf32> to vector<16xf32>
        %parallel_loop3A_660 = vector.shape_cast %parallel_loop3A_632 : vector<16xf32> to vector<1x1x16xf32>
        tpu.vector_store %arg9[%parallel_loop3A_655, %parallel_loop3A_656, %parallel_loop3A_657], %parallel_loop3A_660 {add = true, strides = array<i32>} : memref<4x8x1024xf32, #tpu.memory_space<vmem>>, vector<1x1x16xf32>,
      } {sc.loop_unroll_factor = 2 : i64, sc.parallel_access}
    } {sc.loop_unroll_factor = 1 : i64, sc.parallel_access}
    %add3A_343 = arith.constant 64 : i32
    %add3A_344 = arith.addi %mul3A_2, %add3A_343 : i32
    %dma_start3A_345 = arith.constant 0 : i32
    %dma_start3A_346 = arith.constant 0 : i32
    %dma_start3A_347 = tpu.memref_slice %arg4[%dma_start3A_345, %add3A_344, %dma_start3A_346] : memref<4x4096x1024xf32, #tpu.memory_space<hbm>> -> memref<4x8x1024xf32, #tpu.memory_space<hbm>>
    %dma_start3A_348 = arith.constant 0 : i32
    %dma_start3A_349 = arith.constant 0 : i32
    %dma_start3A_350 = tpu.memref_slice %arg4[%dma_start3A_348, %add3A_344, %dma_start3A_349] : memref<4x4096x1024xf32, #tpu.memory_space<hbm>> -> memref<4x8x1024xf32, #tpu.memory_space<hbm>>
    tpu.enqueue_dma source(%arg9 : memref<4x8x1024xf32, #tpu.memory_space<vmem>>) target(%dma_start3A_350 : memref<4x8x1024xf32, #tpu.memory_space<hbm>>) target_semaphore(%arg12 : memref<!tpu.dma_semaphore, #tpu.memory_space<semaphore_mem>>)
    %dma_wait3A_351 = arith.constant 0 : i32
    %dma_wait3A_352 = arith.constant 0 : i32
    %dma_wait3A_353 = tpu.memref_slice %arg4[%dma_wait3A_351, %add3A_305, %dma_wait3A_352] : memref<4x4096x1024xf32, #tpu.memory_space<hbm>> -> memref<4x8x1024xf32, #tpu.memory_space<hbm>>
    %dma_wait3A_354 = arith.constant 0 : i32
    %dma_wait3A_355 = arith.constant 0 : i32
    %dma_wait3A_356 = tpu.memref_slice %arg4[%dma_wait3A_354, %add3A_305, %dma_wait3A_355] : memref<4x4096x1024xf32, #tpu.memory_space<hbm>> -> memref<4x8x1024xf32, #tpu.memory_space<hbm>>
    tpu.wait_dma2 semaphore(%arg13 : memref<!tpu.dma_semaphore, #tpu.memory_space<semaphore_mem>>) src(%arg8 : memref<4x8x1024xf32, #tpu.memory_space<vmem>>) dst(%dma_wait3A_356 : memref<4x8x1024xf32, #tpu.memory_space<hbm>>)
    %add3A_357 = arith.constant 80 : i32
    %add3A_358 = arith.addi %mul3A_2, %add3A_357 : i32
    %dma_start3A_359 = arith.constant 0 : i32
    %dma_start3A_360 = tpu.memref_slice %arg3[%add3A_358, %dma_start3A_359] : memref<8192x1024xf32, #tpu.memory_space<hbm>> -> memref<8x1024xf32, #tpu.memory_space<hbm>>
    %dma_start3A_361 = arith.constant 0 : i32
    %dma_start3A_362 = tpu.memref_slice %arg3[%add3A_358, %dma_start3A_361] : memref<8192x1024xf32, #tpu.memory_space<hbm>> -> memref<8x1024xf32, #tpu.memory_space<hbm>>
    tpu.enqueue_dma source(%dma_start3A_362 : memref<8x1024xf32, #tpu.memory_space<hbm>>) target(%arg5 : memref<8x1024xf32, #tpu.memory_space<vmem>>) target_semaphore(%arg10 : memref<!tpu.dma_semaphore, #tpu.memory_space<semaphore_mem>>)
    %dma_start3A_363 = arith.constant 0 : i32
    %dma_start3A_364 = arith.constant 0 : i32
    %dma_start3A_365 = tpu.memref_slice %arg2[%dma_start3A_363, %add3A_358, %dma_start3A_364] : memref<4x4096x1024xf32, #tpu.memory_space<hbm>> -> memref<4x8x1024xf32, #tpu.memory_space<hbm>>
    %dma_start3A_366 = arith.constant 0 : i32
    %dma_start3A_367 = arith.constant 0 : i32
    %dma_start3A_368 = tpu.memref_slice %arg2[%dma_start3A_366, %add3A_358, %dma_start3A_367] : memref<4x4096x1024xf32, #tpu.memory_space<hbm>> -> memref<4x8x1024xf32, #tpu.memory_space<hbm>>
    tpu.enqueue_dma source(%dma_start3A_368 : memref<4x8x1024xf32, #tpu.memory_space<hbm>>) target(%arg8 : memref<4x8x1024xf32, #tpu.memory_space<vmem>>) target_semaphore(%arg10 : memref<!tpu.dma_semaphore, #tpu.memory_space<semaphore_mem>>)
    %dma_wait3A_369 = arith.constant 0 : i32
    %dma_wait3A_370 = tpu.memref_slice %arg3[%add3A_319, %dma_wait3A_369] : memref<8192x1024xf32, #tpu.memory_space<hbm>> -> memref<8x1024xf32, #tpu.memory_space<hbm>>
    %dma_wait3A_371 = arith.constant 0 : i32
    %dma_wait3A_372 = tpu.memref_slice %arg3[%add3A_319, %dma_wait3A_371] : memref<8192x1024xf32, #tpu.memory_space<hbm>> -> memref<8x1024xf32, #tpu.memory_space<hbm>>
    tpu.wait_dma2 semaphore(%arg11 : memref<!tpu.dma_semaphore, #tpu.memory_space<semaphore_mem>>) src(%dma_wait3A_372 : memref<8x1024xf32, #tpu.memory_space<hbm>>) dst(%arg6 : memref<8x1024xf32, #tpu.memory_space<vmem>>)
    %dma_wait3A_373 = arith.constant 0 : i32
    %dma_wait3A_374 = arith.constant 0 : i32
    %dma_wait3A_375 = tpu.memref_slice %arg2[%dma_wait3A_373, %add3A_319, %dma_wait3A_374] : memref<4x4096x1024xf32, #tpu.memory_space<hbm>> -> memref<4x8x1024xf32, #tpu.memory_space<hbm>>
    %dma_wait3A_376 = arith.constant 0 : i32
    %dma_wait3A_377 = arith.constant 0 : i32
    %dma_wait3A_378 = tpu.memref_slice %arg2[%dma_wait3A_376, %add3A_319, %dma_wait3A_377] : memref<4x4096x1024xf32, #tpu.memory_space<hbm>> -> memref<4x8x1024xf32, #tpu.memory_space<hbm>>
    tpu.wait_dma2 semaphore(%arg11 : memref<!tpu.dma_semaphore, #tpu.memory_space<semaphore_mem>>) src(%dma_wait3A_378 : memref<4x8x1024xf32, #tpu.memory_space<hbm>>) dst(%arg7 : memref<4x8x1024xf32, #tpu.memory_space<vmem>>)
    %parallel_loop3A_379 = arith.constant 0 : i32
    %parallel_loop3A_380 = arith.constant 8 : i32
    %parallel_loop3A_381 = arith.constant 1 : i32
    scf.for %parallel_loop3A_624 = %parallel_loop3A_379 to %parallel_loop3A_380 step %parallel_loop3A_381  : i32 {
      %parallel_loop3A_625 = arith.constant 0 : i32
      %parallel_loop3A_626 = arith.constant 1024 : i32
      %parallel_loop3A_627 = arith.constant 16 : i32
      scf.for %parallel_loop3A_628 = %parallel_loop3A_625 to %parallel_loop3A_626 step %parallel_loop3A_627  : i32 {
        %parallel_loop3A_629 = arith.index_cast %parallel_loop3A_624 : i32 to index
        %parallel_loop3A_630 = arith.index_cast %parallel_loop3A_628 : i32 to index
        %parallel_loop3A_631 = tpu.vector_load %arg6[%parallel_loop3A_629, %parallel_loop3A_630] {strides = array<i32>} : memref<8x1024xf32, #tpu.memory_space<vmem>>, vector<1x16xf32>,
        %parallel_loop3A_632 = vector.shape_cast %parallel_loop3A_631 : vector<1x16xf32> to vector<16xf32>
        %parallel_loop3A_633 = arith.constant 0 : i32
        %parallel_loop3A_634 = arith.index_cast %parallel_loop3A_633 : i32 to index
        %parallel_loop3A_635 = arith.index_cast %parallel_loop3A_624 : i32 to index
        %parallel_loop3A_636 = arith.index_cast %parallel_loop3A_628 : i32 to index
        %parallel_loop3A_637 = tpu.vector_load %arg7[%parallel_loop3A_634, %parallel_loop3A_635, %parallel_loop3A_636] {strides = array<i32>} : memref<4x8x1024xf32, #tpu.memory_space<vmem>>, vector<1x1x16xf32>,
        %parallel_loop3A_638 = vector.shape_cast %parallel_loop3A_637 : vector<1x1x16xf32> to vector<16xf32>
        %parallel_loop3A_639 = vector.shape_cast %parallel_loop3A_632 : vector<16xf32> to vector<1x1x16xf32>
        tpu.vector_store %arg7[%parallel_loop3A_634, %parallel_loop3A_635, %parallel_loop3A_636], %parallel_loop3A_639 {add = true, strides = array<i32>} : memref<4x8x1024xf32, #tpu.memory_space<vmem>>, vector<1x1x16xf32>,
        %parallel_loop3A_640 = arith.constant 1 : i32
        %parallel_loop3A_641 = arith.index_cast %parallel_loop3A_640 : i32 to index
        %parallel_loop3A_642 = arith.index_cast %parallel_loop3A_624 : i32 to index
        %parallel_loop3A_643 = arith.index_cast %parallel_loop3A_628 : i32 to index
        %parallel_loop3A_644 = tpu.vector_load %arg7[%parallel_loop3A_641, %parallel_loop3A_642, %parallel_loop3A_643] {strides = array<i32>} : memref<4x8x1024xf32, #tpu.memory_space<vmem>>, vector<1x1x16xf32>,
        %parallel_loop3A_645 = vector.shape_cast %parallel_loop3A_644 : vector<1x1x16xf32> to vector<16xf32>
        %parallel_loop3A_646 = vector.shape_cast %parallel_loop3A_632 : vector<16xf32> to vector<1x1x16xf32>
        tpu.vector_store %arg7[%parallel_loop3A_641, %parallel_loop3A_642, %parallel_loop3A_643], %parallel_loop3A_646 {add = true, strides = array<i32>} : memref<4x8x1024xf32, #tpu.memory_space<vmem>>, vector<1x1x16xf32>,
        %parallel_loop3A_647 = arith.constant 2 : i32
        %parallel_loop3A_648 = arith.index_cast %parallel_loop3A_647 : i32 to index
        %parallel_loop3A_649 = arith.index_cast %parallel_loop3A_624 : i32 to index
        %parallel_loop3A_650 = arith.index_cast %parallel_loop3A_628 : i32 to index
        %parallel_loop3A_651 = tpu.vector_load %arg7[%parallel_loop3A_648, %parallel_loop3A_649, %parallel_loop3A_650] {strides = array<i32>} : memref<4x8x1024xf32, #tpu.memory_space<vmem>>, vector<1x1x16xf32>,
        %parallel_loop3A_652 = vector.shape_cast %parallel_loop3A_651 : vector<1x1x16xf32> to vector<16xf32>
        %parallel_loop3A_653 = vector.shape_cast %parallel_loop3A_632 : vector<16xf32> to vector<1x1x16xf32>
        tpu.vector_store %arg7[%parallel_loop3A_648, %parallel_loop3A_649, %parallel_loop3A_650], %parallel_loop3A_653 {add = true, strides = array<i32>} : memref<4x8x1024xf32, #tpu.memory_space<vmem>>, vector<1x1x16xf32>,
        %parallel_loop3A_654 = arith.constant 3 : i32
        %parallel_loop3A_655 = arith.index_cast %parallel_loop3A_654 : i32 to index
        %parallel_loop3A_656 = arith.index_cast %parallel_loop3A_624 : i32 to index
        %parallel_loop3A_657 = arith.index_cast %parallel_loop3A_628 : i32 to index
        %parallel_loop3A_658 = tpu.vector_load %arg7[%parallel_loop3A_655, %parallel_loop3A_656, %parallel_loop3A_657] {strides = array<i32>} : memref<4x8x1024xf32, #tpu.memory_space<vmem>>, vector<1x1x16xf32>,
        %parallel_loop3A_659 = vector.shape_cast %parallel_loop3A_658 : vector<1x1x16xf32> to vector<16xf32>
        %parallel_loop3A_660 = vector.shape_cast %parallel_loop3A_632 : vector<16xf32> to vector<1x1x16xf32>
        tpu.vector_store %arg7[%parallel_loop3A_655, %parallel_loop3A_656, %parallel_loop3A_657], %parallel_loop3A_660 {add = true, strides = array<i32>} : memref<4x8x1024xf32, #tpu.memory_space<vmem>>, vector<1x1x16xf32>,
      } {sc.loop_unroll_factor = 2 : i64, sc.parallel_access}
    } {sc.loop_unroll_factor = 1 : i64, sc.parallel_access}
    %add3A_382 = arith.constant 72 : i32
    %add3A_383 = arith.addi %mul3A_2, %add3A_382 : i32
    %dma_start3A_384 = arith.constant 0 : i32
    %dma_start3A_385 = arith.constant 0 : i32
    %dma_start3A_386 = tpu.memref_slice %arg4[%dma_start3A_384, %add3A_383, %dma_start3A_385] : memref<4x4096x1024xf32, #tpu.memory_space<hbm>> -> memref<4x8x1024xf32, #tpu.memory_space<hbm>>
    %dma_start3A_387 = arith.constant 0 : i32
    %dma_start3A_388 = arith.constant 0 : i32
    %dma_start3A_389 = tpu.memref_slice %arg4[%dma_start3A_387, %add3A_383, %dma_start3A_388] : memref<4x4096x1024xf32, #tpu.memory_space<hbm>> -> memref<4x8x1024xf32, #tpu.memory_space<hbm>>
    tpu.enqueue_dma source(%arg7 : memref<4x8x1024xf32, #tpu.memory_space<vmem>>) target(%dma_start3A_389 : memref<4x8x1024xf32, #tpu.memory_space<hbm>>) target_semaphore(%arg13 : memref<!tpu.dma_semaphore, #tpu.memory_space<semaphore_mem>>)
    %dma_wait3A_390 = arith.constant 0 : i32
    %dma_wait3A_391 = arith.constant 0 : i32
    %dma_wait3A_392 = tpu.memref_slice %arg4[%dma_wait3A_390, %add3A_344, %dma_wait3A_391] : memref<4x4096x1024xf32, #tpu.memory_space<hbm>> -> memref<4x8x1024xf32, #tpu.memory_space<hbm>>
    %dma_wait3A_393 = arith.constant 0 : i32
    %dma_wait3A_394 = arith.constant 0 : i32
    %dma_wait3A_395 = tpu.memref_slice %arg4[%dma_wait3A_393, %add3A_344, %dma_wait3A_394] : memref<4x4096x1024xf32, #tpu.memory_space<hbm>> -> memref<4x8x1024xf32, #tpu.memory_space<hbm>>
    tpu.wait_dma2 semaphore(%arg12 : memref<!tpu.dma_semaphore, #tpu.memory_space<semaphore_mem>>) src(%arg9 : memref<4x8x1024xf32, #tpu.memory_space<vmem>>) dst(%dma_wait3A_395 : memref<4x8x1024xf32, #tpu.memory_space<hbm>>)
    %add3A_396 = arith.constant 88 : i32
    %add3A_397 = arith.addi %mul3A_2, %add3A_396 : i32
    %dma_start3A_398 = arith.constant 0 : i32
    %dma_start3A_399 = tpu.memref_slice %arg3[%add3A_397, %dma_start3A_398] : memref<8192x1024xf32, #tpu.memory_space<hbm>> -> memref<8x1024xf32, #tpu.memory_space<hbm>>
    %dma_start3A_400 = arith.constant 0 : i32
    %dma_start3A_401 = tpu.memref_slice %arg3[%add3A_397, %dma_start3A_400] : memref<8192x1024xf32, #tpu.memory_space<hbm>> -> memref<8x1024xf32, #tpu.memory_space<hbm>>
    tpu.enqueue_dma source(%dma_start3A_401 : memref<8x1024xf32, #tpu.memory_space<hbm>>) target(%arg6 : memref<8x1024xf32, #tpu.memory_space<vmem>>) target_semaphore(%arg11 : memref<!tpu.dma_semaphore, #tpu.memory_space<semaphore_mem>>)
    %dma_start3A_402 = arith.constant 0 : i32
    %dma_start3A_403 = arith.constant 0 : i32
    %dma_start3A_404 = tpu.memref_slice %arg2[%dma_start3A_402, %add3A_397, %dma_start3A_403] : memref<4x4096x1024xf32, #tpu.memory_space<hbm>> -> memref<4x8x1024xf32, #tpu.memory_space<hbm>>
    %dma_start3A_405 = arith.constant 0 : i32
    %dma_start3A_406 = arith.constant 0 : i32
    %dma_start3A_407 = tpu.memref_slice %arg2[%dma_start3A_405, %add3A_397, %dma_start3A_406] : memref<4x4096x1024xf32, #tpu.memory_space<hbm>> -> memref<4x8x1024xf32, #tpu.memory_space<hbm>>
    tpu.enqueue_dma source(%dma_start3A_407 : memref<4x8x1024xf32, #tpu.memory_space<hbm>>) target(%arg9 : memref<4x8x1024xf32, #tpu.memory_space<vmem>>) target_semaphore(%arg11 : memref<!tpu.dma_semaphore, #tpu.memory_space<semaphore_mem>>)
    %dma_wait3A_408 = arith.constant 0 : i32
    %dma_wait3A_409 = tpu.memref_slice %arg3[%add3A_358, %dma_wait3A_408] : memref<8192x1024xf32, #tpu.memory_space<hbm>> -> memref<8x1024xf32, #tpu.memory_space<hbm>>
    %dma_wait3A_410 = arith.constant 0 : i32
    %dma_wait3A_411 = tpu.memref_slice %arg3[%add3A_358, %dma_wait3A_410] : memref<8192x1024xf32, #tpu.memory_space<hbm>> -> memref<8x1024xf32, #tpu.memory_space<hbm>>
    tpu.wait_dma2 semaphore(%arg10 : memref<!tpu.dma_semaphore, #tpu.memory_space<semaphore_mem>>) src(%dma_wait3A_411 : memref<8x1024xf32, #tpu.memory_space<hbm>>) dst(%arg5 : memref<8x1024xf32, #tpu.memory_space<vmem>>)
    %dma_wait3A_412 = arith.constant 0 : i32
    %dma_wait3A_413 = arith.constant 0 : i32
    %dma_wait3A_414 = tpu.memref_slice %arg2[%dma_wait3A_412, %add3A_358, %dma_wait3A_413] : memref<4x4096x1024xf32, #tpu.memory_space<hbm>> -> memref<4x8x1024xf32, #tpu.memory_space<hbm>>
    %dma_wait3A_415 = arith.constant 0 : i32
    %dma_wait3A_416 = arith.constant 0 : i32
    %dma_wait3A_417 = tpu.memref_slice %arg2[%dma_wait3A_415, %add3A_358, %dma_wait3A_416] : memref<4x4096x1024xf32, #tpu.memory_space<hbm>> -> memref<4x8x1024xf32, #tpu.memory_space<hbm>>
    tpu.wait_dma2 semaphore(%arg10 : memref<!tpu.dma_semaphore, #tpu.memory_space<semaphore_mem>>) src(%dma_wait3A_417 : memref<4x8x1024xf32, #tpu.memory_space<hbm>>) dst(%arg8 : memref<4x8x1024xf32, #tpu.memory_space<vmem>>)
    %parallel_loop3A_418 = arith.constant 0 : i32
    %parallel_loop3A_419 = arith.constant 8 : i32
    %parallel_loop3A_420 = arith.constant 1 : i32
    scf.for %parallel_loop3A_624 = %parallel_loop3A_418 to %parallel_loop3A_419 step %parallel_loop3A_420  : i32 {
      %parallel_loop3A_625 = arith.constant 0 : i32
      %parallel_loop3A_626 = arith.constant 1024 : i32
      %parallel_loop3A_627 = arith.constant 16 : i32
      scf.for %parallel_loop3A_628 = %parallel_loop3A_625 to %parallel_loop3A_626 step %parallel_loop3A_627  : i32 {
        %parallel_loop3A_629 = arith.index_cast %parallel_loop3A_624 : i32 to index
        %parallel_loop3A_630 = arith.index_cast %parallel_loop3A_628 : i32 to index
        %parallel_loop3A_631 = tpu.vector_load %arg5[%parallel_loop3A_629, %parallel_loop3A_630] {strides = array<i32>} : memref<8x1024xf32, #tpu.memory_space<vmem>>, vector<1x16xf32>,
        %parallel_loop3A_632 = vector.shape_cast %parallel_loop3A_631 : vector<1x16xf32> to vector<16xf32>
        %parallel_loop3A_633 = arith.constant 0 : i32
        %parallel_loop3A_634 = arith.index_cast %parallel_loop3A_633 : i32 to index
        %parallel_loop3A_635 = arith.index_cast %parallel_loop3A_624 : i32 to index
        %parallel_loop3A_636 = arith.index_cast %parallel_loop3A_628 : i32 to index
        %parallel_loop3A_637 = tpu.vector_load %arg8[%parallel_loop3A_634, %parallel_loop3A_635, %parallel_loop3A_636] {strides = array<i32>} : memref<4x8x1024xf32, #tpu.memory_space<vmem>>, vector<1x1x16xf32>,
        %parallel_loop3A_638 = vector.shape_cast %parallel_loop3A_637 : vector<1x1x16xf32> to vector<16xf32>
        %parallel_loop3A_639 = vector.shape_cast %parallel_loop3A_632 : vector<16xf32> to vector<1x1x16xf32>
        tpu.vector_store %arg8[%parallel_loop3A_634, %parallel_loop3A_635, %parallel_loop3A_636], %parallel_loop3A_639 {add = true, strides = array<i32>} : memref<4x8x1024xf32, #tpu.memory_space<vmem>>, vector<1x1x16xf32>,
        %parallel_loop3A_640 = arith.constant 1 : i32
        %parallel_loop3A_641 = arith.index_cast %parallel_loop3A_640 : i32 to index
        %parallel_loop3A_642 = arith.index_cast %parallel_loop3A_624 : i32 to index
        %parallel_loop3A_643 = arith.index_cast %parallel_loop3A_628 : i32 to index
        %parallel_loop3A_644 = tpu.vector_load %arg8[%parallel_loop3A_641, %parallel_loop3A_642, %parallel_loop3A_643] {strides = array<i32>} : memref<4x8x1024xf32, #tpu.memory_space<vmem>>, vector<1x1x16xf32>,
        %parallel_loop3A_645 = vector.shape_cast %parallel_loop3A_644 : vector<1x1x16xf32> to vector<16xf32>
        %parallel_loop3A_646 = vector.shape_cast %parallel_loop3A_632 : vector<16xf32> to vector<1x1x16xf32>
        tpu.vector_store %arg8[%parallel_loop3A_641, %parallel_loop3A_642, %parallel_loop3A_643], %parallel_loop3A_646 {add = true, strides = array<i32>} : memref<4x8x1024xf32, #tpu.memory_space<vmem>>, vector<1x1x16xf32>,
        %parallel_loop3A_647 = arith.constant 2 : i32
        %parallel_loop3A_648 = arith.index_cast %parallel_loop3A_647 : i32 to index
        %parallel_loop3A_649 = arith.index_cast %parallel_loop3A_624 : i32 to index
        %parallel_loop3A_650 = arith.index_cast %parallel_loop3A_628 : i32 to index
        %parallel_loop3A_651 = tpu.vector_load %arg8[%parallel_loop3A_648, %parallel_loop3A_649, %parallel_loop3A_650] {strides = array<i32>} : memref<4x8x1024xf32, #tpu.memory_space<vmem>>, vector<1x1x16xf32>,
        %parallel_loop3A_652 = vector.shape_cast %parallel_loop3A_651 : vector<1x1x16xf32> to vector<16xf32>
        %parallel_loop3A_653 = vector.shape_cast %parallel_loop3A_632 : vector<16xf32> to vector<1x1x16xf32>
        tpu.vector_store %arg8[%parallel_loop3A_648, %parallel_loop3A_649, %parallel_loop3A_650], %parallel_loop3A_653 {add = true, strides = array<i32>} : memref<4x8x1024xf32, #tpu.memory_space<vmem>>, vector<1x1x16xf32>,
        %parallel_loop3A_654 = arith.constant 3 : i32
        %parallel_loop3A_655 = arith.index_cast %parallel_loop3A_654 : i32 to index
        %parallel_loop3A_656 = arith.index_cast %parallel_loop3A_624 : i32 to index
        %parallel_loop3A_657 = arith.index_cast %parallel_loop3A_628 : i32 to index
        %parallel_loop3A_658 = tpu.vector_load %arg8[%parallel_loop3A_655, %parallel_loop3A_656, %parallel_loop3A_657] {strides = array<i32>} : memref<4x8x1024xf32, #tpu.memory_space<vmem>>, vector<1x1x16xf32>,
        %parallel_loop3A_659 = vector.shape_cast %parallel_loop3A_658 : vector<1x1x16xf32> to vector<16xf32>
        %parallel_loop3A_660 = vector.shape_cast %parallel_loop3A_632 : vector<16xf32> to vector<1x1x16xf32>
        tpu.vector_store %arg8[%parallel_loop3A_655, %parallel_loop3A_656, %parallel_loop3A_657], %parallel_loop3A_660 {add = true, strides = array<i32>} : memref<4x8x1024xf32, #tpu.memory_space<vmem>>, vector<1x1x16xf32>,
      } {sc.loop_unroll_factor = 2 : i64, sc.parallel_access}
    } {sc.loop_unroll_factor = 1 : i64, sc.parallel_access}
    %add3A_421 = arith.constant 80 : i32
    %add3A_422 = arith.addi %mul3A_2, %add3A_421 : i32
    %dma_start3A_423 = arith.constant 0 : i32
    %dma_start3A_424 = arith.constant 0 : i32
    %dma_start3A_425 = tpu.memref_slice %arg4[%dma_start3A_423, %add3A_422, %dma_start3A_424] : memref<4x4096x1024xf32, #tpu.memory_space<hbm>> -> memref<4x8x1024xf32, #tpu.memory_space<hbm>>
    %dma_start3A_426 = arith.constant 0 : i32
    %dma_start3A_427 = arith.constant 0 : i32
    %dma_start3A_428 = tpu.memref_slice %arg4[%dma_start3A_426, %add3A_422, %dma_start3A_427] : memref<4x4096x1024xf32, #tpu.memory_space<hbm>> -> memref<4x8x1024xf32, #tpu.memory_space<hbm>>
    tpu.enqueue_dma source(%arg8 : memref<4x8x1024xf32, #tpu.memory_space<vmem>>) target(%dma_start3A_428 : memref<4x8x1024xf32, #tpu.memory_space<hbm>>) target_semaphore(%arg12 : memref<!tpu.dma_semaphore, #tpu.memory_space<semaphore_mem>>)
    %dma_wait3A_429 = arith.constant 0 : i32
    %dma_wait3A_430 = arith.constant 0 : i32
    %dma_wait3A_431 = tpu.memref_slice %arg4[%dma_wait3A_429, %add3A_383, %dma_wait3A_430] : memref<4x4096x1024xf32, #tpu.memory_space<hbm>> -> memref<4x8x1024xf32, #tpu.memory_space<hbm>>
    %dma_wait3A_432 = arith.constant 0 : i32
    %dma_wait3A_433 = arith.constant 0 : i32
    %dma_wait3A_434 = tpu.memref_slice %arg4[%dma_wait3A_432, %add3A_383, %dma_wait3A_433] : memref<4x4096x1024xf32, #tpu.memory_space<hbm>> -> memref<4x8x1024xf32, #tpu.memory_space<hbm>>
    tpu.wait_dma2 semaphore(%arg13 : memref<!tpu.dma_semaphore, #tpu.memory_space<semaphore_mem>>) src(%arg7 : memref<4x8x1024xf32, #tpu.memory_space<vmem>>) dst(%dma_wait3A_434 : memref<4x8x1024xf32, #tpu.memory_space<hbm>>)
    %add3A_435 = arith.constant 96 : i32
    %add3A_436 = arith.addi %mul3A_2, %add3A_435 : i32
    %dma_start3A_437 = arith.constant 0 : i32
    %dma_start3A_438 = tpu.memref_slice %arg3[%add3A_436, %dma_start3A_437] : memref<8192x1024xf32, #tpu.memory_space<hbm>> -> memref<8x1024xf32, #tpu.memory_space<hbm>>
    %dma_start3A_439 = arith.constant 0 : i32
    %dma_start3A_440 = tpu.memref_slice %arg3[%add3A_436, %dma_start3A_439] : memref<8192x1024xf32, #tpu.memory_space<hbm>> -> memref<8x1024xf32, #tpu.memory_space<hbm>>
    tpu.enqueue_dma source(%dma_start3A_440 : memref<8x1024xf32, #tpu.memory_space<hbm>>) target(%arg5 : memref<8x1024xf32, #tpu.memory_space<vmem>>) target_semaphore(%arg10 : memref<!tpu.dma_semaphore, #tpu.memory_space<semaphore_mem>>)
    %dma_start3A_441 = arith.constant 0 : i32
    %dma_start3A_442 = arith.constant 0 : i32
    %dma_start3A_443 = tpu.memref_slice %arg2[%dma_start3A_441, %add3A_436, %dma_start3A_442] : memref<4x4096x1024xf32, #tpu.memory_space<hbm>> -> memref<4x8x1024xf32, #tpu.memory_space<hbm>>
    %dma_start3A_444 = arith.constant 0 : i32
    %dma_start3A_445 = arith.constant 0 : i32
    %dma_start3A_446 = tpu.memref_slice %arg2[%dma_start3A_444, %add3A_436, %dma_start3A_445] : memref<4x4096x1024xf32, #tpu.memory_space<hbm>> -> memref<4x8x1024xf32, #tpu.memory_space<hbm>>
    tpu.enqueue_dma source(%dma_start3A_446 : memref<4x8x1024xf32, #tpu.memory_space<hbm>>) target(%arg7 : memref<4x8x1024xf32, #tpu.memory_space<vmem>>) target_semaphore(%arg10 : memref<!tpu.dma_semaphore, #tpu.memory_space<semaphore_mem>>)
    %dma_wait3A_447 = arith.constant 0 : i32
    %dma_wait3A_448 = tpu.memref_slice %arg3[%add3A_397, %dma_wait3A_447] : memref<8192x1024xf32, #tpu.memory_space<hbm>> -> memref<8x1024xf32, #tpu.memory_space<hbm>>
    %dma_wait3A_449 = arith.constant 0 : i32
    %dma_wait3A_450 = tpu.memref_slice %arg3[%add3A_397, %dma_wait3A_449] : memref<8192x1024xf32, #tpu.memory_space<hbm>> -> memref<8x1024xf32, #tpu.memory_space<hbm>>
    tpu.wait_dma2 semaphore(%arg11 : memref<!tpu.dma_semaphore, #tpu.memory_space<semaphore_mem>>) src(%dma_wait3A_450 : memref<8x1024xf32, #tpu.memory_space<hbm>>) dst(%arg6 : memref<8x1024xf32, #tpu.memory_space<vmem>>)
    %dma_wait3A_451 = arith.constant 0 : i32
    %dma_wait3A_452 = arith.constant 0 : i32
    %dma_wait3A_453 = tpu.memref_slice %arg2[%dma_wait3A_451, %add3A_397, %dma_wait3A_452] : memref<4x4096x1024xf32, #tpu.memory_space<hbm>> -> memref<4x8x1024xf32, #tpu.memory_space<hbm>>
    %dma_wait3A_454 = arith.constant 0 : i32
    %dma_wait3A_455 = arith.constant 0 : i32
    %dma_wait3A_456 = tpu.memref_slice %arg2[%dma_wait3A_454, %add3A_397, %dma_wait3A_455] : memref<4x4096x1024xf32, #tpu.memory_space<hbm>> -> memref<4x8x1024xf32, #tpu.memory_space<hbm>>
    tpu.wait_dma2 semaphore(%arg11 : memref<!tpu.dma_semaphore, #tpu.memory_space<semaphore_mem>>) src(%dma_wait3A_456 : memref<4x8x1024xf32, #tpu.memory_space<hbm>>) dst(%arg9 : memref<4x8x1024xf32, #tpu.memory_space<vmem>>)
    %parallel_loop3A_457 = arith.constant 0 : i32
    %parallel_loop3A_458 = arith.constant 8 : i32
    %parallel_loop3A_459 = arith.constant 1 : i32
    scf.for %parallel_loop3A_624 = %parallel_loop3A_457 to %parallel_loop3A_458 step %parallel_loop3A_459  : i32 {
      %parallel_loop3A_625 = arith.constant 0 : i32
      %parallel_loop3A_626 = arith.constant 1024 : i32
      %parallel_loop3A_627 = arith.constant 16 : i32
      scf.for %parallel_loop3A_628 = %parallel_loop3A_625 to %parallel_loop3A_626 step %parallel_loop3A_627  : i32 {
        %parallel_loop3A_629 = arith.index_cast %parallel_loop3A_624 : i32 to index
        %parallel_loop3A_630 = arith.index_cast %parallel_loop3A_628 : i32 to index
        %parallel_loop3A_631 = tpu.vector_load %arg6[%parallel_loop3A_629, %parallel_loop3A_630] {strides = array<i32>} : memref<8x1024xf32, #tpu.memory_space<vmem>>, vector<1x16xf32>,
        %parallel_loop3A_632 = vector.shape_cast %parallel_loop3A_631 : vector<1x16xf32> to vector<16xf32>
        %parallel_loop3A_633 = arith.constant 0 : i32
        %parallel_loop3A_634 = arith.index_cast %parallel_loop3A_633 : i32 to index
        %parallel_loop3A_635 = arith.index_cast %parallel_loop3A_624 : i32 to index
        %parallel_loop3A_636 = arith.index_cast %parallel_loop3A_628 : i32 to index
        %parallel_loop3A_637 = tpu.vector_load %arg9[%parallel_loop3A_634, %parallel_loop3A_635, %parallel_loop3A_636] {strides = array<i32>} : memref<4x8x1024xf32, #tpu.memory_space<vmem>>, vector<1x1x16xf32>,
        %parallel_loop3A_638 = vector.shape_cast %parallel_loop3A_637 : vector<1x1x16xf32> to vector<16xf32>
        %parallel_loop3A_639 = vector.shape_cast %parallel_loop3A_632 : vector<16xf32> to vector<1x1x16xf32>
        tpu.vector_store %arg9[%parallel_loop3A_634, %parallel_loop3A_635, %parallel_loop3A_636], %parallel_loop3A_639 {add = true, strides = array<i32>} : memref<4x8x1024xf32, #tpu.memory_space<vmem>>, vector<1x1x16xf32>,
        %parallel_loop3A_640 = arith.constant 1 : i32
        %parallel_loop3A_641 = arith.index_cast %parallel_loop3A_640 : i32 to index
        %parallel_loop3A_642 = arith.index_cast %parallel_loop3A_624 : i32 to index
        %parallel_loop3A_643 = arith.index_cast %parallel_loop3A_628 : i32 to index
        %parallel_loop3A_644 = tpu.vector_load %arg9[%parallel_loop3A_641, %parallel_loop3A_642, %parallel_loop3A_643] {strides = array<i32>} : memref<4x8x1024xf32, #tpu.memory_space<vmem>>, vector<1x1x16xf32>,
        %parallel_loop3A_645 = vector.shape_cast %parallel_loop3A_644 : vector<1x1x16xf32> to vector<16xf32>
        %parallel_loop3A_646 = vector.shape_cast %parallel_loop3A_632 : vector<16xf32> to vector<1x1x16xf32>
        tpu.vector_store %arg9[%parallel_loop3A_641, %parallel_loop3A_642, %parallel_loop3A_643], %parallel_loop3A_646 {add = true, strides = array<i32>} : memref<4x8x1024xf32, #tpu.memory_space<vmem>>, vector<1x1x16xf32>,
        %parallel_loop3A_647 = arith.constant 2 : i32
        %parallel_loop3A_648 = arith.index_cast %parallel_loop3A_647 : i32 to index
        %parallel_loop3A_649 = arith.index_cast %parallel_loop3A_624 : i32 to index
        %parallel_loop3A_650 = arith.index_cast %parallel_loop3A_628 : i32 to index
        %parallel_loop3A_651 = tpu.vector_load %arg9[%parallel_loop3A_648, %parallel_loop3A_649, %parallel_loop3A_650] {strides = array<i32>} : memref<4x8x1024xf32, #tpu.memory_space<vmem>>, vector<1x1x16xf32>,
        %parallel_loop3A_652 = vector.shape_cast %parallel_loop3A_651 : vector<1x1x16xf32> to vector<16xf32>
        %parallel_loop3A_653 = vector.shape_cast %parallel_loop3A_632 : vector<16xf32> to vector<1x1x16xf32>
        tpu.vector_store %arg9[%parallel_loop3A_648, %parallel_loop3A_649, %parallel_loop3A_650], %parallel_loop3A_653 {add = true, strides = array<i32>} : memref<4x8x1024xf32, #tpu.memory_space<vmem>>, vector<1x1x16xf32>,
        %parallel_loop3A_654 = arith.constant 3 : i32
        %parallel_loop3A_655 = arith.index_cast %parallel_loop3A_654 : i32 to index
        %parallel_loop3A_656 = arith.index_cast %parallel_loop3A_624 : i32 to index
        %parallel_loop3A_657 = arith.index_cast %parallel_loop3A_628 : i32 to index
        %parallel_loop3A_658 = tpu.vector_load %arg9[%parallel_loop3A_655, %parallel_loop3A_656, %parallel_loop3A_657] {strides = array<i32>} : memref<4x8x1024xf32, #tpu.memory_space<vmem>>, vector<1x1x16xf32>,
        %parallel_loop3A_659 = vector.shape_cast %parallel_loop3A_658 : vector<1x1x16xf32> to vector<16xf32>
        %parallel_loop3A_660 = vector.shape_cast %parallel_loop3A_632 : vector<16xf32> to vector<1x1x16xf32>
        tpu.vector_store %arg9[%parallel_loop3A_655, %parallel_loop3A_656, %parallel_loop3A_657], %parallel_loop3A_660 {add = true, strides = array<i32>} : memref<4x8x1024xf32, #tpu.memory_space<vmem>>, vector<1x1x16xf32>,
      } {sc.loop_unroll_factor = 2 : i64, sc.parallel_access}
    } {sc.loop_unroll_factor = 1 : i64, sc.parallel_access}
    %add3A_460 = arith.constant 88 : i32
    %add3A_461 = arith.addi %mul3A_2, %add3A_460 : i32
    %dma_start3A_462 = arith.constant 0 : i32
    %dma_start3A_463 = arith.constant 0 : i32
    %dma_start3A_464 = tpu.memref_slice %arg4[%dma_start3A_462, %add3A_461, %dma_start3A_463] : memref<4x4096x1024xf32, #tpu.memory_space<hbm>> -> memref<4x8x1024xf32, #tpu.memory_space<hbm>>
    %dma_start3A_465 = arith.constant 0 : i32
    %dma_start3A_466 = arith.constant 0 : i32
    %dma_start3A_467 = tpu.memref_slice %arg4[%dma_start3A_465, %add3A_461, %dma_start3A_466] : memref<4x4096x1024xf32, #tpu.memory_space<hbm>> -> memref<4x8x1024xf32, #tpu.memory_space<hbm>>
    tpu.enqueue_dma source(%arg9 : memref<4x8x1024xf32, #tpu.memory_space<vmem>>) target(%dma_start3A_467 : memref<4x8x1024xf32, #tpu.memory_space<hbm>>) target_semaphore(%arg13 : memref<!tpu.dma_semaphore, #tpu.memory_space<semaphore_mem>>)
    %dma_wait3A_468 = arith.constant 0 : i32
    %dma_wait3A_469 = arith.constant 0 : i32
    %dma_wait3A_470 = tpu.memref_slice %arg4[%dma_wait3A_468, %add3A_422, %dma_wait3A_469] : memref<4x4096x1024xf32, #tpu.memory_space<hbm>> -> memref<4x8x1024xf32, #tpu.memory_space<hbm>>
    %dma_wait3A_471 = arith.constant 0 : i32
    %dma_wait3A_472 = arith.constant 0 : i32
    %dma_wait3A_473 = tpu.memref_slice %arg4[%dma_wait3A_471, %add3A_422, %dma_wait3A_472] : memref<4x4096x1024xf32, #tpu.memory_space<hbm>> -> memref<4x8x1024xf32, #tpu.memory_space<hbm>>
    tpu.wait_dma2 semaphore(%arg12 : memref<!tpu.dma_semaphore, #tpu.memory_space<semaphore_mem>>) src(%arg8 : memref<4x8x1024xf32, #tpu.memory_space<vmem>>) dst(%dma_wait3A_473 : memref<4x8x1024xf32, #tpu.memory_space<hbm>>)
    %add3A_474 = arith.constant 104 : i32
    %add3A_475 = arith.addi %mul3A_2, %add3A_474 : i32
    %dma_start3A_476 = arith.constant 0 : i32
    %dma_start3A_477 = tpu.memref_slice %arg3[%add3A_475, %dma_start3A_476] : memref<8192x1024xf32, #tpu.memory_space<hbm>> -> memref<8x1024xf32, #tpu.memory_space<hbm>>
    %dma_start3A_478 = arith.constant 0 : i32
    %dma_start3A_479 = tpu.memref_slice %arg3[%add3A_475, %dma_start3A_478] : memref<8192x1024xf32, #tpu.memory_space<hbm>> -> memref<8x1024xf32, #tpu.memory_space<hbm>>
    tpu.enqueue_dma source(%dma_start3A_479 : memref<8x1024xf32, #tpu.memory_space<hbm>>) target(%arg6 : memref<8x1024xf32, #tpu.memory_space<vmem>>) target_semaphore(%arg11 : memref<!tpu.dma_semaphore, #tpu.memory_space<semaphore_mem>>)
    %dma_start3A_480 = arith.constant 0 : i32
    %dma_start3A_481 = arith.constant 0 : i32
    %dma_start3A_482 = tpu.memref_slice %arg2[%dma_start3A_480, %add3A_475, %dma_start3A_481] : memref<4x4096x1024xf32, #tpu.memory_space<hbm>> -> memref<4x8x1024xf32, #tpu.memory_space<hbm>>
    %dma_start3A_483 = arith.constant 0 : i32
    %dma_start3A_484 = arith.constant 0 : i32
    %dma_start3A_485 = tpu.memref_slice %arg2[%dma_start3A_483, %add3A_475, %dma_start3A_484] : memref<4x4096x1024xf32, #tpu.memory_space<hbm>> -> memref<4x8x1024xf32, #tpu.memory_space<hbm>>
    tpu.enqueue_dma source(%dma_start3A_485 : memref<4x8x1024xf32, #tpu.memory_space<hbm>>) target(%arg8 : memref<4x8x1024xf32, #tpu.memory_space<vmem>>) target_semaphore(%arg11 : memref<!tpu.dma_semaphore, #tpu.memory_space<semaphore_mem>>)
    %dma_wait3A_486 = arith.constant 0 : i32
    %dma_wait3A_487 = tpu.memref_slice %arg3[%add3A_436, %dma_wait3A_486] : memref<8192x1024xf32, #tpu.memory_space<hbm>> -> memref<8x1024xf32, #tpu.memory_space<hbm>>
    %dma_wait3A_488 = arith.constant 0 : i32
    %dma_wait3A_489 = tpu.memref_slice %arg3[%add3A_436, %dma_wait3A_488] : memref<8192x1024xf32, #tpu.memory_space<hbm>> -> memref<8x1024xf32, #tpu.memory_space<hbm>>
    tpu.wait_dma2 semaphore(%arg10 : memref<!tpu.dma_semaphore, #tpu.memory_space<semaphore_mem>>) src(%dma_wait3A_489 : memref<8x1024xf32, #tpu.memory_space<hbm>>) dst(%arg5 : memref<8x1024xf32, #tpu.memory_space<vmem>>)
    %dma_wait3A_490 = arith.constant 0 : i32
    %dma_wait3A_491 = arith.constant 0 : i32
    %dma_wait3A_492 = tpu.memref_slice %arg2[%dma_wait3A_490, %add3A_436, %dma_wait3A_491] : memref<4x4096x1024xf32, #tpu.memory_space<hbm>> -> memref<4x8x1024xf32, #tpu.memory_space<hbm>>
    %dma_wait3A_493 = arith.constant 0 : i32
    %dma_wait3A_494 = arith.constant 0 : i32
    %dma_wait3A_495 = tpu.memref_slice %arg2[%dma_wait3A_493, %add3A_436, %dma_wait3A_494] : memref<4x4096x1024xf32, #tpu.memory_space<hbm>> -> memref<4x8x1024xf32, #tpu.memory_space<hbm>>
    tpu.wait_dma2 semaphore(%arg10 : memref<!tpu.dma_semaphore, #tpu.memory_space<semaphore_mem>>) src(%dma_wait3A_495 : memref<4x8x1024xf32, #tpu.memory_space<hbm>>) dst(%arg7 : memref<4x8x1024xf32, #tpu.memory_space<vmem>>)
    %parallel_loop3A_496 = arith.constant 0 : i32
    %parallel_loop3A_497 = arith.constant 8 : i32
    %parallel_loop3A_498 = arith.constant 1 : i32
    scf.for %parallel_loop3A_624 = %parallel_loop3A_496 to %parallel_loop3A_497 step %parallel_loop3A_498  : i32 {
      %parallel_loop3A_625 = arith.constant 0 : i32
      %parallel_loop3A_626 = arith.constant 1024 : i32
      %parallel_loop3A_627 = arith.constant 16 : i32
      scf.for %parallel_loop3A_628 = %parallel_loop3A_625 to %parallel_loop3A_626 step %parallel_loop3A_627  : i32 {
        %parallel_loop3A_629 = arith.index_cast %parallel_loop3A_624 : i32 to index
        %parallel_loop3A_630 = arith.index_cast %parallel_loop3A_628 : i32 to index
        %parallel_loop3A_631 = tpu.vector_load %arg5[%parallel_loop3A_629, %parallel_loop3A_630] {strides = array<i32>} : memref<8x1024xf32, #tpu.memory_space<vmem>>, vector<1x16xf32>,
        %parallel_loop3A_632 = vector.shape_cast %parallel_loop3A_631 : vector<1x16xf32> to vector<16xf32>
        %parallel_loop3A_633 = arith.constant 0 : i32
        %parallel_loop3A_634 = arith.index_cast %parallel_loop3A_633 : i32 to index
        %parallel_loop3A_635 = arith.index_cast %parallel_loop3A_624 : i32 to index
        %parallel_loop3A_636 = arith.index_cast %parallel_loop3A_628 : i32 to index
        %parallel_loop3A_637 = tpu.vector_load %arg7[%parallel_loop3A_634, %parallel_loop3A_635, %parallel_loop3A_636] {strides = array<i32>} : memref<4x8x1024xf32, #tpu.memory_space<vmem>>, vector<1x1x16xf32>,
        %parallel_loop3A_638 = vector.shape_cast %parallel_loop3A_637 : vector<1x1x16xf32> to vector<16xf32>
        %parallel_loop3A_639 = vector.shape_cast %parallel_loop3A_632 : vector<16xf32> to vector<1x1x16xf32>
        tpu.vector_store %arg7[%parallel_loop3A_634, %parallel_loop3A_635, %parallel_loop3A_636], %parallel_loop3A_639 {add = true, strides = array<i32>} : memref<4x8x1024xf32, #tpu.memory_space<vmem>>, vector<1x1x16xf32>,
        %parallel_loop3A_640 = arith.constant 1 : i32
        %parallel_loop3A_641 = arith.index_cast %parallel_loop3A_640 : i32 to index
        %parallel_loop3A_642 = arith.index_cast %parallel_loop3A_624 : i32 to index
        %parallel_loop3A_643 = arith.index_cast %parallel_loop3A_628 : i32 to index
        %parallel_loop3A_644 = tpu.vector_load %arg7[%parallel_loop3A_641, %parallel_loop3A_642, %parallel_loop3A_643] {strides = array<i32>} : memref<4x8x1024xf32, #tpu.memory_space<vmem>>, vector<1x1x16xf32>,
        %parallel_loop3A_645 = vector.shape_cast %parallel_loop3A_644 : vector<1x1x16xf32> to vector<16xf32>
        %parallel_loop3A_646 = vector.shape_cast %parallel_loop3A_632 : vector<16xf32> to vector<1x1x16xf32>
        tpu.vector_store %arg7[%parallel_loop3A_641, %parallel_loop3A_642, %parallel_loop3A_643], %parallel_loop3A_646 {add = true, strides = array<i32>} : memref<4x8x1024xf32, #tpu.memory_space<vmem>>, vector<1x1x16xf32>,
        %parallel_loop3A_647 = arith.constant 2 : i32
        %parallel_loop3A_648 = arith.index_cast %parallel_loop3A_647 : i32 to index
        %parallel_loop3A_649 = arith.index_cast %parallel_loop3A_624 : i32 to index
        %parallel_loop3A_650 = arith.index_cast %parallel_loop3A_628 : i32 to index
        %parallel_loop3A_651 = tpu.vector_load %arg7[%parallel_loop3A_648, %parallel_loop3A_649, %parallel_loop3A_650] {strides = array<i32>} : memref<4x8x1024xf32, #tpu.memory_space<vmem>>, vector<1x1x16xf32>,
        %parallel_loop3A_652 = vector.shape_cast %parallel_loop3A_651 : vector<1x1x16xf32> to vector<16xf32>
        %parallel_loop3A_653 = vector.shape_cast %parallel_loop3A_632 : vector<16xf32> to vector<1x1x16xf32>
        tpu.vector_store %arg7[%parallel_loop3A_648, %parallel_loop3A_649, %parallel_loop3A_650], %parallel_loop3A_653 {add = true, strides = array<i32>} : memref<4x8x1024xf32, #tpu.memory_space<vmem>>, vector<1x1x16xf32>,
        %parallel_loop3A_654 = arith.constant 3 : i32
        %parallel_loop3A_655 = arith.index_cast %parallel_loop3A_654 : i32 to index
        %parallel_loop3A_656 = arith.index_cast %parallel_loop3A_624 : i32 to index
        %parallel_loop3A_657 = arith.index_cast %parallel_loop3A_628 : i32 to index
        %parallel_loop3A_658 = tpu.vector_load %arg7[%parallel_loop3A_655, %parallel_loop3A_656, %parallel_loop3A_657] {strides = array<i32>} : memref<4x8x1024xf32, #tpu.memory_space<vmem>>, vector<1x1x16xf32>,
        %parallel_loop3A_659 = vector.shape_cast %parallel_loop3A_658 : vector<1x1x16xf32> to vector<16xf32>
        %parallel_loop3A_660 = vector.shape_cast %parallel_loop3A_632 : vector<16xf32> to vector<1x1x16xf32>
        tpu.vector_store %arg7[%parallel_loop3A_655, %parallel_loop3A_656, %parallel_loop3A_657], %parallel_loop3A_660 {add = true, strides = array<i32>} : memref<4x8x1024xf32, #tpu.memory_space<vmem>>, vector<1x1x16xf32>,
      } {sc.loop_unroll_factor = 2 : i64, sc.parallel_access}
    } {sc.loop_unroll_factor = 1 : i64, sc.parallel_access}
    %add3A_499 = arith.constant 96 : i32
    %add3A_500 = arith.addi %mul3A_2, %add3A_499 : i32
    %dma_start3A_501 = arith.constant 0 : i32
    %dma_start3A_502 = arith.constant 0 : i32
    %dma_start3A_503 = tpu.memref_slice %arg4[%dma_start3A_501, %add3A_500, %dma_start3A_502] : memref<4x4096x1024xf32, #tpu.memory_space<hbm>> -> memref<4x8x1024xf32, #tpu.memory_space<hbm>>
    %dma_start3A_504 = arith.constant 0 : i32
    %dma_start3A_505 = arith.constant 0 : i32
    %dma_start3A_506 = tpu.memref_slice %arg4[%dma_start3A_504, %add3A_500, %dma_start3A_505] : memref<4x4096x1024xf32, #tpu.memory_space<hbm>> -> memref<4x8x1024xf32, #tpu.memory_space<hbm>>
    tpu.enqueue_dma source(%arg7 : memref<4x8x1024xf32, #tpu.memory_space<vmem>>) target(%dma_start3A_506 : memref<4x8x1024xf32, #tpu.memory_space<hbm>>) target_semaphore(%arg12 : memref<!tpu.dma_semaphore, #tpu.memory_space<semaphore_mem>>)
    %dma_wait3A_507 = arith.constant 0 : i32
    %dma_wait3A_508 = arith.constant 0 : i32
    %dma_wait3A_509 = tpu.memref_slice %arg4[%dma_wait3A_507, %add3A_461, %dma_wait3A_508] : memref<4x4096x1024xf32, #tpu.memory_space<hbm>> -> memref<4x8x1024xf32, #tpu.memory_space<hbm>>
    %dma_wait3A_510 = arith.constant 0 : i32
    %dma_wait3A_511 = arith.constant 0 : i32
    %dma_wait3A_512 = tpu.memref_slice %arg4[%dma_wait3A_510, %add3A_461, %dma_wait3A_511] : memref<4x4096x1024xf32, #tpu.memory_space<hbm>> -> memref<4x8x1024xf32, #tpu.memory_space<hbm>>
    tpu.wait_dma2 semaphore(%arg13 : memref<!tpu.dma_semaphore, #tpu.memory_space<semaphore_mem>>) src(%arg9 : memref<4x8x1024xf32, #tpu.memory_space<vmem>>) dst(%dma_wait3A_512 : memref<4x8x1024xf32, #tpu.memory_space<hbm>>)
    %add3A_513 = arith.constant 112 : i32
    %add3A_514 = arith.addi %mul3A_2, %add3A_513 : i32
    %dma_start3A_515 = arith.constant 0 : i32
    %dma_start3A_516 = tpu.memref_slice %arg3[%add3A_514, %dma_start3A_515] : memref<8192x1024xf32, #tpu.memory_space<hbm>> -> memref<8x1024xf32, #tpu.memory_space<hbm>>
    %dma_start3A_517 = arith.constant 0 : i32
    %dma_start3A_518 = tpu.memref_slice %arg3[%add3A_514, %dma_start3A_517] : memref<8192x1024xf32, #tpu.memory_space<hbm>> -> memref<8x1024xf32, #tpu.memory_space<hbm>>
    tpu.enqueue_dma source(%dma_start3A_518 : memref<8x1024xf32, #tpu.memory_space<hbm>>) target(%arg5 : memref<8x1024xf32, #tpu.memory_space<vmem>>) target_semaphore(%arg10 : memref<!tpu.dma_semaphore, #tpu.memory_space<semaphore_mem>>)
    %dma_start3A_519 = arith.constant 0 : i32
    %dma_start3A_520 = arith.constant 0 : i32
    %dma_start3A_521 = tpu.memref_slice %arg2[%dma_start3A_519, %add3A_514, %dma_start3A_520] : memref<4x4096x1024xf32, #tpu.memory_space<hbm>> -> memref<4x8x1024xf32, #tpu.memory_space<hbm>>
    %dma_start3A_522 = arith.constant 0 : i32
    %dma_start3A_523 = arith.constant 0 : i32
    %dma_start3A_524 = tpu.memref_slice %arg2[%dma_start3A_522, %add3A_514, %dma_start3A_523] : memref<4x4096x1024xf32, #tpu.memory_space<hbm>> -> memref<4x8x1024xf32, #tpu.memory_space<hbm>>
    tpu.enqueue_dma source(%dma_start3A_524 : memref<4x8x1024xf32, #tpu.memory_space<hbm>>) target(%arg9 : memref<4x8x1024xf32, #tpu.memory_space<vmem>>) target_semaphore(%arg10 : memref<!tpu.dma_semaphore, #tpu.memory_space<semaphore_mem>>)
    %dma_wait3A_525 = arith.constant 0 : i32
    %dma_wait3A_526 = tpu.memref_slice %arg3[%add3A_475, %dma_wait3A_525] : memref<8192x1024xf32, #tpu.memory_space<hbm>> -> memref<8x1024xf32, #tpu.memory_space<hbm>>
    %dma_wait3A_527 = arith.constant 0 : i32
    %dma_wait3A_528 = tpu.memref_slice %arg3[%add3A_475, %dma_wait3A_527] : memref<8192x1024xf32, #tpu.memory_space<hbm>> -> memref<8x1024xf32, #tpu.memory_space<hbm>>
    tpu.wait_dma2 semaphore(%arg11 : memref<!tpu.dma_semaphore, #tpu.memory_space<semaphore_mem>>) src(%dma_wait3A_528 : memref<8x1024xf32, #tpu.memory_space<hbm>>) dst(%arg6 : memref<8x1024xf32, #tpu.memory_space<vmem>>)
    %dma_wait3A_529 = arith.constant 0 : i32
    %dma_wait3A_530 = arith.constant 0 : i32
    %dma_wait3A_531 = tpu.memref_slice %arg2[%dma_wait3A_529, %add3A_475, %dma_wait3A_530] : memref<4x4096x1024xf32, #tpu.memory_space<hbm>> -> memref<4x8x1024xf32, #tpu.memory_space<hbm>>
    %dma_wait3A_532 = arith.constant 0 : i32
    %dma_wait3A_533 = arith.constant 0 : i32
    %dma_wait3A_534 = tpu.memref_slice %arg2[%dma_wait3A_532, %add3A_475, %dma_wait3A_533] : memref<4x4096x1024xf32, #tpu.memory_space<hbm>> -> memref<4x8x1024xf32, #tpu.memory_space<hbm>>
    tpu.wait_dma2 semaphore(%arg11 : memref<!tpu.dma_semaphore, #tpu.memory_space<semaphore_mem>>) src(%dma_wait3A_534 : memref<4x8x1024xf32, #tpu.memory_space<hbm>>) dst(%arg8 : memref<4x8x1024xf32, #tpu.memory_space<vmem>>)
    %parallel_loop3A_535 = arith.constant 0 : i32
    %parallel_loop3A_536 = arith.constant 8 : i32
    %parallel_loop3A_537 = arith.constant 1 : i32
    scf.for %parallel_loop3A_624 = %parallel_loop3A_535 to %parallel_loop3A_536 step %parallel_loop3A_537  : i32 {
      %parallel_loop3A_625 = arith.constant 0 : i32
      %parallel_loop3A_626 = arith.constant 1024 : i32
      %parallel_loop3A_627 = arith.constant 16 : i32
      scf.for %parallel_loop3A_628 = %parallel_loop3A_625 to %parallel_loop3A_626 step %parallel_loop3A_627  : i32 {
        %parallel_loop3A_629 = arith.index_cast %parallel_loop3A_624 : i32 to index
        %parallel_loop3A_630 = arith.index_cast %parallel_loop3A_628 : i32 to index
        %parallel_loop3A_631 = tpu.vector_load %arg6[%parallel_loop3A_629, %parallel_loop3A_630] {strides = array<i32>} : memref<8x1024xf32, #tpu.memory_space<vmem>>, vector<1x16xf32>,
        %parallel_loop3A_632 = vector.shape_cast %parallel_loop3A_631 : vector<1x16xf32> to vector<16xf32>
        %parallel_loop3A_633 = arith.constant 0 : i32
        %parallel_loop3A_634 = arith.index_cast %parallel_loop3A_633 : i32 to index
        %parallel_loop3A_635 = arith.index_cast %parallel_loop3A_624 : i32 to index
        %parallel_loop3A_636 = arith.index_cast %parallel_loop3A_628 : i32 to index
        %parallel_loop3A_637 = tpu.vector_load %arg8[%parallel_loop3A_634, %parallel_loop3A_635, %parallel_loop3A_636] {strides = array<i32>} : memref<4x8x1024xf32, #tpu.memory_space<vmem>>, vector<1x1x16xf32>,
        %parallel_loop3A_638 = vector.shape_cast %parallel_loop3A_637 : vector<1x1x16xf32> to vector<16xf32>
        %parallel_loop3A_639 = vector.shape_cast %parallel_loop3A_632 : vector<16xf32> to vector<1x1x16xf32>
        tpu.vector_store %arg8[%parallel_loop3A_634, %parallel_loop3A_635, %parallel_loop3A_636], %parallel_loop3A_639 {add = true, strides = array<i32>} : memref<4x8x1024xf32, #tpu.memory_space<vmem>>, vector<1x1x16xf32>,
        %parallel_loop3A_640 = arith.constant 1 : i32
        %parallel_loop3A_641 = arith.index_cast %parallel_loop3A_640 : i32 to index
        %parallel_loop3A_642 = arith.index_cast %parallel_loop3A_624 : i32 to index
        %parallel_loop3A_643 = arith.index_cast %parallel_loop3A_628 : i32 to index
        %parallel_loop3A_644 = tpu.vector_load %arg8[%parallel_loop3A_641, %parallel_loop3A_642, %parallel_loop3A_643] {strides = array<i32>} : memref<4x8x1024xf32, #tpu.memory_space<vmem>>, vector<1x1x16xf32>,
        %parallel_loop3A_645 = vector.shape_cast %parallel_loop3A_644 : vector<1x1x16xf32> to vector<16xf32>
        %parallel_loop3A_646 = vector.shape_cast %parallel_loop3A_632 : vector<16xf32> to vector<1x1x16xf32>
        tpu.vector_store %arg8[%parallel_loop3A_641, %parallel_loop3A_642, %parallel_loop3A_643], %parallel_loop3A_646 {add = true, strides = array<i32>} : memref<4x8x1024xf32, #tpu.memory_space<vmem>>, vector<1x1x16xf32>,
        %parallel_loop3A_647 = arith.constant 2 : i32
        %parallel_loop3A_648 = arith.index_cast %parallel_loop3A_647 : i32 to index
        %parallel_loop3A_649 = arith.index_cast %parallel_loop3A_624 : i32 to index
        %parallel_loop3A_650 = arith.index_cast %parallel_loop3A_628 : i32 to index
        %parallel_loop3A_651 = tpu.vector_load %arg8[%parallel_loop3A_648, %parallel_loop3A_649, %parallel_loop3A_650] {strides = array<i32>} : memref<4x8x1024xf32, #tpu.memory_space<vmem>>, vector<1x1x16xf32>,
        %parallel_loop3A_652 = vector.shape_cast %parallel_loop3A_651 : vector<1x1x16xf32> to vector<16xf32>
        %parallel_loop3A_653 = vector.shape_cast %parallel_loop3A_632 : vector<16xf32> to vector<1x1x16xf32>
        tpu.vector_store %arg8[%parallel_loop3A_648, %parallel_loop3A_649, %parallel_loop3A_650], %parallel_loop3A_653 {add = true, strides = array<i32>} : memref<4x8x1024xf32, #tpu.memory_space<vmem>>, vector<1x1x16xf32>,
        %parallel_loop3A_654 = arith.constant 3 : i32
        %parallel_loop3A_655 = arith.index_cast %parallel_loop3A_654 : i32 to index
        %parallel_loop3A_656 = arith.index_cast %parallel_loop3A_624 : i32 to index
        %parallel_loop3A_657 = arith.index_cast %parallel_loop3A_628 : i32 to index
        %parallel_loop3A_658 = tpu.vector_load %arg8[%parallel_loop3A_655, %parallel_loop3A_656, %parallel_loop3A_657] {strides = array<i32>} : memref<4x8x1024xf32, #tpu.memory_space<vmem>>, vector<1x1x16xf32>,
        %parallel_loop3A_659 = vector.shape_cast %parallel_loop3A_658 : vector<1x1x16xf32> to vector<16xf32>
        %parallel_loop3A_660 = vector.shape_cast %parallel_loop3A_632 : vector<16xf32> to vector<1x1x16xf32>
        tpu.vector_store %arg8[%parallel_loop3A_655, %parallel_loop3A_656, %parallel_loop3A_657], %parallel_loop3A_660 {add = true, strides = array<i32>} : memref<4x8x1024xf32, #tpu.memory_space<vmem>>, vector<1x1x16xf32>,
      } {sc.loop_unroll_factor = 2 : i64, sc.parallel_access}
    } {sc.loop_unroll_factor = 1 : i64, sc.parallel_access}
    %add3A_538 = arith.constant 104 : i32
    %add3A_539 = arith.addi %mul3A_2, %add3A_538 : i32
    %dma_start3A_540 = arith.constant 0 : i32
    %dma_start3A_541 = arith.constant 0 : i32
    %dma_start3A_542 = tpu.memref_slice %arg4[%dma_start3A_540, %add3A_539, %dma_start3A_541] : memref<4x4096x1024xf32, #tpu.memory_space<hbm>> -> memref<4x8x1024xf32, #tpu.memory_space<hbm>>
    %dma_start3A_543 = arith.constant 0 : i32
    %dma_start3A_544 = arith.constant 0 : i32
    %dma_start3A_545 = tpu.memref_slice %arg4[%dma_start3A_543, %add3A_539, %dma_start3A_544] : memref<4x4096x1024xf32, #tpu.memory_space<hbm>> -> memref<4x8x1024xf32, #tpu.memory_space<hbm>>
    tpu.enqueue_dma source(%arg8 : memref<4x8x1024xf32, #tpu.memory_space<vmem>>) target(%dma_start3A_545 : memref<4x8x1024xf32, #tpu.memory_space<hbm>>) target_semaphore(%arg13 : memref<!tpu.dma_semaphore, #tpu.memory_space<semaphore_mem>>)
    %dma_wait3A_546 = arith.constant 0 : i32
    %dma_wait3A_547 = arith.constant 0 : i32
    %dma_wait3A_548 = tpu.memref_slice %arg4[%dma_wait3A_546, %add3A_500, %dma_wait3A_547] : memref<4x4096x1024xf32, #tpu.memory_space<hbm>> -> memref<4x8x1024xf32, #tpu.memory_space<hbm>>
    %dma_wait3A_549 = arith.constant 0 : i32
    %dma_wait3A_550 = arith.constant 0 : i32
    %dma_wait3A_551 = tpu.memref_slice %arg4[%dma_wait3A_549, %add3A_500, %dma_wait3A_550] : memref<4x4096x1024xf32, #tpu.memory_space<hbm>> -> memref<4x8x1024xf32, #tpu.memory_space<hbm>>
    tpu.wait_dma2 semaphore(%arg12 : memref<!tpu.dma_semaphore, #tpu.memory_space<semaphore_mem>>) src(%arg7 : memref<4x8x1024xf32, #tpu.memory_space<vmem>>) dst(%dma_wait3A_551 : memref<4x8x1024xf32, #tpu.memory_space<hbm>>)
    %add3A_552 = arith.constant 120 : i32
    %add3A_553 = arith.addi %mul3A_2, %add3A_552 : i32
    %dma_start3A_554 = arith.constant 0 : i32
    %dma_start3A_555 = tpu.memref_slice %arg3[%add3A_553, %dma_start3A_554] : memref<8192x1024xf32, #tpu.memory_space<hbm>> -> memref<8x1024xf32, #tpu.memory_space<hbm>>
    %dma_start3A_556 = arith.constant 0 : i32
    %dma_start3A_557 = tpu.memref_slice %arg3[%add3A_553, %dma_start3A_556] : memref<8192x1024xf32, #tpu.memory_space<hbm>> -> memref<8x1024xf32, #tpu.memory_space<hbm>>
    tpu.enqueue_dma source(%dma_start3A_557 : memref<8x1024xf32, #tpu.memory_space<hbm>>) target(%arg6 : memref<8x1024xf32, #tpu.memory_space<vmem>>) target_semaphore(%arg11 : memref<!tpu.dma_semaphore, #tpu.memory_space<semaphore_mem>>)
    %dma_start3A_558 = arith.constant 0 : i32
    %dma_start3A_559 = arith.constant 0 : i32
    %dma_start3A_560 = tpu.memref_slice %arg2[%dma_start3A_558, %add3A_553, %dma_start3A_559] : memref<4x4096x1024xf32, #tpu.memory_space<hbm>> -> memref<4x8x1024xf32, #tpu.memory_space<hbm>>
    %dma_start3A_561 = arith.constant 0 : i32
    %dma_start3A_562 = arith.constant 0 : i32
    %dma_start3A_563 = tpu.memref_slice %arg2[%dma_start3A_561, %add3A_553, %dma_start3A_562] : memref<4x4096x1024xf32, #tpu.memory_space<hbm>> -> memref<4x8x1024xf32, #tpu.memory_space<hbm>>
    tpu.enqueue_dma source(%dma_start3A_563 : memref<4x8x1024xf32, #tpu.memory_space<hbm>>) target(%arg7 : memref<4x8x1024xf32, #tpu.memory_space<vmem>>) target_semaphore(%arg11 : memref<!tpu.dma_semaphore, #tpu.memory_space<semaphore_mem>>)
    %dma_wait3A_564 = arith.constant 0 : i32
    %dma_wait3A_565 = tpu.memref_slice %arg3[%add3A_514, %dma_wait3A_564] : memref<8192x1024xf32, #tpu.memory_space<hbm>> -> memref<8x1024xf32, #tpu.memory_space<hbm>>
    %dma_wait3A_566 = arith.constant 0 : i32
    %dma_wait3A_567 = tpu.memref_slice %arg3[%add3A_514, %dma_wait3A_566] : memref<8192x1024xf32, #tpu.memory_space<hbm>> -> memref<8x1024xf32, #tpu.memory_space<hbm>>
    tpu.wait_dma2 semaphore(%arg10 : memref<!tpu.dma_semaphore, #tpu.memory_space<semaphore_mem>>) src(%dma_wait3A_567 : memref<8x1024xf32, #tpu.memory_space<hbm>>) dst(%arg5 : memref<8x1024xf32, #tpu.memory_space<vmem>>)
    %dma_wait3A_568 = arith.constant 0 : i32
    %dma_wait3A_569 = arith.constant 0 : i32
    %dma_wait3A_570 = tpu.memref_slice %arg2[%dma_wait3A_568, %add3A_514, %dma_wait3A_569] : memref<4x4096x1024xf32, #tpu.memory_space<hbm>> -> memref<4x8x1024xf32, #tpu.memory_space<hbm>>
    %dma_wait3A_571 = arith.constant 0 : i32
    %dma_wait3A_572 = arith.constant 0 : i32
    %dma_wait3A_573 = tpu.memref_slice %arg2[%dma_wait3A_571, %add3A_514, %dma_wait3A_572] : memref<4x4096x1024xf32, #tpu.memory_space<hbm>> -> memref<4x8x1024xf32, #tpu.memory_space<hbm>>
    tpu.wait_dma2 semaphore(%arg10 : memref<!tpu.dma_semaphore, #tpu.memory_space<semaphore_mem>>) src(%dma_wait3A_573 : memref<4x8x1024xf32, #tpu.memory_space<hbm>>) dst(%arg9 : memref<4x8x1024xf32, #tpu.memory_space<vmem>>)
    %parallel_loop3A_574 = arith.constant 0 : i32
    %parallel_loop3A_575 = arith.constant 8 : i32
    %parallel_loop3A_576 = arith.constant 1 : i32
    scf.for %parallel_loop3A_624 = %parallel_loop3A_574 to %parallel_loop3A_575 step %parallel_loop3A_576  : i32 {
      %parallel_loop3A_625 = arith.constant 0 : i32
      %parallel_loop3A_626 = arith.constant 1024 : i32
      %parallel_loop3A_627 = arith.constant 16 : i32
      scf.for %parallel_loop3A_628 = %parallel_loop3A_625 to %parallel_loop3A_626 step %parallel_loop3A_627  : i32 {
        %parallel_loop3A_629 = arith.index_cast %parallel_loop3A_624 : i32 to index
        %parallel_loop3A_630 = arith.index_cast %parallel_loop3A_628 : i32 to index
        %parallel_loop3A_631 = tpu.vector_load %arg5[%parallel_loop3A_629, %parallel_loop3A_630] {strides = array<i32>} : memref<8x1024xf32, #tpu.memory_space<vmem>>, vector<1x16xf32>,
        %parallel_loop3A_632 = vector.shape_cast %parallel_loop3A_631 : vector<1x16xf32> to vector<16xf32>
        %parallel_loop3A_633 = arith.constant 0 : i32
        %parallel_loop3A_634 = arith.index_cast %parallel_loop3A_633 : i32 to index
        %parallel_loop3A_635 = arith.index_cast %parallel_loop3A_624 : i32 to index
        %parallel_loop3A_636 = arith.index_cast %parallel_loop3A_628 : i32 to index
        %parallel_loop3A_637 = tpu.vector_load %arg9[%parallel_loop3A_634, %parallel_loop3A_635, %parallel_loop3A_636] {strides = array<i32>} : memref<4x8x1024xf32, #tpu.memory_space<vmem>>, vector<1x1x16xf32>,
        %parallel_loop3A_638 = vector.shape_cast %parallel_loop3A_637 : vector<1x1x16xf32> to vector<16xf32>
        %parallel_loop3A_639 = vector.shape_cast %parallel_loop3A_632 : vector<16xf32> to vector<1x1x16xf32>
        tpu.vector_store %arg9[%parallel_loop3A_634, %parallel_loop3A_635, %parallel_loop3A_636], %parallel_loop3A_639 {add = true, strides = array<i32>} : memref<4x8x1024xf32, #tpu.memory_space<vmem>>, vector<1x1x16xf32>,
        %parallel_loop3A_640 = arith.constant 1 : i32
        %parallel_loop3A_641 = arith.index_cast %parallel_loop3A_640 : i32 to index
        %parallel_loop3A_642 = arith.index_cast %parallel_loop3A_624 : i32 to index
        %parallel_loop3A_643 = arith.index_cast %parallel_loop3A_628 : i32 to index
        %parallel_loop3A_644 = tpu.vector_load %arg9[%parallel_loop3A_641, %parallel_loop3A_642, %parallel_loop3A_643] {strides = array<i32>} : memref<4x8x1024xf32, #tpu.memory_space<vmem>>, vector<1x1x16xf32>,
        %parallel_loop3A_645 = vector.shape_cast %parallel_loop3A_644 : vector<1x1x16xf32> to vector<16xf32>
        %parallel_loop3A_646 = vector.shape_cast %parallel_loop3A_632 : vector<16xf32> to vector<1x1x16xf32>
        tpu.vector_store %arg9[%parallel_loop3A_641, %parallel_loop3A_642, %parallel_loop3A_643], %parallel_loop3A_646 {add = true, strides = array<i32>} : memref<4x8x1024xf32, #tpu.memory_space<vmem>>, vector<1x1x16xf32>,
        %parallel_loop3A_647 = arith.constant 2 : i32
        %parallel_loop3A_648 = arith.index_cast %parallel_loop3A_647 : i32 to index
        %parallel_loop3A_649 = arith.index_cast %parallel_loop3A_624 : i32 to index
        %parallel_loop3A_650 = arith.index_cast %parallel_loop3A_628 : i32 to index
        %parallel_loop3A_651 = tpu.vector_load %arg9[%parallel_loop3A_648, %parallel_loop3A_649, %parallel_loop3A_650] {strides = array<i32>} : memref<4x8x1024xf32, #tpu.memory_space<vmem>>, vector<1x1x16xf32>,
        %parallel_loop3A_652 = vector.shape_cast %parallel_loop3A_651 : vector<1x1x16xf32> to vector<16xf32>
        %parallel_loop3A_653 = vector.shape_cast %parallel_loop3A_632 : vector<16xf32> to vector<1x1x16xf32>
        tpu.vector_store %arg9[%parallel_loop3A_648, %parallel_loop3A_649, %parallel_loop3A_650], %parallel_loop3A_653 {add = true, strides = array<i32>} : memref<4x8x1024xf32, #tpu.memory_space<vmem>>, vector<1x1x16xf32>,
        %parallel_loop3A_654 = arith.constant 3 : i32
        %parallel_loop3A_655 = arith.index_cast %parallel_loop3A_654 : i32 to index
        %parallel_loop3A_656 = arith.index_cast %parallel_loop3A_624 : i32 to index
        %parallel_loop3A_657 = arith.index_cast %parallel_loop3A_628 : i32 to index
        %parallel_loop3A_658 = tpu.vector_load %arg9[%parallel_loop3A_655, %parallel_loop3A_656, %parallel_loop3A_657] {strides = array<i32>} : memref<4x8x1024xf32, #tpu.memory_space<vmem>>, vector<1x1x16xf32>,
        %parallel_loop3A_659 = vector.shape_cast %parallel_loop3A_658 : vector<1x1x16xf32> to vector<16xf32>
        %parallel_loop3A_660 = vector.shape_cast %parallel_loop3A_632 : vector<16xf32> to vector<1x1x16xf32>
        tpu.vector_store %arg9[%parallel_loop3A_655, %parallel_loop3A_656, %parallel_loop3A_657], %parallel_loop3A_660 {add = true, strides = array<i32>} : memref<4x8x1024xf32, #tpu.memory_space<vmem>>, vector<1x1x16xf32>,
      } {sc.loop_unroll_factor = 2 : i64, sc.parallel_access}
    } {sc.loop_unroll_factor = 1 : i64, sc.parallel_access}
    %add3A_577 = arith.constant 112 : i32
    %add3A_578 = arith.addi %mul3A_2, %add3A_577 : i32
    %dma_start3A_579 = arith.constant 0 : i32
    %dma_start3A_580 = arith.constant 0 : i32
    %dma_start3A_581 = tpu.memref_slice %arg4[%dma_start3A_579, %add3A_578, %dma_start3A_580] : memref<4x4096x1024xf32, #tpu.memory_space<hbm>> -> memref<4x8x1024xf32, #tpu.memory_space<hbm>>
    %dma_start3A_582 = arith.constant 0 : i32
    %dma_start3A_583 = arith.constant 0 : i32
    %dma_start3A_584 = tpu.memref_slice %arg4[%dma_start3A_582, %add3A_578, %dma_start3A_583] : memref<4x4096x1024xf32, #tpu.memory_space<hbm>> -> memref<4x8x1024xf32, #tpu.memory_space<hbm>>
    tpu.enqueue_dma source(%arg9 : memref<4x8x1024xf32, #tpu.memory_space<vmem>>) target(%dma_start3A_584 : memref<4x8x1024xf32, #tpu.memory_space<hbm>>) target_semaphore(%arg12 : memref<!tpu.dma_semaphore, #tpu.memory_space<semaphore_mem>>)
    %dma_wait3A_585 = arith.constant 0 : i32
    %dma_wait3A_586 = arith.constant 0 : i32
    %dma_wait3A_587 = tpu.memref_slice %arg4[%dma_wait3A_585, %add3A_539, %dma_wait3A_586] : memref<4x4096x1024xf32, #tpu.memory_space<hbm>> -> memref<4x8x1024xf32, #tpu.memory_space<hbm>>
    %dma_wait3A_588 = arith.constant 0 : i32
    %dma_wait3A_589 = arith.constant 0 : i32
    %dma_wait3A_590 = tpu.memref_slice %arg4[%dma_wait3A_588, %add3A_539, %dma_wait3A_589] : memref<4x4096x1024xf32, #tpu.memory_space<hbm>> -> memref<4x8x1024xf32, #tpu.memory_space<hbm>>
    tpu.wait_dma2 semaphore(%arg13 : memref<!tpu.dma_semaphore, #tpu.memory_space<semaphore_mem>>) src(%arg8 : memref<4x8x1024xf32, #tpu.memory_space<vmem>>) dst(%dma_wait3A_590 : memref<4x8x1024xf32, #tpu.memory_space<hbm>>)
    %dma_wait3A_591 = arith.constant 0 : i32
    %dma_wait3A_592 = tpu.memref_slice %arg3[%add3A_553, %dma_wait3A_591] : memref<8192x1024xf32, #tpu.memory_space<hbm>> -> memref<8x1024xf32, #tpu.memory_space<hbm>>
    %dma_wait3A_593 = arith.constant 0 : i32
    %dma_wait3A_594 = tpu.memref_slice %arg3[%add3A_553, %dma_wait3A_593] : memref<8192x1024xf32, #tpu.memory_space<hbm>> -> memref<8x1024xf32, #tpu.memory_space<hbm>>
    tpu.wait_dma2 semaphore(%arg11 : memref<!tpu.dma_semaphore, #tpu.memory_space<semaphore_mem>>) src(%dma_wait3A_594 : memref<8x1024xf32, #tpu.memory_space<hbm>>) dst(%arg6 : memref<8x1024xf32, #tpu.memory_space<vmem>>)
    %dma_wait3A_595 = arith.constant 0 : i32
    %dma_wait3A_596 = arith.constant 0 : i32
    %dma_wait3A_597 = tpu.memref_slice %arg2[%dma_wait3A_595, %add3A_553, %dma_wait3A_596] : memref<4x4096x1024xf32, #tpu.memory_space<hbm>> -> memref<4x8x1024xf32, #tpu.memory_space<hbm>>
    %dma_wait3A_598 = arith.constant 0 : i32
    %dma_wait3A_599 = arith.constant 0 : i32
    %dma_wait3A_600 = tpu.memref_slice %arg2[%dma_wait3A_598, %add3A_553, %dma_wait3A_599] : memref<4x4096x1024xf32, #tpu.memory_space<hbm>> -> memref<4x8x1024xf32, #tpu.memory_space<hbm>>
    tpu.wait_dma2 semaphore(%arg11 : memref<!tpu.dma_semaphore, #tpu.memory_space<semaphore_mem>>) src(%dma_wait3A_600 : memref<4x8x1024xf32, #tpu.memory_space<hbm>>) dst(%arg7 : memref<4x8x1024xf32, #tpu.memory_space<vmem>>)
    %parallel_loop3A_601 = arith.constant 0 : i32
    %parallel_loop3A_602 = arith.constant 8 : i32
    %parallel_loop3A_603 = arith.constant 1 : i32
    scf.for %parallel_loop3A_624 = %parallel_loop3A_601 to %parallel_loop3A_602 step %parallel_loop3A_603  : i32 {
      %parallel_loop3A_625 = arith.constant 0 : i32
      %parallel_loop3A_626 = arith.constant 1024 : i32
      %parallel_loop3A_627 = arith.constant 16 : i32
      scf.for %parallel_loop3A_628 = %parallel_loop3A_625 to %parallel_loop3A_626 step %parallel_loop3A_627  : i32 {
        %parallel_loop3A_629 = arith.index_cast %parallel_loop3A_624 : i32 to index
        %parallel_loop3A_630 = arith.index_cast %parallel_loop3A_628 : i32 to index
        %parallel_loop3A_631 = tpu.vector_load %arg6[%parallel_loop3A_629, %parallel_loop3A_630] {strides = array<i32>} : memref<8x1024xf32, #tpu.memory_space<vmem>>, vector<1x16xf32>,
        %parallel_loop3A_632 = vector.shape_cast %parallel_loop3A_631 : vector<1x16xf32> to vector<16xf32>
        %parallel_loop3A_633 = arith.constant 0 : i32
        %parallel_loop3A_634 = arith.index_cast %parallel_loop3A_633 : i32 to index
        %parallel_loop3A_635 = arith.index_cast %parallel_loop3A_624 : i32 to index
        %parallel_loop3A_636 = arith.index_cast %parallel_loop3A_628 : i32 to index
        %parallel_loop3A_637 = tpu.vector_load %arg7[%parallel_loop3A_634, %parallel_loop3A_635, %parallel_loop3A_636] {strides = array<i32>} : memref<4x8x1024xf32, #tpu.memory_space<vmem>>, vector<1x1x16xf32>,
        %parallel_loop3A_638 = vector.shape_cast %parallel_loop3A_637 : vector<1x1x16xf32> to vector<16xf32>
        %parallel_loop3A_639 = vector.shape_cast %parallel_loop3A_632 : vector<16xf32> to vector<1x1x16xf32>
        tpu.vector_store %arg7[%parallel_loop3A_634, %parallel_loop3A_635, %parallel_loop3A_636], %parallel_loop3A_639 {add = true, strides = array<i32>} : memref<4x8x1024xf32, #tpu.memory_space<vmem>>, vector<1x1x16xf32>,
        %parallel_loop3A_640 = arith.constant 1 : i32
        %parallel_loop3A_641 = arith.index_cast %parallel_loop3A_640 : i32 to index
        %parallel_loop3A_642 = arith.index_cast %parallel_loop3A_624 : i32 to index
        %parallel_loop3A_643 = arith.index_cast %parallel_loop3A_628 : i32 to index
        %parallel_loop3A_644 = tpu.vector_load %arg7[%parallel_loop3A_641, %parallel_loop3A_642, %parallel_loop3A_643] {strides = array<i32>} : memref<4x8x1024xf32, #tpu.memory_space<vmem>>, vector<1x1x16xf32>,
        %parallel_loop3A_645 = vector.shape_cast %parallel_loop3A_644 : vector<1x1x16xf32> to vector<16xf32>
        %parallel_loop3A_646 = vector.shape_cast %parallel_loop3A_632 : vector<16xf32> to vector<1x1x16xf32>
        tpu.vector_store %arg7[%parallel_loop3A_641, %parallel_loop3A_642, %parallel_loop3A_643], %parallel_loop3A_646 {add = true, strides = array<i32>} : memref<4x8x1024xf32, #tpu.memory_space<vmem>>, vector<1x1x16xf32>,
        %parallel_loop3A_647 = arith.constant 2 : i32
        %parallel_loop3A_648 = arith.index_cast %parallel_loop3A_647 : i32 to index
        %parallel_loop3A_649 = arith.index_cast %parallel_loop3A_624 : i32 to index
        %parallel_loop3A_650 = arith.index_cast %parallel_loop3A_628 : i32 to index
        %parallel_loop3A_651 = tpu.vector_load %arg7[%parallel_loop3A_648, %parallel_loop3A_649, %parallel_loop3A_650] {strides = array<i32>} : memref<4x8x1024xf32, #tpu.memory_space<vmem>>, vector<1x1x16xf32>,
        %parallel_loop3A_652 = vector.shape_cast %parallel_loop3A_651 : vector<1x1x16xf32> to vector<16xf32>
        %parallel_loop3A_653 = vector.shape_cast %parallel_loop3A_632 : vector<16xf32> to vector<1x1x16xf32>
        tpu.vector_store %arg7[%parallel_loop3A_648, %parallel_loop3A_649, %parallel_loop3A_650], %parallel_loop3A_653 {add = true, strides = array<i32>} : memref<4x8x1024xf32, #tpu.memory_space<vmem>>, vector<1x1x16xf32>,
        %parallel_loop3A_654 = arith.constant 3 : i32
        %parallel_loop3A_655 = arith.index_cast %parallel_loop3A_654 : i32 to index
        %parallel_loop3A_656 = arith.index_cast %parallel_loop3A_624 : i32 to index
        %parallel_loop3A_657 = arith.index_cast %parallel_loop3A_628 : i32 to index
        %parallel_loop3A_658 = tpu.vector_load %arg7[%parallel_loop3A_655, %parallel_loop3A_656, %parallel_loop3A_657] {strides = array<i32>} : memref<4x8x1024xf32, #tpu.memory_space<vmem>>, vector<1x1x16xf32>,
        %parallel_loop3A_659 = vector.shape_cast %parallel_loop3A_658 : vector<1x1x16xf32> to vector<16xf32>
        %parallel_loop3A_660 = vector.shape_cast %parallel_loop3A_632 : vector<16xf32> to vector<1x1x16xf32>
        tpu.vector_store %arg7[%parallel_loop3A_655, %parallel_loop3A_656, %parallel_loop3A_657], %parallel_loop3A_660 {add = true, strides = array<i32>} : memref<4x8x1024xf32, #tpu.memory_space<vmem>>, vector<1x1x16xf32>,
      } {sc.loop_unroll_factor = 2 : i64, sc.parallel_access}
    } {sc.loop_unroll_factor = 1 : i64, sc.parallel_access}
    %add3A_604 = arith.constant 120 : i32
    %add3A_605 = arith.addi %mul3A_2, %add3A_604 : i32
    %dma_start3A_606 = arith.constant 0 : i32
    %dma_start3A_607 = arith.constant 0 : i32
    %dma_start3A_608 = tpu.memref_slice %arg4[%dma_start3A_606, %add3A_605, %dma_start3A_607] : memref<4x4096x1024xf32, #tpu.memory_space<hbm>> -> memref<4x8x1024xf32, #tpu.memory_space<hbm>>
    %dma_start3A_609 = arith.constant 0 : i32
    %dma_start3A_610 = arith.constant 0 : i32
    %dma_start3A_611 = tpu.memref_slice %arg4[%dma_start3A_609, %add3A_605, %dma_start3A_610] : memref<4x4096x1024xf32, #tpu.memory_space<hbm>> -> memref<4x8x1024xf32, #tpu.memory_space<hbm>>
    tpu.enqueue_dma source(%arg7 : memref<4x8x1024xf32, #tpu.memory_space<vmem>>) target(%dma_start3A_611 : memref<4x8x1024xf32, #tpu.memory_space<hbm>>) target_semaphore(%arg13 : memref<!tpu.dma_semaphore, #tpu.memory_space<semaphore_mem>>)
    %dma_wait3A_612 = arith.constant 0 : i32
    %dma_wait3A_613 = arith.constant 0 : i32
    %dma_wait3A_614 = tpu.memref_slice %arg4[%dma_wait3A_612, %add3A_578, %dma_wait3A_613] : memref<4x4096x1024xf32, #tpu.memory_space<hbm>> -> memref<4x8x1024xf32, #tpu.memory_space<hbm>>
    %dma_wait3A_615 = arith.constant 0 : i32
    %dma_wait3A_616 = arith.constant 0 : i32
    %dma_wait3A_617 = tpu.memref_slice %arg4[%dma_wait3A_615, %add3A_578, %dma_wait3A_616] : memref<4x4096x1024xf32, #tpu.memory_space<hbm>> -> memref<4x8x1024xf32, #tpu.memory_space<hbm>>
    tpu.wait_dma2 semaphore(%arg12 : memref<!tpu.dma_semaphore, #tpu.memory_space<semaphore_mem>>) src(%arg9 : memref<4x8x1024xf32, #tpu.memory_space<vmem>>) dst(%dma_wait3A_617 : memref<4x8x1024xf32, #tpu.memory_space<hbm>>)
    %dma_wait3A_618 = arith.constant 0 : i32
    %dma_wait3A_619 = arith.constant 0 : i32
    %dma_wait3A_620 = tpu.memref_slice %arg4[%dma_wait3A_618, %add3A_605, %dma_wait3A_619] : memref<4x4096x1024xf32, #tpu.memory_space<hbm>> -> memref<4x8x1024xf32, #tpu.memory_space<hbm>>
    %dma_wait3A_621 = arith.constant 0 : i32
    %dma_wait3A_622 = arith.constant 0 : i32
    %dma_wait3A_623 = tpu.memref_slice %arg4[%dma_wait3A_621, %add3A_605, %dma_wait3A_622] : memref<4x4096x1024xf32, #tpu.memory_space<hbm>> -> memref<4x8x1024xf32, #tpu.memory_space<hbm>>
    tpu.wait_dma2 semaphore(%arg13 : memref<!tpu.dma_semaphore, #tpu.memory_space<semaphore_mem>>) src(%arg7 : memref<4x8x1024xf32, #tpu.memory_space<vmem>>) dst(%dma_wait3A_623 : memref<4x8x1024xf32, #tpu.memory_space<hbm>>)
    return
  }
}

</mosaic_0001>

<sc_bundles>
// kernel: kernel.3.cloned.1.call-start
scs
__scs_entry_jumppad:
0x0: {  	(pc) =	sbr.rel $0x88, $3  }
0x1: {  	(tag) =	ssettag $0x0;
	lr =	simm.s32 $0x1  }
0x2: {  	[smem:$0x3F9F] =	sst lr;
	_ =	strace $0xD0000000  }
0x3: {  	_ = 	snop  }
0x4: {  	_ = 	snop  }
0x5: {  	_ = 	snop  }
0x6: {  	_ = 	snop  }
0x7: {  	_ = 	snop  }
__scs_overlays_trampoline_lowered:
0x8: {  	[smem:$0x3FAE] =	sst s0  }
0x9: {  	[smem:$0x3FAF] =	sst s1  }
0xa: {  	[smem:$0x3FB0] =	sst s2  }
0xb: {  	[smem:$0x3FB1] =	sst s3  }
0xc: {  	[smem:$0x3FB2] =	sst s4  }
0xd: {  	[smem:$0x3FB3] =	sst s5  }
0xe: {  	[smem:$0x3FB4] =	sst s6  }
0xf: {  	[smem:$0x3FB5] =	sst s7  }
0x10: {  	[smem:$0x3FB6] =	sst s8  }
0x11: {  	[smem:$0x3FB7] =	sst s9;
	s0 =	simm.s32 @!p0 $0x0  }
0x12: {  	s1 =	sld [smem:$0x3F9D];
	s0 =	simm.s32 @p0 $0x1  }
0x13: {  	[smem:$0x3FB8] =	sst s0;
	s0 =	simm.s32 @!p1 $0x0  }
0x14: {  	s2 =	sld [smem:$0x3F9C];
	s0 =	simm.s32 @p1 $0x1  }
0x15: {  	[smem:$0x3FB9] =	sst s0;
	s0 =	simm.s32 @!p2 $0x0  }
0x16: {  	s3 =	sld [smem:$0x3FDB];
	s0 =	simm.s32 @p2 $0x1  }
0x17: {  	s4 =	simm.s32 $0x1BF5;
	[smem:$0x3FBB] =	sst s0  }
0x18: {  	s0 =	sld [smem:$0x3F9E];
	_ =	swait.ge [sflag:s4], $0x0  }
0x19: {  	s7 =	sld [smem:$0x3F9F]  }
0x1a: {  	s8 =	sadd.s32 $0xFFFFE003, lr  }
0x1b: {  	s9 =	sadd.s32 $0xFFFFFEF7, lr;
	s5 =	simm.s32 $0xFFFFFFFF;
	p2 =	slt.u32 s8, $0xFFFFF086  }
0x1c: {  	p1 =	slt.u32 s9, $0xF7A;
	s5 =	simm.s32 @!p2 $0x0  }
0x1d: {  	s5 =	simm.s32 @p1 $0x1;
	p0 =	seq.s32 s7, s2  }
0x1e: {  	s7 =	smul.u32 @!p0 $0xF7A, s2;
	p2 =	seq.s32 @!p0 s5, $0x0  }
0x1f: {  	s9 =	smul.u32 $0xF7A, s1;
	s8 =	simm.s32 @!p0 $0x1BF5;
	p2 =	por !p2, p0  }
0x20: {  	[sflag:s8] =	ssyncset.s32 @!p0 $0xFFFFF086;
	s6 =	sadd.s32 @!p0 s3, s7;
	s7 =	simm.s32 @!p0 $0x108  }
0x21: {  	s3 =	sadd.s32 s3, s9;
	s6 =	sadd.s32 @!p0 $0x88, s6;
	s7 =	simm.s32 @p2 $0x1082  }
0x22: {  	[simem:s7], [sflag:s8] =	dma.local @!p0 [hbm:s6], $0xF7A  }
0x23: {  	s9 =	sor.u32 $0xD0000000, s2;
	s6 =	simm.s32 $0x108;
	_ =	swait.ge @!p0 [sflag:s8], $0x0  }
0x24: {  	s3 =	sadd.s32 $0x88, s3;
	s6 =	simm.s32 @!p1 $0x1082;
	[sflag:s4] =	ssyncset.s32 $0xFFFFF086  }
0x25: {  	[simem:s6], [sflag:s4] =	dma.local [hbm:s3], $0xF7A  }
0x26: {  	[smem:$0x3F9F] =	sst s1;
	(tag) =	ssettag s2;
	_ =	strace s9  }
0x27: {  	s1 =	sld [smem:$0x3FAF]  }
0x28: {  	s2 =	sld [smem:$0x3FB0]  }
0x29: {  	s4 =	sld [smem:$0x3FB2]  }
0x2a: {  	p0 =	seq.s32 s5, $0x0;
	s5 =	sld [smem:$0x3FB3]  }
0x2b: {  	s6 =	sld [smem:$0x3FB4]  }
0x2c: {  	s7 =	sld [smem:$0x3FB5]  }
0x2d: {  	s3 =	simm.s32 $0x108;
	s8 =	sld [smem:$0x3FB6]  }
0x2e: {  	s3 =	simm.s32 @!p0 $0x1082;
	s9 =	sld [smem:$0x3FB7]  }
0x2f: {  	lr =	sadd.s32 s0, s3;
	s0 =	sld [smem:$0x3FAE]  }
0x30: {  	s3 =	sld [smem:$0x3FB1]  }
0x31: {  	[smem:$0x3FBA] =	sst s10  }
0x32: {  	s10 =	sld [smem:$0x3FB8];
	_ =	sdelay $0x3  }
0x33: {  	p0 =	seq.s32 s10, $0x1;
	s10 =	sld [smem:$0x3FBA];
	_ =	sdelay $0x3  }
0x34: {  	[smem:$0x3FBA] =	sst s10  }
0x35: {  	s10 =	sld [smem:$0x3FB9];
	_ =	sdelay $0x3  }
0x36: {  	p1 =	seq.s32 s10, $0x1;
	s10 =	sld [smem:$0x3FBA];
	_ =	sdelay $0x3  }
0x37: {  	[smem:$0x3FBA] =	sst s10  }
0x38: {  	s10 =	sld [smem:$0x3FBB]  }
0x39: {  	_ = 	snop;
	(pc) =	sbr.ind lr, $3  }
0x3a: {  	_ = 	snop  }
0x3b: {  	_ = 	snop  }
0x3c: {  	p2 =	seq.s32 s10, $0x1;
	s10 =	sld [smem:$0x3FBA]  }
0x3d: {  	_ =	shalt  }
0x3e: {  	_ =	shalt  }
0x3f: {  	_ =	shalt  }
0x40: {  	_ =	shalt  }
0x41: {  	_ =	shalt  }
0x42: {  	_ =	shalt  }
0x43: {  	_ =	shalt  }
0x44: {  	_ =	shalt  }
0x45: {  	_ =	shalt  }
0x46: {  	_ =	shalt  }
0x47: {  	_ =	shalt  }
0x48: {  	_ =	shalt  }
0x49: {  	_ =	shalt  }
0x4a: {  	_ =	shalt  }
0x4b: {  	_ =	shalt  }
0x4c: {  	_ =	shalt  }
0x4d: {  	_ =	shalt  }
0x4e: {  	_ =	shalt  }
0x4f: {  	_ =	shalt  }
0x50: {  	_ =	shalt  }
0x51: {  	_ =	shalt  }
0x52: {  	_ =	shalt  }
0x53: {  	_ =	shalt  }
0x54: {  	_ =	shalt  }
0x55: {  	_ =	shalt  }
0x56: {  	_ =	shalt  }
0x57: {  	_ =	shalt  }
0x58: {  	_ =	shalt  }
0x59: {  	_ =	shalt  }
0x5a: {  	_ =	shalt  }
0x5b: {  	_ =	shalt  }
0x5c: {  	_ =	shalt  }
0x5d: {  	_ =	shalt  }
0x5e: {  	_ =	shalt  }
0x5f: {  	_ =	shalt  }
0x60: {  	_ =	shalt  }
0x61: {  	_ =	shalt  }
0x62: {  	_ =	shalt  }
0x63: {  	_ =	shalt  }
0x64: {  	_ =	shalt  }
0x65: {  	_ =	shalt  }
0x66: {  	_ =	shalt  }
0x67: {  	_ =	shalt  }
0x68: {  	_ =	shalt  }
0x69: {  	_ =	shalt  }
0x6a: {  	_ =	shalt  }
0x6b: {  	_ =	shalt  }
0x6c: {  	_ =	shalt  }
0x6d: {  	_ =	shalt  }
0x6e: {  	_ =	shalt  }
0x6f: {  	_ =	shalt  }
0x70: {  	_ =	shalt  }
0x71: {  	_ =	shalt  }
0x72: {  	_ =	shalt  }
0x73: {  	_ =	shalt  }
0x74: {  	_ =	shalt  }
0x75: {  	_ =	shalt  }
0x76: {  	_ =	shalt  }
0x77: {  	_ =	shalt  }
0x78: {  	_ =	shalt  }
0x79: {  	_ =	shalt  }
0x7a: {  	_ =	shalt  }
0x7b: {  	_ =	shalt  }
0x7c: {  	_ =	shalt  }
0x7d: {  	_ =	shalt  }
0x7e: {  	_ =	shalt  }
0x7f: {  	_ =	shalt  }
0x80: {  	_ =	shalt  }
0x81: {  	_ =	shalt  }
0x82: {  	_ =	shalt  }
0x83: {  	_ =	shalt  }
0x84: {  	_ =	shalt  }
0x85: {  	_ =	shalt  }
0x86: {  	_ =	shalt  }
0x87: {  	_ =	shalt  }
.Lfunc_end0:
.L_simem_size_0:
called_computation_lowered:
.L_overlay_start_0:
0x88: {  	s2 =	sld [smem:$0x3FD9]  }
0x89: {  	s3 =	sld [smem:$0x3FFE];
	_ =	sdelay $0x1  }
0x8a: {  	s1 =	srdreg.scid  }
0x8b: {  	s0 =	sand.u32 $0x1, s1  }
0x8c: {  	s18 =	sshll.u32 s0, $0xA;
	s2 =	sadd.s32 s3, s2  }
0x8d: {  	s2 =	sadd.s32 s2, s18  }
0x8e: {  	[smem:$0x3FC6] =	sst s2  }
0x8f: {  	_ = 	snop  }
0x90: {  	s2 =	sld [smem:$0x3FC9]  }
0x91: {  	s19 =	sld [smem:$0x3FC8]  }
0x92: {  	s4 =	sld [smem:$0x3FD0];
	(tm) =	ssettm $0x1  }
0x93: {  	s5 =	sld [smem:$0x3FFB];
	_ =	sdelay $0x3  }
0x94: {  	_ =	strace s5  }
0x95: {  	s5 =	sld [smem:$0x3FFC];
	_ =	sdelay $0x3  }
0x96: {  	_ =	strace s5  }
0x97: {  	s5 =	sld [smem:$0x3FFD];
	_ =	sdelay $0x3  }
0x98: {  	_ =	strace s5  }
0x99: {  	_ =	strace $0x8FFFFFFF  }
0x9a: {  	s20 =	sld [smem:$0x3FDB];
	_ =	sdelay $0x1  }
0x9b: {  	s6 =	simm.s32 $_scs_section_size  }
0x9c: {  	s7 =	simm.s32 $_size__tile_overlayer_lowered;
	s8 =	simm.s32 $_tile_overlayer_lowered  }
0x9d: {  	s23 =	simm.s32 $0x1BFF;
	s22 =	sshll.u32 s8, $0x1;
	s5 =	sadd.s32 s6, s20  }
0x9e: {  	s9 =	simm.s32 $0x0;
	s21 =	sshll.u32 s7, $0x1;
	s7 =	sadd.s32 s22, s5  }
0x9f: {  	[timem:s9], [sflag:s23] =	dma.local [hbm:s7], s21  }
0xa0: {  	_ =	swait.ge [sflag:s23], s21  }
0xa1: {  	s6 =	ssub.s32 $0x0, s21;
	[sflag:s23] =	ssyncset.done $0x0  }
0xa2: {  	[sflag:s23] =	ssyncadd.s32 s6;
	_ =	sdelay $0x1  }
0xa3: {  	s24 =	simm.s32 $0x1B8B  }
0xa4: {  	_ =	swait.ge [sflag:s24], $0x1  }
0xa5: {  	[sflag:s24] =	ssyncset.done $0x0  }
0xa6: {  	s25 =	simm.s32 $0x1B8E;
	[sflag:s24] =	ssyncadd.s32 $0xFFFFFFFF  }
0xa7: {  	s26 =	simm.s32 $execute0_lowered;
	[smem:$0x3FD2] =	sst s25  }
0xa8: {  	s6 =	sshll.u32 s26, $0x1;
	_ =	strace $0x80000046;
	[dreg:$0x1] =	wrdreg $0xFFFFFFFF  }
0xa9: {  	s28 =	simm.s32 $_size_execute0_lowered;
	s5 =	sadd.s32 s5, s6;
	[dreg:$0x0] =	wrdreg $0x0  }
0xaa: {  	s6 =	sshll.u32 s28, $0x1;
	[dreg:$0x2] =	wrdreg s5  }
0xab: {  	[dreg:$0x3] =	wrdreg s6  }
0xac: {  	[dreg:$0x4] =	wrdreg $0xC0  }
0xad: {  	_ =	task [dreg:s9], $0x5FFFF  }
0xae: {  	[dreg:$0x1] =	wrdreg $0xFFFFFFFF  }
0xaf: {  	[dreg:$0x0] =	wrdreg $0x60  }
0xb0: {  	[dreg:$0x2] =	wrdreg s2  }
0xb1: {  	[dreg:$0x3] =	wrdreg s19  }
0xb2: {  	[dreg:$0x4] =	wrdreg s4  }
0xb3: {  	[dreg:$0x5] =	wrdreg $0x9  }
0xb4: {  	_ =	task.clear_ibuf [dreg:s9], $0x6FFFF;
	_ =	strace $0x90000046  }
0xb5: {  	s29 =	simm.s32 $0x9;
	_ =	strace $0x80000048  }
0xb6: {  	_ =	swait.ge [sflag:s29], $0x1  }
0xb7: {  	[sflag:s29] =	ssyncadd.s32 $0xFFFFFFFF  }
0xb8: {  	_ =	strace $0x90000048  }
0xb9: {  	_ =	sfence  }
0xba: {  	s30 =	sld [smem:$0x0];
	_ =	sdelay $0x2  }
0xbb: {  	s31 =	sshll.u32 s1, $0xD;
	s1 =	sshrl.u32 s1, $0x2  }
0xbc: {  	s3 =	sand.u32 $0x4000, s31;
	s1 =	sadd.s32 s1, s30  }
0xbd: {  	s0 =	sor.u32 s3, s0;
	s1 =	sshll.u32 s1, $0x11  }
0xbe: {  	s0 =	sor.u32 s1, s0  }
0xbf: {  	s0 =	sadd.s32 $0x8F2B, s0  }
0xc0: {  	[sflag:s0] =	ssyncadd.remote.s32 $0x1  }
0xc1: {  	_ =	sfence.sel $0xFFFF  }
0xc2: {  	[dreg:$0x0] =	wrdreg $0xFFFFFFFF;
	(pc) =	sbr.abs _section_cstart, $3  }
0xc3: {  	[dreg:$0x1] =	wrdreg $0xFFFFFFFF  }
0xc4: {  	_ =	task.clear_ibuf [dreg:s9], $0x2FFFF;
	_ =	strace $0x9FFFFFFF  }
0xc5: {  	(tm) =	ssettm $0x7FFFFFFF  }
tec
execute0_lowered:
.L_overlay_start_1:
0x0: {  	(tag) =	ssettag $0x1  }
0x1: {  	s1 =	srdreg.scid  }
0x2: {  	s0 =	rddreg [dreg:$0x0];
	s3 =	stileid.u32;
	s1 =	sand.u32 $0x1, s1  }
0x3: {  	s3 =	sshll.u32 s3, $0xF;
	s2 =	ssub.s32 $0x2, s1;
	s1 =	sshll.u32 s1, $0xE  }
0x4: {  	s14 =	rddreg [dreg:$0x1];
	s3 =	sor.u32 s1, s3  }
0x5: {  	s18 =	rddreg [dreg:$0x2];
	s5 =	simm.s32 $0x0;
	s21 =	sor.u32 $0x400, s3  }
0x6: {  	[smem:$0x7FF] =	sst s5;
	s22 =	sadd.s32 s14, s21  }
0x7: {  	s24 =	sor.u32 $0x800, s3;
	s23 =	sadd.s32 s0, s21;
	[dreg:$0x4] =	wrdreg s22  }
0x8: {  	s4 =	sshrl.u32 s2, $0x1;
	s25 =	sadd.s32 s14, s24;
	[dreg:$0x5] =	wrdreg s23  }
0x9: {  	s1 =	ssub.s32 s2, s4;
	s26 =	sadd.s32 s0, s24;
	[dreg:$0x6] =	wrdreg s25  }
0xa: {  	s31 =	sor.u32 $0xC00, s3;
	s2 =	sadd.s32 s18, s21;
	[dreg:$0x7] =	wrdreg s26  }
0xb: {  	s6 =	sadd.s32 s14, s31;
	[dreg:$0x8] =	wrdreg s2  }
0xc: {  	s7 =	sor.u32 $0x1000, s3;
	s4 =	sadd.s32 s18, s24;
	[dreg:$0x9] =	wrdreg s6  }
0xd: {  	s8 =	sadd.s32 s14, s7;
	[dreg:$0xb] =	wrdreg s4  }
0xe: {  	s9 =	sadd.s32 s0, s7;
	[dreg:$0xc] =	wrdreg s8  }
0xf: {  	s11 =	sor.u32 $0x1400, s3;
	s10 =	sadd.s32 s18, s31;
	[dreg:$0xd] =	wrdreg s9  }
0x10: {  	s12 =	sadd.s32 s14, s11;
	[dreg:$0xe] =	wrdreg s10  }
0x11: {  	s15 =	sor.u32 $0x1800, s3;
	s13 =	sadd.s32 s0, s11;
	[dreg:$0xf] =	wrdreg s12  }
0x12: {  	s16 =	sadd.s32 s14, s15;
	[dreg:$0x10] =	wrdreg s13  }
0x13: {  	s17 =	sadd.s32 s0, s15;
	[dreg:$0x12] =	wrdreg s16  }
0x14: {  	s19 =	sadd.s32 s18, s11;
	[dreg:$0x13] =	wrdreg s17  }
0x15: {  	s21 =	sadd.s32 s18, s15;
	[dreg:$0x14] =	wrdreg s19  }
0x16: {  	s6 =	sadd.s32 s0, s31;
	[dreg:$0x15] =	wrdreg s21  }
0x17: {  	s20 =	sor.u32 $0x1C00, s3;
	s2 =	sadd.s32 s18, s7;
	[dreg:$0xa] =	wrdreg s6  }
0x18: {  	s22 =	sadd.s32 s14, s20;
	[dreg:$0x11] =	wrdreg s2  }
0x19: {  	s24 =	sor.u32 $0x2000, s3;
	s23 =	sadd.s32 s0, s20;
	[dreg:$0x16] =	wrdreg s22  }
0x1a: {  	s25 =	sadd.s32 s14, s24;
	[dreg:$0x17] =	wrdreg s23  }
0x1b: {  	s31 =	sadd.s32 s0, s24;
	[dreg:$0x19] =	wrdreg s25  }
0x1c: {  	s4 =	sadd.s32 s18, s24;
	[dreg:$0x1a] =	wrdreg s31  }
0x1d: {  	s21 =	sadd.s32 s14, s3;
	[dreg:$0x1b] =	wrdreg s4  }
0x1e: {  	s24 =	sadd.s32 s18, s3;
	[smem:$0x7F7] =	sst s21  }
0x1f: {  	s26 =	sor.u32 $0x2400, s3;
	s2 =	sadd.s32 s18, s20;
	[smem:$0x7F9] =	sst s24  }
0x20: {  	s5 =	sadd.s32 s14, s26;
	[dreg:$0x18] =	wrdreg s2  }
0x21: {  	s7 =	sor.u32 $0x2800, s3;
	s6 =	sadd.s32 s0, s26;
	[dreg:$0x1c] =	wrdreg s5  }
0x22: {  	s8 =	sadd.s32 s14, s7;
	[dreg:$0x1d] =	wrdreg s6  }
0x23: {  	s10 =	sor.u32 $0x2C00, s3;
	s9 =	sadd.s32 s0, s7;
	[dreg:$0x1f] =	wrdreg s8  }
0x24: {  	s11 =	sadd.s32 s14, s10;
	[smem:$0x7EC] =	sst s9  }
0x25: {  	s13 =	sadd.s32 s0, s10;
	[smem:$0x7EE] =	sst s11  }
0x26: {  	s12 =	sor.u32 $0x3000, s3;
	s4 =	sadd.s32 s18, s10;
	[smem:$0x7EF] =	sst s13  }
0x27: {  	s15 =	sadd.s32 s14, s12;
	[smem:$0x7F0] =	sst s4  }
0x28: {  	s17 =	sor.u32 $0x3400, s3;
	s16 =	sadd.s32 s0, s12;
	[smem:$0x7F1] =	sst s15  }
0x29: {  	s28 =	simm.s32 $0x3;
	s19 =	sadd.s32 s14, s17;
	[smem:$0x7F2] =	sst s16  }
0x2a: {  	s29 =	simm.s32 $0x4;
	s20 =	sadd.s32 s0, s17;
	[smem:$0x7F4] =	sst s19  }
0x2b: {  	s30 =	simm.s32 $0x0;
	s22 =	sadd.s32 s0, s3;
	[smem:$0x7F5] =	sst s20  }
0x2c: {  	s23 =	sor.u32 $0x3800, s3;
	s2 =	sadd.s32 s18, s26;
	[smem:$0x7F8] =	sst s22  }
0x2d: {  	s3 =	sor.u32 $0x3C00, s3;
	s25 =	sadd.s32 s14, s23;
	[dreg:$0x1e] =	wrdreg s2  }
0x2e: {  	s21 =	simm.s32 $0x400000;
	s26 =	sadd.s32 s14, s3;
	[smem:$0x7FA] =	sst s25  }
0x2f: {  	s24 =	simm.s32 $0x1;
	s31 =	sadd.s32 s0, s23;
	[smem:$0x7FB] =	sst s26  }
0x30: {  	s0 =	sadd.s32 s0, s3;
	s19 =	smax.u32 s1, $0x1;
	[smem:$0x7FC] =	sst s31  }
0x31: {  	s20 =	simm.s32 $0x2000;
	s2 =	sadd.s32 s18, s7;
	[smem:$0x7FD] =	sst s0  }
0x32: {  	s22 =	simm.s32 $0x4000;
	[smem:$0x7ED] =	sst s2;
	s2 =	sadd.s32 s18, s12  }
0x33: {  	s25 =	simm.s32 $0x14000;
	[smem:$0x7F3] =	sst s2;
	s2 =	sadd.s32 s18, s17  }
0x34: {  	s26 =	simm.s32 $0x2;
	s17 =	sadd.s32 s18, s23;
	[smem:$0x7F6] =	sst s2  }
0x35: {  	s18 =	sadd.s32 s18, s3;
	s23 =	simm.s32 $0xC000;
	_ =	strace $0x80000047  }
.LBB2_1:
0x36: {  	s1 =	sld [smem:$0x7F7];
	_ =	sdelay $0x1  }
0x37: {  	s0 =	simm.s32 $0x0;
	s14 =	sld [smem:$0x7F8]  }
0x38: {  	[tilespmem:s0], [sflag:$0x1] =	stream.linear.gather [hbm4b:s1+s0], $0x2000, $0x38;
	[tilespmem:$0x1C000] =	vst v63  }
0x39: {  	_ = 	snop  }
0x3a: {  	[tilespmem:s22], [sflag:$0x1] =	stream.strided.gather [hbm4b:s14+s20], $0x8000, s21, s20, $0x38;
	[tilespmem:$0x1C000] =	vst v63  }
0x3b: {  	s15 =	rddreg [dreg:$0x4]  }
0x3c: {  	[tilespmem:s20], [sflag:$0x2] =	stream.linear.gather [hbm4b:s15+s0], $0x2000, $0x38;
	[tilespmem:$0x1C000] =	vst v63  }
0x3d: {  	s16 =	rddreg [dreg:$0x5]  }
0x3e: {  	[tilespmem:s23], [sflag:$0x2] =	stream.strided.gather [hbm4b:s16+s20], $0x8000, s21, s20, $0x38;
	[tilespmem:$0x1C000] =	vst v63  }
0x3f: {  	_ =	swait.ge [sflag:s24], $0x2000  }
0x40: {  	[sflag:s24] =	ssyncset.done $0x0  }
0x41: {  	[sflag:s24] =	ssyncadd.s32 $0xFFFFE000  }
0x42: {  	_ =	swait.ge [sflag:s24], $0x8000  }
0x43: {  	[sflag:s24] =	ssyncset.done $0x0  }
0x44: {  	s31 =	simm.s32 $0x0;
	[sflag:s24] =	ssyncadd.s32 $0xFFFF8000  }
.LBB2_2:
0x45: {  	s3 =	simm.s32 $0x0;
	s1 =	simm.s32 $0x0  }
0x46: {  	s2 =	sshll.u32 s31, $0x7;
	s0 =	sand.u32 $0x60, s1;
	s5 =	sand.u32 $0x1C00, s3  }
0x47: {  	s3 =	sor.u32 s2, s5;
	s4 =	sor.u32 $0x10, s0  }
0x48: {  	s9 =	sor.u32 s4, s3  }
0x49: {  	s3 =	sor.u32 s0, s3;
	v0 =	vld [tilespmem:s9+$0x0]  }
0x4a: {  	v1 =	vld [tilespmem:s3+$0x0];
	_ =	sdelay $0x1  }
0x4b: {  	s6 =	sadd.s32 $0x6000, s2  }
0x4c: {  	s8 =	sadd.s32 $0x8000, s2;
	s7 =	sadd.s32 $0xA000, s2;
	s11 =	sadd.s32 s5, s6  }
0x4d: {  	s10 =	sadd.s32 s5, s8;
	s12 =	sadd.s32 s4, s11;
	[tilespmem:s9+$0x4000] =	vst.add.f32.msk $0xffff, v0;
	s9 =	simm.s32 $0x100  }
.LBB2_3:
0x4e: {  	s1 =	sadd.s32 $0x20, s1;
	s13 =	sadd.s32 s5, s7;
	[tilespmem:s12+$0x0] =	vst.add.f32.msk $0xffff, v0;
	s12 =	sadd.s32 s4, s10;
	v2 =	vmov v1  }
0x4f: {  	s5 =	sand.u32 $0x1C00, s9;
	s14 =	sand.u32 $0x60, s1;
	[tilespmem:s12+$0x0] =	vst.add.f32.msk $0xffff, v0;
	s12 =	sadd.s32 s4, s13  }
0x50: {  	s11 =	sadd.s32 s0, s11;
	s15 =	sor.u32 s2, s5;
	s4 =	sor.u32 $0x10, s14;
	[tilespmem:s12+$0x0] =	vst.add.f32.msk $0xffff, v0  }
0x51: {  	s10 =	sadd.s32 s0, s10;
	s12 =	sor.u32 s4, s15;
	[tilespmem:s3+$0x4000] =	vst.add.f32.msk $0xffff, v2;
	s3 =	sor.u32 s14, s15  }
0x52: {  	p0 =	slt.u32 s1, $0x3E0;
	s13 =	sadd.s32 s0, s13;
	s0 =	smov.u32 s14;
	v0 =	vld [tilespmem:s12+$0x0]  }
.Ltmp0:
0x53: {  	v1 =	vld [tilespmem:s3+$0x0];
	(pc) =	sbr.rel @p0 .LBB2_3-.Ltmp0, $4  }
0x54: {  	[tilespmem:s11+$0x0] =	vst.add.f32.msk $0xffff, v2  }
0x55: {  	[tilespmem:s10+$0x0] =	vst.add.f32.msk $0xffff, v2  }
0x56: {  	s11 =	sadd.s32 s5, s6;
	[tilespmem:s13+$0x0] =	vst.add.f32.msk $0xffff, v2  }
0x57: {  	s9 =	sadd.s32 $0x100, s9;
	s10 =	sadd.s32 s5, s8;
	[tilespmem:s12+$0x4000] =	vst.add.f32.msk $0xffff, v0;
	s12 =	sadd.s32 s4, s11  }
0x58: {  	[tilespmem:s12+$0x0] =	vst.add.f32.msk $0xffff, v0;
	s31 =	sadd.s32 $0x1, s31  }
0x59: {  	s2 =	sadd.s32 s4, s10;
	[tilespmem:s3+$0x4000] =	vst.add.f32.msk $0xffff, v1;
	p0 =	sne.s32 s31, $0x8  }
.Ltmp1:
0x5a: {  	s1 =	sadd.s32 s5, s7;
	s14 =	sadd.s32 s0, s11;
	[tilespmem:s2+$0x0] =	vst.add.f32.msk $0xffff, v0;
	(pc) =	sbr.rel @p0 .LBB2_2-.Ltmp1, $4  }
0x5b: {  	s13 =	sadd.s32 s4, s1;
	[tilespmem:s14+$0x0] =	vst.add.f32.msk $0xffff, v1  }
0x5c: {  	s15 =	sadd.s32 s0, s10;
	[tilespmem:s13+$0x0] =	vst.add.f32.msk $0xffff, v0  }
0x5d: {  	s16 =	sadd.s32 s0, s1;
	[tilespmem:s15+$0x0] =	vst.add.f32.msk $0xffff, v1  }
0x5e: {  	[tilespmem:s16+$0x0] =	vst.add.f32.msk $0xffff, v1  }
0x5f: {  	s0 =	sld [smem:$0x7F9];
	_ =	sdelay $0x2  }
0x60: {  	[hbm4b:s0+s20] =	stream.strided.scatter [tilespmem:s22], [sflag:$0x3], $0x8000, s21, s20, $0x38;
	[tilespmem:$0x1C000] =	vst v63  }
0x61: {  	s31 =	simm.s32 $0x0;
	s15 =	rddreg [dreg:$0x6]  }
0x62: {  	[tilespmem:s31], [sflag:$0x1] =	stream.linear.gather [hbm4b:s15+s31], $0x2000, $0x38;
	[tilespmem:$0x1C000] =	vst v63  }
0x63: {  	s16 =	rddreg [dreg:$0x7]  }
0x64: {  	[tilespmem:s25], [sflag:$0x1] =	stream.strided.gather [hbm4b:s16+s20], $0x8000, s21, s20, $0x38;
	[tilespmem:$0x1C000] =	vst v63  }
0x65: {  	_ =	swait.ge [sflag:s26], $0x2000  }
0x66: {  	[sflag:s26] =	ssyncset.done $0x0  }
0x67: {  	[sflag:s26] =	ssyncadd.s32 $0xFFFFE000  }
0x68: {  	_ =	swait.ge [sflag:s26], $0x8000  }
0x69: {  	[sflag:s26] =	ssyncset.done $0x0  }
0x6a: {  	s0 =	simm.s32 $0x0;
	[sflag:s26] =	ssyncadd.s32 $0xFFFF8000  }
.LBB2_6:
0x6b: {  	s2 =	simm.s32 $0x0  }
0x6c: {  	s3 =	sshll.u32 s0, $0x7;
	s6 =	sand.u32 $0x1C00, s31;
	s1 =	sand.u32 $0x60, s2  }
0x6d: {  	s4 =	sor.u32 s3, s6;
	s5 =	sor.u32 $0x10, s1  }
0x6e: {  	s10 =	sor.u32 s5, s4  }
0x6f: {  	s4 =	sor.u32 s1, s4;
	v0 =	vld [tilespmem:s10+$0x2000]  }
0x70: {  	v1 =	vld [tilespmem:s4+$0x2000];
	_ =	sdelay $0x1  }
0x71: {  	s7 =	sadd.s32 $0xE000, s3  }
0x72: {  	s9 =	sadd.s32 $0x10000, s3;
	s8 =	sadd.s32 $0x12000, s3;
	s12 =	sadd.s32 s6, s7  }
0x73: {  	s11 =	sadd.s32 s6, s9;
	s13 =	sadd.s32 s5, s12;
	[tilespmem:s10+$0xC000] =	vst.add.f32.msk $0xffff, v0;
	s10 =	simm.s32 $0x100  }
.LBB2_7:
0x74: {  	s2 =	sadd.s32 $0x20, s2;
	s14 =	sadd.s32 s6, s8;
	[tilespmem:s13+$0x0] =	vst.add.f32.msk $0xffff, v0;
	s13 =	sadd.s32 s5, s11;
	v2 =	vmov v1  }
0x75: {  	s6 =	sand.u32 $0x1C00, s10;
	s15 =	sand.u32 $0x60, s2;
	[tilespmem:s13+$0x0] =	vst.add.f32.msk $0xffff, v0;
	s13 =	sadd.s32 s5, s14  }
0x76: {  	s12 =	sadd.s32 s1, s12;
	s16 =	sor.u32 s3, s6;
	s5 =	sor.u32 $0x10, s15;
	[tilespmem:s13+$0x0] =	vst.add.f32.msk $0xffff, v0  }
0x77: {  	s11 =	sadd.s32 s1, s11;
	s13 =	sor.u32 s5, s16;
	[tilespmem:s4+$0xC000] =	vst.add.f32.msk $0xffff, v2;
	s4 =	sor.u32 s15, s16  }
0x78: {  	p0 =	slt.u32 s2, $0x3E0;
	s14 =	sadd.s32 s1, s14;
	s1 =	smov.u32 s15;
	v0 =	vld [tilespmem:s13+$0x2000]  }
.Ltmp2:
0x79: {  	v1 =	vld [tilespmem:s4+$0x2000];
	(pc) =	sbr.rel @p0 .LBB2_7-.Ltmp2, $4  }
0x7a: {  	[tilespmem:s12+$0x0] =	vst.add.f32.msk $0xffff, v2  }
0x7b: {  	[tilespmem:s11+$0x0] =	vst.add.f32.msk $0xffff, v2  }
0x7c: {  	s12 =	sadd.s32 s6, s7;
	[tilespmem:s14+$0x0] =	vst.add.f32.msk $0xffff, v2  }
0x7d: {  	s10 =	sadd.s32 $0x100, s10;
	s11 =	sadd.s32 s6, s9;
	[tilespmem:s13+$0xC000] =	vst.add.f32.msk $0xffff, v0;
	s13 =	sadd.s32 s5, s12  }
0x7e: {  	[tilespmem:s13+$0x0] =	vst.add.f32.msk $0xffff, v0;
	s0 =	sadd.s32 $0x1, s0  }
0x7f: {  	s3 =	sadd.s32 s5, s11;
	[tilespmem:s4+$0xC000] =	vst.add.f32.msk $0xffff, v1;
	p0 =	sne.s32 s0, $0x8  }
.Ltmp3:
0x80: {  	s2 =	sadd.s32 s6, s8;
	s14 =	sadd.s32 s1, s12;
	[tilespmem:s3+$0x0] =	vst.add.f32.msk $0xffff, v0;
	(pc) =	sbr.rel @p0 .LBB2_6-.Ltmp3, $4  }
0x81: {  	s13 =	sadd.s32 s5, s2;
	[tilespmem:s14+$0x0] =	vst.add.f32.msk $0xffff, v1  }
0x82: {  	s15 =	sadd.s32 s1, s11;
	[tilespmem:s13+$0x0] =	vst.add.f32.msk $0xffff, v0  }
0x83: {  	s16 =	sadd.s32 s1, s2;
	[tilespmem:s15+$0x0] =	vst.add.f32.msk $0xffff, v1  }
0x84: {  	[tilespmem:s16+$0x0] =	vst.add.f32.msk $0xffff, v1  }
0x85: {  	s0 =	rddreg [dreg:$0x8]  }
0x86: {  	[hbm4b:s0+s20] =	stream.strided.scatter [tilespmem:s23], [sflag:$0x4], $0x8000, s21, s20, $0x38;
	[tilespmem:$0x1C000] =	vst v63  }
0x87: {  	_ =	swait.ge [sflag:s28], $0x8000  }
0x88: {  	[sflag:s28] =	ssyncset.done $0x0  }
0x89: {  	s31 =	simm.s32 $0x0;
	s15 =	rddreg [dreg:$0x9];
	[sflag:s28] =	ssyncadd.s32 $0xFFFF8000  }
0x8a: {  	[tilespmem:s20], [sflag:$0x2] =	stream.linear.gather [hbm4b:s15+s31], $0x2000, $0x38;
	[tilespmem:$0x1C000] =	vst v63  }
0x8b: {  	s16 =	rddreg [dreg:$0xa]  }
0x8c: {  	[tilespmem:s22], [sflag:$0x2] =	stream.strided.gather [hbm4b:s16+s20], $0x8000, s21, s20, $0x38;
	[tilespmem:$0x1C000] =	vst v63  }
0x8d: {  	_ =	swait.ge [sflag:s24], $0x2000  }
0x8e: {  	[sflag:s24] =	ssyncset.done $0x0  }
0x8f: {  	[sflag:s24] =	ssyncadd.s32 $0xFFFFE000  }
0x90: {  	_ =	swait.ge [sflag:s24], $0x8000  }
0x91: {  	[sflag:s24] =	ssyncset.done $0x0  }
0x92: {  	s0 =	simm.s32 $0x0;
	[sflag:s24] =	ssyncadd.s32 $0xFFFF8000  }
.LBB2_10:
0x93: {  	s2 =	simm.s32 $0x0  }
0x94: {  	s3 =	sshll.u32 s0, $0x7;
	s6 =	sand.u32 $0x1C00, s31;
	s1 =	sand.u32 $0x60, s2  }
0x95: {  	s4 =	sor.u32 s3, s6;
	s5 =	sor.u32 $0x10, s1  }
0x96: {  	s10 =	sor.u32 s5, s4  }
0x97: {  	s4 =	sor.u32 s1, s4;
	v0 =	vld [tilespmem:s10+$0x0]  }
0x98: {  	v1 =	vld [tilespmem:s4+$0x0];
	_ =	sdelay $0x1  }
0x99: {  	s7 =	sadd.s32 $0x16000, s3  }
0x9a: {  	s9 =	sadd.s32 $0x18000, s3;
	s8 =	sadd.s32 $0x1A000, s3;
	s12 =	sadd.s32 s6, s7  }
0x9b: {  	s11 =	sadd.s32 s6, s9;
	s13 =	sadd.s32 s5, s12;
	[tilespmem:s10+$0x14000] =	vst.add.f32.msk $0xffff, v0;
	s10 =	simm.s32 $0x100  }
.LBB2_11:
0x9c: {  	s2 =	sadd.s32 $0x20, s2;
	s14 =	sadd.s32 s6, s8;
	[tilespmem:s13+$0x0] =	vst.add.f32.msk $0xffff, v0;
	s13 =	sadd.s32 s5, s11;
	v2 =	vmov v1  }
0x9d: {  	s6 =	sand.u32 $0x1C00, s10;
	s15 =	sand.u32 $0x60, s2;
	[tilespmem:s13+$0x0] =	vst.add.f32.msk $0xffff, v0;
	s13 =	sadd.s32 s5, s14  }
0x9e: {  	s12 =	sadd.s32 s1, s12;
	s16 =	sor.u32 s3, s6;
	s5 =	sor.u32 $0x10, s15;
	[tilespmem:s13+$0x0] =	vst.add.f32.msk $0xffff, v0  }
0x9f: {  	s11 =	sadd.s32 s1, s11;
	s13 =	sor.u32 s5, s16;
	[tilespmem:s4+$0x14000] =	vst.add.f32.msk $0xffff, v2;
	s4 =	sor.u32 s15, s16  }
0xa0: {  	p0 =	slt.u32 s2, $0x3E0;
	s14 =	sadd.s32 s1, s14;
	s1 =	smov.u32 s15;
	v0 =	vld [tilespmem:s13+$0x0]  }
.Ltmp4:
0xa1: {  	v1 =	vld [tilespmem:s4+$0x0];
	(pc) =	sbr.rel @p0 .LBB2_11-.Ltmp4, $4  }
0xa2: {  	[tilespmem:s12+$0x0] =	vst.add.f32.msk $0xffff, v2  }
0xa3: {  	[tilespmem:s11+$0x0] =	vst.add.f32.msk $0xffff, v2  }
0xa4: {  	s12 =	sadd.s32 s6, s7;
	[tilespmem:s14+$0x0] =	vst.add.f32.msk $0xffff, v2  }
0xa5: {  	s10 =	sadd.s32 $0x100, s10;
	s11 =	sadd.s32 s6, s9;
	[tilespmem:s13+$0x14000] =	vst.add.f32.msk $0xffff, v0;
	s13 =	sadd.s32 s5, s12  }
0xa6: {  	[tilespmem:s13+$0x0] =	vst.add.f32.msk $0xffff, v0;
	s0 =	sadd.s32 $0x1, s0  }
0xa7: {  	s3 =	sadd.s32 s5, s11;
	[tilespmem:s4+$0x14000] =	vst.add.f32.msk $0xffff, v1;
	p0 =	sne.s32 s0, $0x8  }
.Ltmp5:
0xa8: {  	s2 =	sadd.s32 s6, s8;
	s14 =	sadd.s32 s1, s12;
	[tilespmem:s3+$0x0] =	vst.add.f32.msk $0xffff, v0;
	(pc) =	sbr.rel @p0 .LBB2_10-.Ltmp5, $4  }
0xa9: {  	s13 =	sadd.s32 s5, s2;
	[tilespmem:s14+$0x0] =	vst.add.f32.msk $0xffff, v1  }
0xaa: {  	s15 =	sadd.s32 s1, s11;
	[tilespmem:s13+$0x0] =	vst.add.f32.msk $0xffff, v0  }
0xab: {  	s16 =	sadd.s32 s1, s2;
	[tilespmem:s15+$0x0] =	vst.add.f32.msk $0xffff, v1  }
0xac: {  	[tilespmem:s16+$0x0] =	vst.add.f32.msk $0xffff, v1  }
0xad: {  	s0 =	rddreg [dreg:$0xb]  }
0xae: {  	[hbm4b:s0+s20] =	stream.strided.scatter [tilespmem:s25], [sflag:$0x3], $0x8000, s21, s20, $0x38;
	[tilespmem:$0x1C000] =	vst v63  }
0xaf: {  	_ =	swait.ge [sflag:s29], $0x8000  }
0xb0: {  	[sflag:s29] =	ssyncset.done $0x0  }
0xb1: {  	s31 =	simm.s32 $0x0;
	s15 =	rddreg [dreg:$0xc];
	[sflag:s29] =	ssyncadd.s32 $0xFFFF8000  }
0xb2: {  	[tilespmem:s31], [sflag:$0x1] =	stream.linear.gather [hbm4b:s15+s31], $0x2000, $0x38;
	[tilespmem:$0x1C000] =	vst v63  }
0xb3: {  	s16 =	rddreg [dreg:$0xd]  }
0xb4: {  	[tilespmem:s23], [sflag:$0x1] =	stream.strided.gather [hbm4b:s16+s20], $0x8000, s21, s20, $0x38;
	[tilespmem:$0x1C000] =	vst v63  }
0xb5: {  	_ =	swait.ge [sflag:s26], $0x2000  }
0xb6: {  	[sflag:s26] =	ssyncset.done $0x0  }
0xb7: {  	[sflag:s26] =	ssyncadd.s32 $0xFFFFE000  }
0xb8: {  	_ =	swait.ge [sflag:s26], $0x8000  }
0xb9: {  	[sflag:s26] =	ssyncset.done $0x0  }
0xba: {  	s0 =	simm.s32 $0x0;
	[sflag:s26] =	ssyncadd.s32 $0xFFFF8000  }
.LBB2_14:
0xbb: {  	s2 =	simm.s32 $0x0  }
0xbc: {  	s3 =	sshll.u32 s0, $0x7;
	s6 =	sand.u32 $0x1C00, s31;
	s1 =	sand.u32 $0x60, s2  }
0xbd: {  	s4 =	sor.u32 s3, s6;
	s5 =	sor.u32 $0x10, s1  }
0xbe: {  	s10 =	sor.u32 s5, s4  }
0xbf: {  	s4 =	sor.u32 s1, s4;
	v0 =	vld [tilespmem:s10+$0x2000]  }
0xc0: {  	v1 =	vld [tilespmem:s4+$0x2000];
	_ =	sdelay $0x1  }
0xc1: {  	s7 =	sadd.s32 $0x6000, s3  }
0xc2: {  	s9 =	sadd.s32 $0x8000, s3;
	s8 =	sadd.s32 $0xA000, s3;
	s12 =	sadd.s32 s6, s7  }
0xc3: {  	s11 =	sadd.s32 s6, s9;
	s13 =	sadd.s32 s5, s12;
	[tilespmem:s10+$0x4000] =	vst.add.f32.msk $0xffff, v0;
	s10 =	simm.s32 $0x100  }
.LBB2_15:
0xc4: {  	s2 =	sadd.s32 $0x20, s2;
	s14 =	sadd.s32 s6, s8;
	[tilespmem:s13+$0x0] =	vst.add.f32.msk $0xffff, v0;
	s13 =	sadd.s32 s5, s11;
	v2 =	vmov v1  }
0xc5: {  	s6 =	sand.u32 $0x1C00, s10;
	s15 =	sand.u32 $0x60, s2;
	[tilespmem:s13+$0x0] =	vst.add.f32.msk $0xffff, v0;
	s13 =	sadd.s32 s5, s14  }
0xc6: {  	s12 =	sadd.s32 s1, s12;
	s16 =	sor.u32 s3, s6;
	s5 =	sor.u32 $0x10, s15;
	[tilespmem:s13+$0x0] =	vst.add.f32.msk $0xffff, v0  }
0xc7: {  	s11 =	sadd.s32 s1, s11;
	s13 =	sor.u32 s5, s16;
	[tilespmem:s4+$0x4000] =	vst.add.f32.msk $0xffff, v2;
	s4 =	sor.u32 s15, s16  }
0xc8: {  	p0 =	slt.u32 s2, $0x3E0;
	s14 =	sadd.s32 s1, s14;
	s1 =	smov.u32 s15;
	v0 =	vld [tilespmem:s13+$0x2000]  }
.Ltmp6:
0xc9: {  	v1 =	vld [tilespmem:s4+$0x2000];
	(pc) =	sbr.rel @p0 .LBB2_15-.Ltmp6, $4  }
0xca: {  	[tilespmem:s12+$0x0] =	vst.add.f32.msk $0xffff, v2  }
0xcb: {  	[tilespmem:s11+$0x0] =	vst.add.f32.msk $0xffff, v2  }
0xcc: {  	s12 =	sadd.s32 s6, s7;
	[tilespmem:s14+$0x0] =	vst.add.f32.msk $0xffff, v2  }
0xcd: {  	s10 =	sadd.s32 $0x100, s10;
	s11 =	sadd.s32 s6, s9;
	[tilespmem:s13+$0x4000] =	vst.add.f32.msk $0xffff, v0;
	s13 =	sadd.s32 s5, s12  }
0xce: {  	[tilespmem:s13+$0x0] =	vst.add.f32.msk $0xffff, v0;
	s0 =	sadd.s32 $0x1, s0  }
0xcf: {  	s3 =	sadd.s32 s5, s11;
	[tilespmem:s4+$0x4000] =	vst.add.f32.msk $0xffff, v1;
	p0 =	sne.s32 s0, $0x8  }
.Ltmp7:
0xd0: {  	s2 =	sadd.s32 s6, s8;
	s14 =	sadd.s32 s1, s12;
	[tilespmem:s3+$0x0] =	vst.add.f32.msk $0xffff, v0;
	(pc) =	sbr.rel @p0 .LBB2_14-.Ltmp7, $4  }
0xd1: {  	s13 =	sadd.s32 s5, s2;
	[tilespmem:s14+$0x0] =	vst.add.f32.msk $0xffff, v1  }
0xd2: {  	s15 =	sadd.s32 s1, s11;
	[tilespmem:s13+$0x0] =	vst.add.f32.msk $0xffff, v0  }
0xd3: {  	s16 =	sadd.s32 s1, s2;
	[tilespmem:s15+$0x0] =	vst.add.f32.msk $0xffff, v1  }
0xd4: {  	[tilespmem:s16+$0x0] =	vst.add.f32.msk $0xffff, v1  }
0xd5: {  	s0 =	rddreg [dreg:$0xe]  }
0xd6: {  	[hbm4b:s0+s20] =	stream.strided.scatter [tilespmem:s22], [sflag:$0x4], $0x8000, s21, s20, $0x38;
	[tilespmem:$0x1C000] =	vst v63  }
0xd7: {  	_ =	swait.ge [sflag:s28], $0x8000  }
0xd8: {  	[sflag:s28] =	ssyncset.done $0x0  }
0xd9: {  	s31 =	simm.s32 $0x0;
	s15 =	rddreg [dreg:$0xf];
	[sflag:s28] =	ssyncadd.s32 $0xFFFF8000  }
0xda: {  	[tilespmem:s20], [sflag:$0x2] =	stream.linear.gather [hbm4b:s15+s31], $0x2000, $0x38;
	[tilespmem:$0x1C000] =	vst v63  }
0xdb: {  	s16 =	rddreg [dreg:$0x10]  }
0xdc: {  	[tilespmem:s25], [sflag:$0x2] =	stream.strided.gather [hbm4b:s16+s20], $0x8000, s21, s20, $0x38;
	[tilespmem:$0x1C000] =	vst v63  }
0xdd: {  	_ =	swait.ge [sflag:s24], $0x2000  }
0xde: {  	[sflag:s24] =	ssyncset.done $0x0  }
0xdf: {  	[sflag:s24] =	ssyncadd.s32 $0xFFFFE000  }
0xe0: {  	_ =	swait.ge [sflag:s24], $0x8000  }
0xe1: {  	[sflag:s24] =	ssyncset.done $0x0  }
0xe2: {  	s0 =	simm.s32 $0x0;
	[sflag:s24] =	ssyncadd.s32 $0xFFFF8000  }
.LBB2_18:
0xe3: {  	s2 =	simm.s32 $0x0  }
0xe4: {  	s3 =	sshll.u32 s0, $0x7;
	s6 =	sand.u32 $0x1C00, s31;
	s1 =	sand.u32 $0x60, s2  }
0xe5: {  	s4 =	sor.u32 s3, s6;
	s5 =	sor.u32 $0x10, s1  }
0xe6: {  	s10 =	sor.u32 s5, s4  }
0xe7: {  	s4 =	sor.u32 s1, s4;
	v0 =	vld [tilespmem:s10+$0x0]  }
0xe8: {  	v1 =	vld [tilespmem:s4+$0x0];
	_ =	sdelay $0x1  }
0xe9: {  	s7 =	sadd.s32 $0xE000, s3  }
0xea: {  	s9 =	sadd.s32 $0x10000, s3;
	s8 =	sadd.s32 $0x12000, s3;
	s12 =	sadd.s32 s6, s7  }
0xeb: {  	s11 =	sadd.s32 s6, s9;
	s13 =	sadd.s32 s5, s12;
	[tilespmem:s10+$0xC000] =	vst.add.f32.msk $0xffff, v0;
	s10 =	simm.s32 $0x100  }
.LBB2_19:
0xec: {  	s2 =	sadd.s32 $0x20, s2;
	s14 =	sadd.s32 s6, s8;
	[tilespmem:s13+$0x0] =	vst.add.f32.msk $0xffff, v0;
	s13 =	sadd.s32 s5, s11;
	v2 =	vmov v1  }
0xed: {  	s6 =	sand.u32 $0x1C00, s10;
	s15 =	sand.u32 $0x60, s2;
	[tilespmem:s13+$0x0] =	vst.add.f32.msk $0xffff, v0;
	s13 =	sadd.s32 s5, s14  }
0xee: {  	s12 =	sadd.s32 s1, s12;
	s16 =	sor.u32 s3, s6;
	s5 =	sor.u32 $0x10, s15;
	[tilespmem:s13+$0x0] =	vst.add.f32.msk $0xffff, v0  }
0xef: {  	s11 =	sadd.s32 s1, s11;
	s13 =	sor.u32 s5, s16;
	[tilespmem:s4+$0xC000] =	vst.add.f32.msk $0xffff, v2;
	s4 =	sor.u32 s15, s16  }
0xf0: {  	p0 =	slt.u32 s2, $0x3E0;
	s14 =	sadd.s32 s1, s14;
	s1 =	smov.u32 s15;
	v0 =	vld [tilespmem:s13+$0x0]  }
.Ltmp8:
0xf1: {  	v1 =	vld [tilespmem:s4+$0x0];
	(pc) =	sbr.rel @p0 .LBB2_19-.Ltmp8, $4  }
0xf2: {  	[tilespmem:s12+$0x0] =	vst.add.f32.msk $0xffff, v2  }
0xf3: {  	[tilespmem:s11+$0x0] =	vst.add.f32.msk $0xffff, v2  }
0xf4: {  	s12 =	sadd.s32 s6, s7;
	[tilespmem:s14+$0x0] =	vst.add.f32.msk $0xffff, v2  }
0xf5: {  	s10 =	sadd.s32 $0x100, s10;
	s11 =	sadd.s32 s6, s9;
	[tilespmem:s13+$0xC000] =	vst.add.f32.msk $0xffff, v0;
	s13 =	sadd.s32 s5, s12  }
0xf6: {  	[tilespmem:s13+$0x0] =	vst.add.f32.msk $0xffff, v0;
	s0 =	sadd.s32 $0x1, s0  }
0xf7: {  	s3 =	sadd.s32 s5, s11;
	[tilespmem:s4+$0xC000] =	vst.add.f32.msk $0xffff, v1;
	p0 =	sne.s32 s0, $0x8  }
.Ltmp9:
0xf8: {  	s2 =	sadd.s32 s6, s8;
	s14 =	sadd.s32 s1, s12;
	[tilespmem:s3+$0x0] =	vst.add.f32.msk $0xffff, v0;
	(pc) =	sbr.rel @p0 .LBB2_18-.Ltmp9, $4  }
0xf9: {  	s13 =	sadd.s32 s5, s2;
	[tilespmem:s14+$0x0] =	vst.add.f32.msk $0xffff, v1  }
0xfa: {  	s15 =	sadd.s32 s1, s11;
	[tilespmem:s13+$0x0] =	vst.add.f32.msk $0xffff, v0  }
0xfb: {  	s16 =	sadd.s32 s1, s2;
	[tilespmem:s15+$0x0] =	vst.add.f32.msk $0xffff, v1  }
0xfc: {  	[tilespmem:s16+$0x0] =	vst.add.f32.msk $0xffff, v1  }
0xfd: {  	s0 =	rddreg [dreg:$0x11]  }
0xfe: {  	[hbm4b:s0+s20] =	stream.strided.scatter [tilespmem:s23], [sflag:$0x3], $0x8000, s21, s20, $0x38;
	[tilespmem:$0x1C000] =	vst v63  }
0xff: {  	_ =	swait.ge [sflag:s29], $0x8000  }
0x100: {  	[sflag:s29] =	ssyncset.done $0x0  }
0x101: {  	s31 =	simm.s32 $0x0;
	s15 =	rddreg [dreg:$0x12];
	[sflag:s29] =	ssyncadd.s32 $0xFFFF8000  }
0x102: {  	[tilespmem:s31], [sflag:$0x1] =	stream.linear.gather [hbm4b:s15+s31], $0x2000, $0x38;
	[tilespmem:$0x1C000] =	vst v63  }
0x103: {  	s16 =	rddreg [dreg:$0x13]  }
0x104: {  	[tilespmem:s22], [sflag:$0x1] =	stream.strided.gather [hbm4b:s16+s20], $0x8000, s21, s20, $0x38;
	[tilespmem:$0x1C000] =	vst v63  }
0x105: {  	_ =	swait.ge [sflag:s26], $0x2000  }
0x106: {  	[sflag:s26] =	ssyncset.done $0x0  }
0x107: {  	[sflag:s26] =	ssyncadd.s32 $0xFFFFE000  }
0x108: {  	_ =	swait.ge [sflag:s26], $0x8000  }
0x109: {  	[sflag:s26] =	ssyncset.done $0x0  }
0x10a: {  	s0 =	simm.s32 $0x0;
	[sflag:s26] =	ssyncadd.s32 $0xFFFF8000  }
.LBB2_22:
0x10b: {  	s2 =	simm.s32 $0x0  }
0x10c: {  	s3 =	sshll.u32 s0, $0x7;
	s6 =	sand.u32 $0x1C00, s31;
	s1 =	sand.u32 $0x60, s2  }
0x10d: {  	s4 =	sor.u32 s3, s6;
	s5 =	sor.u32 $0x10, s1  }
0x10e: {  	s10 =	sor.u32 s5, s4  }
0x10f: {  	s4 =	sor.u32 s1, s4;
	v0 =	vld [tilespmem:s10+$0x2000]  }
0x110: {  	v1 =	vld [tilespmem:s4+$0x2000];
	_ =	sdelay $0x1  }
0x111: {  	s7 =	sadd.s32 $0x16000, s3  }
0x112: {  	s9 =	sadd.s32 $0x18000, s3;
	s8 =	sadd.s32 $0x1A000, s3;
	s12 =	sadd.s32 s6, s7  }
0x113: {  	s11 =	sadd.s32 s6, s9;
	s13 =	sadd.s32 s5, s12;
	[tilespmem:s10+$0x14000] =	vst.add.f32.msk $0xffff, v0;
	s10 =	simm.s32 $0x100  }
.LBB2_23:
0x114: {  	s2 =	sadd.s32 $0x20, s2;
	s14 =	sadd.s32 s6, s8;
	[tilespmem:s13+$0x0] =	vst.add.f32.msk $0xffff, v0;
	s13 =	sadd.s32 s5, s11;
	v2 =	vmov v1  }
0x115: {  	s6 =	sand.u32 $0x1C00, s10;
	s15 =	sand.u32 $0x60, s2;
	[tilespmem:s13+$0x0] =	vst.add.f32.msk $0xffff, v0;
	s13 =	sadd.s32 s5, s14  }
0x116: {  	s12 =	sadd.s32 s1, s12;
	s16 =	sor.u32 s3, s6;
	s5 =	sor.u32 $0x10, s15;
	[tilespmem:s13+$0x0] =	vst.add.f32.msk $0xffff, v0  }
0x117: {  	s11 =	sadd.s32 s1, s11;
	s13 =	sor.u32 s5, s16;
	[tilespmem:s4+$0x14000] =	vst.add.f32.msk $0xffff, v2;
	s4 =	sor.u32 s15, s16  }
0x118: {  	p0 =	slt.u32 s2, $0x3E0;
	s14 =	sadd.s32 s1, s14;
	s1 =	smov.u32 s15;
	v0 =	vld [tilespmem:s13+$0x2000]  }
.Ltmp10:
0x119: {  	v1 =	vld [tilespmem:s4+$0x2000];
	(pc) =	sbr.rel @p0 .LBB2_23-.Ltmp10, $4  }
0x11a: {  	[tilespmem:s12+$0x0] =	vst.add.f32.msk $0xffff, v2  }
0x11b: {  	[tilespmem:s11+$0x0] =	vst.add.f32.msk $0xffff, v2  }
0x11c: {  	s12 =	sadd.s32 s6, s7;
	[tilespmem:s14+$0x0] =	vst.add.f32.msk $0xffff, v2  }
0x11d: {  	s10 =	sadd.s32 $0x100, s10;
	s11 =	sadd.s32 s6, s9;
	[tilespmem:s13+$0x14000] =	vst.add.f32.msk $0xffff, v0;
	s13 =	sadd.s32 s5, s12  }
0x11e: {  	[tilespmem:s13+$0x0] =	vst.add.f32.msk $0xffff, v0;
	s0 =	sadd.s32 $0x1, s0  }
0x11f: {  	s3 =	sadd.s32 s5, s11;
	[tilespmem:s4+$0x14000] =	vst.add.f32.msk $0xffff, v1;
	p0 =	sne.s32 s0, $0x8  }
.Ltmp11:
0x120: {  	s2 =	sadd.s32 s6, s8;
	s14 =	sadd.s32 s1, s12;
	[tilespmem:s3+$0x0] =	vst.add.f32.msk $0xffff, v0;
	(pc) =	sbr.rel @p0 .LBB2_22-.Ltmp11, $4  }
0x121: {  	s13 =	sadd.s32 s5, s2;
	[tilespmem:s14+$0x0] =	vst.add.f32.msk $0xffff, v1  }
0x122: {  	s15 =	sadd.s32 s1, s11;
	[tilespmem:s13+$0x0] =	vst.add.f32.msk $0xffff, v0  }
0x123: {  	s16 =	sadd.s32 s1, s2;
	[tilespmem:s15+$0x0] =	vst.add.f32.msk $0xffff, v1  }
0x124: {  	[tilespmem:s16+$0x0] =	vst.add.f32.msk $0xffff, v1  }
0x125: {  	s0 =	rddreg [dreg:$0x14]  }
0x126: {  	[hbm4b:s0+s20] =	stream.strided.scatter [tilespmem:s25], [sflag:$0x4], $0x8000, s21, s20, $0x38;
	[tilespmem:$0x1C000] =	vst v63  }
0x127: {  	_ =	swait.ge [sflag:s28], $0x8000  }
0x128: {  	[sflag:s28] =	ssyncset.done $0x0  }
0x129: {  	s31 =	simm.s32 $0x0;
	s15 =	rddreg [dreg:$0x16];
	[sflag:s28] =	ssyncadd.s32 $0xFFFF8000  }
0x12a: {  	[tilespmem:s20], [sflag:$0x2] =	stream.linear.gather [hbm4b:s15+s31], $0x2000, $0x38;
	[tilespmem:$0x1C000] =	vst v63  }
0x12b: {  	s16 =	rddreg [dreg:$0x17]  }
0x12c: {  	[tilespmem:s23], [sflag:$0x2] =	stream.strided.gather [hbm4b:s16+s20], $0x8000, s21, s20, $0x38;
	[tilespmem:$0x1C000] =	vst v63  }
0x12d: {  	_ =	swait.ge [sflag:s24], $0x2000  }
0x12e: {  	[sflag:s24] =	ssyncset.done $0x0  }
0x12f: {  	[sflag:s24] =	ssyncadd.s32 $0xFFFFE000  }
0x130: {  	_ =	swait.ge [sflag:s24], $0x8000  }
0x131: {  	[sflag:s24] =	ssyncset.done $0x0  }
0x132: {  	s0 =	simm.s32 $0x0;
	[sflag:s24] =	ssyncadd.s32 $0xFFFF8000  }
.LBB2_26:
0x133: {  	s2 =	simm.s32 $0x0  }
0x134: {  	s3 =	sshll.u32 s0, $0x7;
	s6 =	sand.u32 $0x1C00, s31;
	s1 =	sand.u32 $0x60, s2  }
0x135: {  	s4 =	sor.u32 s3, s6;
	s5 =	sor.u32 $0x10, s1  }
0x136: {  	s10 =	sor.u32 s5, s4  }
0x137: {  	s4 =	sor.u32 s1, s4;
	v0 =	vld [tilespmem:s10+$0x0]  }
0x138: {  	v1 =	vld [tilespmem:s4+$0x0];
	_ =	sdelay $0x1  }
0x139: {  	s7 =	sadd.s32 $0x6000, s3  }
0x13a: {  	s9 =	sadd.s32 $0x8000, s3;
	s8 =	sadd.s32 $0xA000, s3;
	s12 =	sadd.s32 s6, s7  }
0x13b: {  	s11 =	sadd.s32 s6, s9;
	s13 =	sadd.s32 s5, s12;
	[tilespmem:s10+$0x4000] =	vst.add.f32.msk $0xffff, v0;
	s10 =	simm.s32 $0x100  }
.LBB2_27:
0x13c: {  	s2 =	sadd.s32 $0x20, s2;
	s14 =	sadd.s32 s6, s8;
	[tilespmem:s13+$0x0] =	vst.add.f32.msk $0xffff, v0;
	s13 =	sadd.s32 s5, s11;
	v2 =	vmov v1  }
0x13d: {  	s6 =	sand.u32 $0x1C00, s10;
	s15 =	sand.u32 $0x60, s2;
	[tilespmem:s13+$0x0] =	vst.add.f32.msk $0xffff, v0;
	s13 =	sadd.s32 s5, s14  }
0x13e: {  	s12 =	sadd.s32 s1, s12;
	s16 =	sor.u32 s3, s6;
	s5 =	sor.u32 $0x10, s15;
	[tilespmem:s13+$0x0] =	vst.add.f32.msk $0xffff, v0  }
0x13f: {  	s11 =	sadd.s32 s1, s11;
	s13 =	sor.u32 s5, s16;
	[tilespmem:s4+$0x4000] =	vst.add.f32.msk $0xffff, v2;
	s4 =	sor.u32 s15, s16  }
0x140: {  	p0 =	slt.u32 s2, $0x3E0;
	s14 =	sadd.s32 s1, s14;
	s1 =	smov.u32 s15;
	v0 =	vld [tilespmem:s13+$0x0]  }
.Ltmp12:
0x141: {  	v1 =	vld [tilespmem:s4+$0x0];
	(pc) =	sbr.rel @p0 .LBB2_27-.Ltmp12, $4  }
0x142: {  	[tilespmem:s12+$0x0] =	vst.add.f32.msk $0xffff, v2  }
0x143: {  	[tilespmem:s11+$0x0] =	vst.add.f32.msk $0xffff, v2  }
0x144: {  	s12 =	sadd.s32 s6, s7;
	[tilespmem:s14+$0x0] =	vst.add.f32.msk $0xffff, v2  }
0x145: {  	s10 =	sadd.s32 $0x100, s10;
	s11 =	sadd.s32 s6, s9;
	[tilespmem:s13+$0x4000] =	vst.add.f32.msk $0xffff, v0;
	s13 =	sadd.s32 s5, s12  }
0x146: {  	[tilespmem:s13+$0x0] =	vst.add.f32.msk $0xffff, v0;
	s0 =	sadd.s32 $0x1, s0  }
0x147: {  	s3 =	sadd.s32 s5, s11;
	[tilespmem:s4+$0x4000] =	vst.add.f32.msk $0xffff, v1;
	p0 =	sne.s32 s0, $0x8  }
.Ltmp13:
0x148: {  	s2 =	sadd.s32 s6, s8;
	s14 =	sadd.s32 s1, s12;
	[tilespmem:s3+$0x0] =	vst.add.f32.msk $0xffff, v0;
	(pc) =	sbr.rel @p0 .LBB2_26-.Ltmp13, $4  }
0x149: {  	s13 =	sadd.s32 s5, s2;
	[tilespmem:s14+$0x0] =	vst.add.f32.msk $0xffff, v1  }
0x14a: {  	s15 =	sadd.s32 s1, s11;
	[tilespmem:s13+$0x0] =	vst.add.f32.msk $0xffff, v0  }
0x14b: {  	s16 =	sadd.s32 s1, s2;
	[tilespmem:s15+$0x0] =	vst.add.f32.msk $0xffff, v1  }
0x14c: {  	[tilespmem:s16+$0x0] =	vst.add.f32.msk $0xffff, v1  }
0x14d: {  	s0 =	rddreg [dreg:$0x15]  }
0x14e: {  	[hbm4b:s0+s20] =	stream.strided.scatter [tilespmem:s22], [sflag:$0x3], $0x8000, s21, s20, $0x38;
	[tilespmem:$0x1C000] =	vst v63  }
0x14f: {  	_ =	swait.ge [sflag:s29], $0x8000  }
0x150: {  	[sflag:s29] =	ssyncset.done $0x0  }
0x151: {  	s31 =	simm.s32 $0x0;
	s15 =	rddreg [dreg:$0x19];
	[sflag:s29] =	ssyncadd.s32 $0xFFFF8000  }
0x152: {  	[tilespmem:s31], [sflag:$0x1] =	stream.linear.gather [hbm4b:s15+s31], $0x2000, $0x38;
	[tilespmem:$0x1C000] =	vst v63  }
0x153: {  	s16 =	rddreg [dreg:$0x1a]  }
0x154: {  	[tilespmem:s25], [sflag:$0x1] =	stream.strided.gather [hbm4b:s16+s20], $0x8000, s21, s20, $0x38;
	[tilespmem:$0x1C000] =	vst v63  }
0x155: {  	_ =	swait.ge [sflag:s26], $0x2000  }
0x156: {  	[sflag:s26] =	ssyncset.done $0x0  }
0x157: {  	[sflag:s26] =	ssyncadd.s32 $0xFFFFE000  }
0x158: {  	_ =	swait.ge [sflag:s26], $0x8000  }
0x159: {  	[sflag:s26] =	ssyncset.done $0x0  }
0x15a: {  	s0 =	simm.s32 $0x0;
	[sflag:s26] =	ssyncadd.s32 $0xFFFF8000  }
.LBB2_30:
0x15b: {  	s2 =	simm.s32 $0x0  }
0x15c: {  	s3 =	sshll.u32 s0, $0x7;
	s6 =	sand.u32 $0x1C00, s31;
	s1 =	sand.u32 $0x60, s2  }
0x15d: {  	s4 =	sor.u32 s3, s6;
	s5 =	sor.u32 $0x10, s1  }
0x15e: {  	s10 =	sor.u32 s5, s4  }
0x15f: {  	s4 =	sor.u32 s1, s4;
	v0 =	vld [tilespmem:s10+$0x2000]  }
0x160: {  	v1 =	vld [tilespmem:s4+$0x2000];
	_ =	sdelay $0x1  }
0x161: {  	s7 =	sadd.s32 $0xE000, s3  }
0x162: {  	s9 =	sadd.s32 $0x10000, s3;
	s8 =	sadd.s32 $0x12000, s3;
	s12 =	sadd.s32 s6, s7  }
0x163: {  	s11 =	sadd.s32 s6, s9;
	s13 =	sadd.s32 s5, s12;
	[tilespmem:s10+$0xC000] =	vst.add.f32.msk $0xffff, v0;
	s10 =	simm.s32 $0x100  }
.LBB2_31:
0x164: {  	s2 =	sadd.s32 $0x20, s2;
	s14 =	sadd.s32 s6, s8;
	[tilespmem:s13+$0x0] =	vst.add.f32.msk $0xffff, v0;
	s13 =	sadd.s32 s5, s11;
	v2 =	vmov v1  }
0x165: {  	s6 =	sand.u32 $0x1C00, s10;
	s15 =	sand.u32 $0x60, s2;
	[tilespmem:s13+$0x0] =	vst.add.f32.msk $0xffff, v0;
	s13 =	sadd.s32 s5, s14  }
0x166: {  	s12 =	sadd.s32 s1, s12;
	s16 =	sor.u32 s3, s6;
	s5 =	sor.u32 $0x10, s15;
	[tilespmem:s13+$0x0] =	vst.add.f32.msk $0xffff, v0  }
0x167: {  	s11 =	sadd.s32 s1, s11;
	s13 =	sor.u32 s5, s16;
	[tilespmem:s4+$0xC000] =	vst.add.f32.msk $0xffff, v2;
	s4 =	sor.u32 s15, s16  }
0x168: {  	p0 =	slt.u32 s2, $0x3E0;
	s14 =	sadd.s32 s1, s14;
	s1 =	smov.u32 s15;
	v0 =	vld [tilespmem:s13+$0x2000]  }
.Ltmp14:
0x169: {  	v1 =	vld [tilespmem:s4+$0x2000];
	(pc) =	sbr.rel @p0 .LBB2_31-.Ltmp14, $4  }
0x16a: {  	[tilespmem:s12+$0x0] =	vst.add.f32.msk $0xffff, v2  }
0x16b: {  	[tilespmem:s11+$0x0] =	vst.add.f32.msk $0xffff, v2  }
0x16c: {  	s12 =	sadd.s32 s6, s7;
	[tilespmem:s14+$0x0] =	vst.add.f32.msk $0xffff, v2  }
0x16d: {  	s10 =	sadd.s32 $0x100, s10;
	s11 =	sadd.s32 s6, s9;
	[tilespmem:s13+$0xC000] =	vst.add.f32.msk $0xffff, v0;
	s13 =	sadd.s32 s5, s12  }
0x16e: {  	[tilespmem:s13+$0x0] =	vst.add.f32.msk $0xffff, v0;
	s0 =	sadd.s32 $0x1, s0  }
0x16f: {  	s3 =	sadd.s32 s5, s11;
	[tilespmem:s4+$0xC000] =	vst.add.f32.msk $0xffff, v1;
	p0 =	sne.s32 s0, $0x8  }
.Ltmp15:
0x170: {  	s2 =	sadd.s32 s6, s8;
	s14 =	sadd.s32 s1, s12;
	[tilespmem:s3+$0x0] =	vst.add.f32.msk $0xffff, v0;
	(pc) =	sbr.rel @p0 .LBB2_30-.Ltmp15, $4  }
0x171: {  	s13 =	sadd.s32 s5, s2;
	[tilespmem:s14+$0x0] =	vst.add.f32.msk $0xffff, v1  }
0x172: {  	s15 =	sadd.s32 s1, s11;
	[tilespmem:s13+$0x0] =	vst.add.f32.msk $0xffff, v0  }
0x173: {  	s16 =	sadd.s32 s1, s2;
	[tilespmem:s15+$0x0] =	vst.add.f32.msk $0xffff, v1  }
0x174: {  	[tilespmem:s16+$0x0] =	vst.add.f32.msk $0xffff, v1  }
0x175: {  	s0 =	rddreg [dreg:$0x18]  }
0x176: {  	[hbm4b:s0+s20] =	stream.strided.scatter [tilespmem:s23], [sflag:$0x4], $0x8000, s21, s20, $0x38;
	[tilespmem:$0x1C000] =	vst v63  }
0x177: {  	_ =	swait.ge [sflag:s28], $0x8000  }
0x178: {  	[sflag:s28] =	ssyncset.done $0x0  }
0x179: {  	s31 =	simm.s32 $0x0;
	s15 =	rddreg [dreg:$0x1c];
	[sflag:s28] =	ssyncadd.s32 $0xFFFF8000  }
0x17a: {  	[tilespmem:s20], [sflag:$0x2] =	stream.linear.gather [hbm4b:s15+s31], $0x2000, $0x38;
	[tilespmem:$0x1C000] =	vst v63  }
0x17b: {  	s16 =	rddreg [dreg:$0x1d]  }
0x17c: {  	[tilespmem:s22], [sflag:$0x2] =	stream.strided.gather [hbm4b:s16+s20], $0x8000, s21, s20, $0x38;
	[tilespmem:$0x1C000] =	vst v63  }
0x17d: {  	_ =	swait.ge [sflag:s24], $0x2000  }
0x17e: {  	[sflag:s24] =	ssyncset.done $0x0  }
0x17f: {  	[sflag:s24] =	ssyncadd.s32 $0xFFFFE000  }
0x180: {  	_ =	swait.ge [sflag:s24], $0x8000  }
0x181: {  	[sflag:s24] =	ssyncset.done $0x0  }
0x182: {  	s0 =	simm.s32 $0x0;
	[sflag:s24] =	ssyncadd.s32 $0xFFFF8000  }
.LBB2_34:
0x183: {  	s2 =	simm.s32 $0x0  }
0x184: {  	s3 =	sshll.u32 s0, $0x7;
	s6 =	sand.u32 $0x1C00, s31;
	s1 =	sand.u32 $0x60, s2  }
0x185: {  	s4 =	sor.u32 s3, s6;
	s5 =	sor.u32 $0x10, s1  }
0x186: {  	s10 =	sor.u32 s5, s4  }
0x187: {  	s4 =	sor.u32 s1, s4;
	v0 =	vld [tilespmem:s10+$0x0]  }
0x188: {  	v1 =	vld [tilespmem:s4+$0x0];
	_ =	sdelay $0x1  }
0x189: {  	s7 =	sadd.s32 $0x16000, s3  }
0x18a: {  	s9 =	sadd.s32 $0x18000, s3;
	s8 =	sadd.s32 $0x1A000, s3;
	s12 =	sadd.s32 s6, s7  }
0x18b: {  	s11 =	sadd.s32 s6, s9;
	s13 =	sadd.s32 s5, s12;
	[tilespmem:s10+$0x14000] =	vst.add.f32.msk $0xffff, v0;
	s10 =	simm.s32 $0x100  }
.LBB2_35:
0x18c: {  	s2 =	sadd.s32 $0x20, s2;
	s14 =	sadd.s32 s6, s8;
	[tilespmem:s13+$0x0] =	vst.add.f32.msk $0xffff, v0;
	s13 =	sadd.s32 s5, s11;
	v2 =	vmov v1  }
0x18d: {  	s6 =	sand.u32 $0x1C00, s10;
	s15 =	sand.u32 $0x60, s2;
	[tilespmem:s13+$0x0] =	vst.add.f32.msk $0xffff, v0;
	s13 =	sadd.s32 s5, s14  }
0x18e: {  	s12 =	sadd.s32 s1, s12;
	s16 =	sor.u32 s3, s6;
	s5 =	sor.u32 $0x10, s15;
	[tilespmem:s13+$0x0] =	vst.add.f32.msk $0xffff, v0  }
0x18f: {  	s11 =	sadd.s32 s1, s11;
	s13 =	sor.u32 s5, s16;
	[tilespmem:s4+$0x14000] =	vst.add.f32.msk $0xffff, v2;
	s4 =	sor.u32 s15, s16  }
0x190: {  	p0 =	slt.u32 s2, $0x3E0;
	s14 =	sadd.s32 s1, s14;
	s1 =	smov.u32 s15;
	v0 =	vld [tilespmem:s13+$0x0]  }
.Ltmp16:
0x191: {  	v1 =	vld [tilespmem:s4+$0x0];
	(pc) =	sbr.rel @p0 .LBB2_35-.Ltmp16, $4  }
0x192: {  	[tilespmem:s12+$0x0] =	vst.add.f32.msk $0xffff, v2  }
0x193: {  	[tilespmem:s11+$0x0] =	vst.add.f32.msk $0xffff, v2  }
0x194: {  	s12 =	sadd.s32 s6, s7;
	[tilespmem:s14+$0x0] =	vst.add.f32.msk $0xffff, v2  }
0x195: {  	s10 =	sadd.s32 $0x100, s10;
	s11 =	sadd.s32 s6, s9;
	[tilespmem:s13+$0x14000] =	vst.add.f32.msk $0xffff, v0;
	s13 =	sadd.s32 s5, s12  }
0x196: {  	[tilespmem:s13+$0x0] =	vst.add.f32.msk $0xffff, v0;
	s0 =	sadd.s32 $0x1, s0  }
0x197: {  	s3 =	sadd.s32 s5, s11;
	[tilespmem:s4+$0x14000] =	vst.add.f32.msk $0xffff, v1;
	p0 =	sne.s32 s0, $0x8  }
.Ltmp17:
0x198: {  	s2 =	sadd.s32 s6, s8;
	s14 =	sadd.s32 s1, s12;
	[tilespmem:s3+$0x0] =	vst.add.f32.msk $0xffff, v0;
	(pc) =	sbr.rel @p0 .LBB2_34-.Ltmp17, $4  }
0x199: {  	s13 =	sadd.s32 s5, s2;
	[tilespmem:s14+$0x0] =	vst.add.f32.msk $0xffff, v1  }
0x19a: {  	s15 =	sadd.s32 s1, s11;
	[tilespmem:s13+$0x0] =	vst.add.f32.msk $0xffff, v0  }
0x19b: {  	s16 =	sadd.s32 s1, s2;
	[tilespmem:s15+$0x0] =	vst.add.f32.msk $0xffff, v1  }
0x19c: {  	[tilespmem:s16+$0x0] =	vst.add.f32.msk $0xffff, v1  }
0x19d: {  	s0 =	rddreg [dreg:$0x1b]  }
0x19e: {  	[hbm4b:s0+s20] =	stream.strided.scatter [tilespmem:s25], [sflag:$0x3], $0x8000, s21, s20, $0x38;
	[tilespmem:$0x1C000] =	vst v63  }
0x19f: {  	_ =	swait.ge [sflag:s29], $0x8000  }
0x1a0: {  	[sflag:s29] =	ssyncset.done $0x0;
	s15 =	rddreg [dreg:$0x1f]  }
0x1a1: {  	s31 =	simm.s32 $0x0;
	s16 =	sld [smem:$0x7EC];
	[sflag:s29] =	ssyncadd.s32 $0xFFFF8000  }
0x1a2: {  	[tilespmem:s31], [sflag:$0x1] =	stream.linear.gather [hbm4b:s15+s31], $0x2000, $0x38;
	[tilespmem:$0x1C000] =	vst v63  }
0x1a3: {  	_ = 	snop  }
0x1a4: {  	[tilespmem:s23], [sflag:$0x1] =	stream.strided.gather [hbm4b:s16+s20], $0x8000, s21, s20, $0x38;
	[tilespmem:$0x1C000] =	vst v63  }
0x1a5: {  	_ =	swait.ge [sflag:s26], $0x2000  }
0x1a6: {  	[sflag:s26] =	ssyncset.done $0x0  }
0x1a7: {  	[sflag:s26] =	ssyncadd.s32 $0xFFFFE000  }
0x1a8: {  	_ =	swait.ge [sflag:s26], $0x8000  }
0x1a9: {  	[sflag:s26] =	ssyncset.done $0x0  }
0x1aa: {  	s0 =	simm.s32 $0x0;
	[sflag:s26] =	ssyncadd.s32 $0xFFFF8000  }
.LBB2_38:
0x1ab: {  	s2 =	simm.s32 $0x0  }
0x1ac: {  	s3 =	sshll.u32 s0, $0x7;
	s6 =	sand.u32 $0x1C00, s31;
	s1 =	sand.u32 $0x60, s2  }
0x1ad: {  	s4 =	sor.u32 s3, s6;
	s5 =	sor.u32 $0x10, s1  }
0x1ae: {  	s10 =	sor.u32 s5, s4  }
0x1af: {  	s4 =	sor.u32 s1, s4;
	v0 =	vld [tilespmem:s10+$0x2000]  }
0x1b0: {  	v1 =	vld [tilespmem:s4+$0x2000];
	_ =	sdelay $0x1  }
0x1b1: {  	s7 =	sadd.s32 $0x6000, s3  }
0x1b2: {  	s9 =	sadd.s32 $0x8000, s3;
	s8 =	sadd.s32 $0xA000, s3;
	s12 =	sadd.s32 s6, s7  }
0x1b3: {  	s11 =	sadd.s32 s6, s9;
	s13 =	sadd.s32 s5, s12;
	[tilespmem:s10+$0x4000] =	vst.add.f32.msk $0xffff, v0;
	s10 =	simm.s32 $0x100  }
.LBB2_39:
0x1b4: {  	s2 =	sadd.s32 $0x20, s2;
	s14 =	sadd.s32 s6, s8;
	[tilespmem:s13+$0x0] =	vst.add.f32.msk $0xffff, v0;
	s13 =	sadd.s32 s5, s11;
	v2 =	vmov v1  }
0x1b5: {  	s6 =	sand.u32 $0x1C00, s10;
	s15 =	sand.u32 $0x60, s2;
	[tilespmem:s13+$0x0] =	vst.add.f32.msk $0xffff, v0;
	s13 =	sadd.s32 s5, s14  }
0x1b6: {  	s12 =	sadd.s32 s1, s12;
	s16 =	sor.u32 s3, s6;
	s5 =	sor.u32 $0x10, s15;
	[tilespmem:s13+$0x0] =	vst.add.f32.msk $0xffff, v0  }
0x1b7: {  	s11 =	sadd.s32 s1, s11;
	s13 =	sor.u32 s5, s16;
	[tilespmem:s4+$0x4000] =	vst.add.f32.msk $0xffff, v2;
	s4 =	sor.u32 s15, s16  }
0x1b8: {  	p0 =	slt.u32 s2, $0x3E0;
	s14 =	sadd.s32 s1, s14;
	s1 =	smov.u32 s15;
	v0 =	vld [tilespmem:s13+$0x2000]  }
.Ltmp18:
0x1b9: {  	v1 =	vld [tilespmem:s4+$0x2000];
	(pc) =	sbr.rel @p0 .LBB2_39-.Ltmp18, $4  }
0x1ba: {  	[tilespmem:s12+$0x0] =	vst.add.f32.msk $0xffff, v2  }
0x1bb: {  	[tilespmem:s11+$0x0] =	vst.add.f32.msk $0xffff, v2  }
0x1bc: {  	s12 =	sadd.s32 s6, s7;
	[tilespmem:s14+$0x0] =	vst.add.f32.msk $0xffff, v2  }
0x1bd: {  	s10 =	sadd.s32 $0x100, s10;
	s11 =	sadd.s32 s6, s9;
	[tilespmem:s13+$0x4000] =	vst.add.f32.msk $0xffff, v0;
	s13 =	sadd.s32 s5, s12  }
0x1be: {  	[tilespmem:s13+$0x0] =	vst.add.f32.msk $0xffff, v0;
	s0 =	sadd.s32 $0x1, s0  }
0x1bf: {  	s3 =	sadd.s32 s5, s11;
	[tilespmem:s4+$0x4000] =	vst.add.f32.msk $0xffff, v1;
	p0 =	sne.s32 s0, $0x8  }
.Ltmp19:
0x1c0: {  	s2 =	sadd.s32 s6, s8;
	s14 =	sadd.s32 s1, s12;
	[tilespmem:s3+$0x0] =	vst.add.f32.msk $0xffff, v0;
	(pc) =	sbr.rel @p0 .LBB2_38-.Ltmp19, $4  }
0x1c1: {  	s13 =	sadd.s32 s5, s2;
	[tilespmem:s14+$0x0] =	vst.add.f32.msk $0xffff, v1  }
0x1c2: {  	s15 =	sadd.s32 s1, s11;
	[tilespmem:s13+$0x0] =	vst.add.f32.msk $0xffff, v0  }
0x1c3: {  	s16 =	sadd.s32 s1, s2;
	[tilespmem:s15+$0x0] =	vst.add.f32.msk $0xffff, v1  }
0x1c4: {  	[tilespmem:s16+$0x0] =	vst.add.f32.msk $0xffff, v1  }
0x1c5: {  	s0 =	rddreg [dreg:$0x1e]  }
0x1c6: {  	[hbm4b:s0+s20] =	stream.strided.scatter [tilespmem:s22], [sflag:$0x4], $0x8000, s21, s20, $0x38;
	[tilespmem:$0x1C000] =	vst v63  }
0x1c7: {  	_ =	swait.ge [sflag:s28], $0x8000  }
0x1c8: {  	s15 =	sld [smem:$0x7EE]  }
0x1c9: {  	[sflag:s28] =	ssyncset.done $0x0  }
0x1ca: {  	s31 =	simm.s32 $0x0;
	s16 =	sld [smem:$0x7EF];
	[sflag:s28] =	ssyncadd.s32 $0xFFFF8000  }
0x1cb: {  	[tilespmem:s20], [sflag:$0x2] =	stream.linear.gather [hbm4b:s15+s31], $0x2000, $0x38;
	[tilespmem:$0x1C000] =	vst v63  }
0x1cc: {  	_ = 	snop  }
0x1cd: {  	[tilespmem:s25], [sflag:$0x2] =	stream.strided.gather [hbm4b:s16+s20], $0x8000, s21, s20, $0x38;
	[tilespmem:$0x1C000] =	vst v63  }
0x1ce: {  	_ =	swait.ge [sflag:s24], $0x2000  }
0x1cf: {  	[sflag:s24] =	ssyncset.done $0x0  }
0x1d0: {  	[sflag:s24] =	ssyncadd.s32 $0xFFFFE000  }
0x1d1: {  	_ =	swait.ge [sflag:s24], $0x8000  }
0x1d2: {  	[sflag:s24] =	ssyncset.done $0x0  }
0x1d3: {  	s0 =	simm.s32 $0x0;
	[sflag:s24] =	ssyncadd.s32 $0xFFFF8000  }
.LBB2_42:
0x1d4: {  	s2 =	simm.s32 $0x0  }
0x1d5: {  	s3 =	sshll.u32 s0, $0x7;
	s6 =	sand.u32 $0x1C00, s31;
	s1 =	sand.u32 $0x60, s2  }
0x1d6: {  	s4 =	sor.u32 s3, s6;
	s5 =	sor.u32 $0x10, s1  }
0x1d7: {  	s10 =	sor.u32 s5, s4  }
0x1d8: {  	s4 =	sor.u32 s1, s4;
	v0 =	vld [tilespmem:s10+$0x0]  }
0x1d9: {  	v1 =	vld [tilespmem:s4+$0x0];
	_ =	sdelay $0x1  }
0x1da: {  	s7 =	sadd.s32 $0xE000, s3  }
0x1db: {  	s9 =	sadd.s32 $0x10000, s3;
	s8 =	sadd.s32 $0x12000, s3;
	s12 =	sadd.s32 s6, s7  }
0x1dc: {  	s11 =	sadd.s32 s6, s9;
	s13 =	sadd.s32 s5, s12;
	[tilespmem:s10+$0xC000] =	vst.add.f32.msk $0xffff, v0;
	s10 =	simm.s32 $0x100  }
.LBB2_43:
0x1dd: {  	s2 =	sadd.s32 $0x20, s2;
	s14 =	sadd.s32 s6, s8;
	[tilespmem:s13+$0x0] =	vst.add.f32.msk $0xffff, v0;
	s13 =	sadd.s32 s5, s11;
	v2 =	vmov v1  }
0x1de: {  	s6 =	sand.u32 $0x1C00, s10;
	s15 =	sand.u32 $0x60, s2;
	[tilespmem:s13+$0x0] =	vst.add.f32.msk $0xffff, v0;
	s13 =	sadd.s32 s5, s14  }
0x1df: {  	s12 =	sadd.s32 s1, s12;
	s16 =	sor.u32 s3, s6;
	s5 =	sor.u32 $0x10, s15;
	[tilespmem:s13+$0x0] =	vst.add.f32.msk $0xffff, v0  }
0x1e0: {  	s11 =	sadd.s32 s1, s11;
	s13 =	sor.u32 s5, s16;
	[tilespmem:s4+$0xC000] =	vst.add.f32.msk $0xffff, v2;
	s4 =	sor.u32 s15, s16  }
0x1e1: {  	p0 =	slt.u32 s2, $0x3E0;
	s14 =	sadd.s32 s1, s14;
	s1 =	smov.u32 s15;
	v0 =	vld [tilespmem:s13+$0x0]  }
.Ltmp20:
0x1e2: {  	v1 =	vld [tilespmem:s4+$0x0];
	(pc) =	sbr.rel @p0 .LBB2_43-.Ltmp20, $4  }
0x1e3: {  	[tilespmem:s12+$0x0] =	vst.add.f32.msk $0xffff, v2  }
0x1e4: {  	[tilespmem:s11+$0x0] =	vst.add.f32.msk $0xffff, v2  }
0x1e5: {  	s12 =	sadd.s32 s6, s7;
	[tilespmem:s14+$0x0] =	vst.add.f32.msk $0xffff, v2  }
0x1e6: {  	s10 =	sadd.s32 $0x100, s10;
	s11 =	sadd.s32 s6, s9;
	[tilespmem:s13+$0xC000] =	vst.add.f32.msk $0xffff, v0;
	s13 =	sadd.s32 s5, s12  }
0x1e7: {  	[tilespmem:s13+$0x0] =	vst.add.f32.msk $0xffff, v0;
	s0 =	sadd.s32 $0x1, s0  }
0x1e8: {  	s3 =	sadd.s32 s5, s11;
	[tilespmem:s4+$0xC000] =	vst.add.f32.msk $0xffff, v1;
	p0 =	sne.s32 s0, $0x8  }
.Ltmp21:
0x1e9: {  	s2 =	sadd.s32 s6, s8;
	s14 =	sadd.s32 s1, s12;
	[tilespmem:s3+$0x0] =	vst.add.f32.msk $0xffff, v0;
	(pc) =	sbr.rel @p0 .LBB2_42-.Ltmp21, $4  }
0x1ea: {  	s13 =	sadd.s32 s5, s2;
	[tilespmem:s14+$0x0] =	vst.add.f32.msk $0xffff, v1  }
0x1eb: {  	s15 =	sadd.s32 s1, s11;
	[tilespmem:s13+$0x0] =	vst.add.f32.msk $0xffff, v0  }
0x1ec: {  	s16 =	sadd.s32 s1, s2;
	[tilespmem:s15+$0x0] =	vst.add.f32.msk $0xffff, v1  }
0x1ed: {  	[tilespmem:s16+$0x0] =	vst.add.f32.msk $0xffff, v1  }
0x1ee: {  	s0 =	sld [smem:$0x7ED];
	_ =	sdelay $0x2  }
0x1ef: {  	[hbm4b:s0+s20] =	stream.strided.scatter [tilespmem:s23], [sflag:$0x3], $0x8000, s21, s20, $0x38;
	[tilespmem:$0x1C000] =	vst v63  }
0x1f0: {  	_ =	swait.ge [sflag:s29], $0x8000  }
0x1f1: {  	s15 =	sld [smem:$0x7F1]  }
0x1f2: {  	[sflag:s29] =	ssyncset.done $0x0  }
0x1f3: {  	s31 =	simm.s32 $0x0;
	s16 =	sld [smem:$0x7F2];
	[sflag:s29] =	ssyncadd.s32 $0xFFFF8000  }
0x1f4: {  	[tilespmem:s31], [sflag:$0x1] =	stream.linear.gather [hbm4b:s15+s31], $0x2000, $0x38;
	[tilespmem:$0x1C000] =	vst v63  }
0x1f5: {  	_ = 	snop  }
0x1f6: {  	[tilespmem:s22], [sflag:$0x1] =	stream.strided.gather [hbm4b:s16+s20], $0x8000, s21, s20, $0x38;
	[tilespmem:$0x1C000] =	vst v63  }
0x1f7: {  	_ =	swait.ge [sflag:s26], $0x2000  }
0x1f8: {  	[sflag:s26] =	ssyncset.done $0x0  }
0x1f9: {  	[sflag:s26] =	ssyncadd.s32 $0xFFFFE000  }
0x1fa: {  	_ =	swait.ge [sflag:s26], $0x8000  }
0x1fb: {  	[sflag:s26] =	ssyncset.done $0x0  }
0x1fc: {  	s0 =	simm.s32 $0x0;
	[sflag:s26] =	ssyncadd.s32 $0xFFFF8000  }
.LBB2_46:
0x1fd: {  	s2 =	simm.s32 $0x0  }
0x1fe: {  	s3 =	sshll.u32 s0, $0x7;
	s6 =	sand.u32 $0x1C00, s31;
	s1 =	sand.u32 $0x60, s2  }
0x1ff: {  	s4 =	sor.u32 s3, s6;
	s5 =	sor.u32 $0x10, s1  }
0x200: {  	s10 =	sor.u32 s5, s4  }
0x201: {  	s4 =	sor.u32 s1, s4;
	v0 =	vld [tilespmem:s10+$0x2000]  }
0x202: {  	v1 =	vld [tilespmem:s4+$0x2000];
	_ =	sdelay $0x1  }
0x203: {  	s7 =	sadd.s32 $0x16000, s3  }
0x204: {  	s9 =	sadd.s32 $0x18000, s3;
	s8 =	sadd.s32 $0x1A000, s3;
	s12 =	sadd.s32 s6, s7  }
0x205: {  	s11 =	sadd.s32 s6, s9;
	s13 =	sadd.s32 s5, s12;
	[tilespmem:s10+$0x14000] =	vst.add.f32.msk $0xffff, v0;
	s10 =	simm.s32 $0x100  }
.LBB2_47:
0x206: {  	s2 =	sadd.s32 $0x20, s2;
	s14 =	sadd.s32 s6, s8;
	[tilespmem:s13+$0x0] =	vst.add.f32.msk $0xffff, v0;
	s13 =	sadd.s32 s5, s11;
	v2 =	vmov v1  }
0x207: {  	s6 =	sand.u32 $0x1C00, s10;
	s15 =	sand.u32 $0x60, s2;
	[tilespmem:s13+$0x0] =	vst.add.f32.msk $0xffff, v0;
	s13 =	sadd.s32 s5, s14  }
0x208: {  	s12 =	sadd.s32 s1, s12;
	s16 =	sor.u32 s3, s6;
	s5 =	sor.u32 $0x10, s15;
	[tilespmem:s13+$0x0] =	vst.add.f32.msk $0xffff, v0  }
0x209: {  	s11 =	sadd.s32 s1, s11;
	s13 =	sor.u32 s5, s16;
	[tilespmem:s4+$0x14000] =	vst.add.f32.msk $0xffff, v2;
	s4 =	sor.u32 s15, s16  }
0x20a: {  	p0 =	slt.u32 s2, $0x3E0;
	s14 =	sadd.s32 s1, s14;
	s1 =	smov.u32 s15;
	v0 =	vld [tilespmem:s13+$0x2000]  }
.Ltmp22:
0x20b: {  	v1 =	vld [tilespmem:s4+$0x2000];
	(pc) =	sbr.rel @p0 .LBB2_47-.Ltmp22, $4  }
0x20c: {  	[tilespmem:s12+$0x0] =	vst.add.f32.msk $0xffff, v2  }
0x20d: {  	[tilespmem:s11+$0x0] =	vst.add.f32.msk $0xffff, v2  }
0x20e: {  	s12 =	sadd.s32 s6, s7;
	[tilespmem:s14+$0x0] =	vst.add.f32.msk $0xffff, v2  }
0x20f: {  	s10 =	sadd.s32 $0x100, s10;
	s11 =	sadd.s32 s6, s9;
	[tilespmem:s13+$0x14000] =	vst.add.f32.msk $0xffff, v0;
	s13 =	sadd.s32 s5, s12  }
0x210: {  	[tilespmem:s13+$0x0] =	vst.add.f32.msk $0xffff, v0;
	s0 =	sadd.s32 $0x1, s0  }
0x211: {  	s3 =	sadd.s32 s5, s11;
	[tilespmem:s4+$0x14000] =	vst.add.f32.msk $0xffff, v1;
	p0 =	sne.s32 s0, $0x8  }
.Ltmp23:
0x212: {  	s2 =	sadd.s32 s6, s8;
	s14 =	sadd.s32 s1, s12;
	[tilespmem:s3+$0x0] =	vst.add.f32.msk $0xffff, v0;
	(pc) =	sbr.rel @p0 .LBB2_46-.Ltmp23, $4  }
0x213: {  	s13 =	sadd.s32 s5, s2;
	[tilespmem:s14+$0x0] =	vst.add.f32.msk $0xffff, v1  }
0x214: {  	s15 =	sadd.s32 s1, s11;
	[tilespmem:s13+$0x0] =	vst.add.f32.msk $0xffff, v0  }
0x215: {  	s16 =	sadd.s32 s1, s2;
	[tilespmem:s15+$0x0] =	vst.add.f32.msk $0xffff, v1  }
0x216: {  	[tilespmem:s16+$0x0] =	vst.add.f32.msk $0xffff, v1  }
0x217: {  	s0 =	sld [smem:$0x7F0];
	_ =	sdelay $0x2  }
0x218: {  	[hbm4b:s0+s20] =	stream.strided.scatter [tilespmem:s25], [sflag:$0x4], $0x8000, s21, s20, $0x38;
	[tilespmem:$0x1C000] =	vst v63  }
0x219: {  	_ =	swait.ge [sflag:s28], $0x8000  }
0x21a: {  	s15 =	sld [smem:$0x7F4]  }
0x21b: {  	[sflag:s28] =	ssyncset.done $0x0  }
0x21c: {  	s31 =	simm.s32 $0x0;
	s16 =	sld [smem:$0x7F5];
	[sflag:s28] =	ssyncadd.s32 $0xFFFF8000  }
0x21d: {  	[tilespmem:s20], [sflag:$0x2] =	stream.linear.gather [hbm4b:s15+s31], $0x2000, $0x38;
	[tilespmem:$0x1C000] =	vst v63  }
0x21e: {  	_ = 	snop  }
0x21f: {  	[tilespmem:s23], [sflag:$0x2] =	stream.strided.gather [hbm4b:s16+s20], $0x8000, s21, s20, $0x38;
	[tilespmem:$0x1C000] =	vst v63  }
0x220: {  	_ =	swait.ge [sflag:s24], $0x2000  }
0x221: {  	[sflag:s24] =	ssyncset.done $0x0  }
0x222: {  	[sflag:s24] =	ssyncadd.s32 $0xFFFFE000  }
0x223: {  	_ =	swait.ge [sflag:s24], $0x8000  }
0x224: {  	[sflag:s24] =	ssyncset.done $0x0  }
0x225: {  	s0 =	simm.s32 $0x0;
	[sflag:s24] =	ssyncadd.s32 $0xFFFF8000  }
.LBB2_50:
0x226: {  	s2 =	simm.s32 $0x0  }
0x227: {  	s3 =	sshll.u32 s0, $0x7;
	s6 =	sand.u32 $0x1C00, s31;
	s1 =	sand.u32 $0x60, s2  }
0x228: {  	s4 =	sor.u32 s3, s6;
	s5 =	sor.u32 $0x10, s1  }
0x229: {  	s10 =	sor.u32 s5, s4  }
0x22a: {  	s4 =	sor.u32 s1, s4;
	v0 =	vld [tilespmem:s10+$0x0]  }
0x22b: {  	v1 =	vld [tilespmem:s4+$0x0];
	_ =	sdelay $0x1  }
0x22c: {  	s7 =	sadd.s32 $0x6000, s3  }
0x22d: {  	s9 =	sadd.s32 $0x8000, s3;
	s8 =	sadd.s32 $0xA000, s3;
	s12 =	sadd.s32 s6, s7  }
0x22e: {  	s11 =	sadd.s32 s6, s9;
	s13 =	sadd.s32 s5, s12;
	[tilespmem:s10+$0x4000] =	vst.add.f32.msk $0xffff, v0;
	s10 =	simm.s32 $0x100  }
.LBB2_51:
0x22f: {  	s2 =	sadd.s32 $0x20, s2;
	s14 =	sadd.s32 s6, s8;
	[tilespmem:s13+$0x0] =	vst.add.f32.msk $0xffff, v0;
	s13 =	sadd.s32 s5, s11;
	v2 =	vmov v1  }
0x230: {  	s6 =	sand.u32 $0x1C00, s10;
	s15 =	sand.u32 $0x60, s2;
	[tilespmem:s13+$0x0] =	vst.add.f32.msk $0xffff, v0;
	s13 =	sadd.s32 s5, s14  }
0x231: {  	s12 =	sadd.s32 s1, s12;
	s16 =	sor.u32 s3, s6;
	s5 =	sor.u32 $0x10, s15;
	[tilespmem:s13+$0x0] =	vst.add.f32.msk $0xffff, v0  }
0x232: {  	s11 =	sadd.s32 s1, s11;
	s13 =	sor.u32 s5, s16;
	[tilespmem:s4+$0x4000] =	vst.add.f32.msk $0xffff, v2;
	s4 =	sor.u32 s15, s16  }
0x233: {  	p0 =	slt.u32 s2, $0x3E0;
	s14 =	sadd.s32 s1, s14;
	s1 =	smov.u32 s15;
	v0 =	vld [tilespmem:s13+$0x0]  }
.Ltmp24:
0x234: {  	v1 =	vld [tilespmem:s4+$0x0];
	(pc) =	sbr.rel @p0 .LBB2_51-.Ltmp24, $4  }
0x235: {  	[tilespmem:s12+$0x0] =	vst.add.f32.msk $0xffff, v2  }
0x236: {  	[tilespmem:s11+$0x0] =	vst.add.f32.msk $0xffff, v2  }
0x237: {  	s12 =	sadd.s32 s6, s7;
	[tilespmem:s14+$0x0] =	vst.add.f32.msk $0xffff, v2  }
0x238: {  	s10 =	sadd.s32 $0x100, s10;
	s11 =	sadd.s32 s6, s9;
	[tilespmem:s13+$0x4000] =	vst.add.f32.msk $0xffff, v0;
	s13 =	sadd.s32 s5, s12  }
0x239: {  	[tilespmem:s13+$0x0] =	vst.add.f32.msk $0xffff, v0;
	s0 =	sadd.s32 $0x1, s0  }
0x23a: {  	s3 =	sadd.s32 s5, s11;
	[tilespmem:s4+$0x4000] =	vst.add.f32.msk $0xffff, v1;
	p0 =	sne.s32 s0, $0x8  }
.Ltmp25:
0x23b: {  	s2 =	sadd.s32 s6, s8;
	s14 =	sadd.s32 s1, s12;
	[tilespmem:s3+$0x0] =	vst.add.f32.msk $0xffff, v0;
	(pc) =	sbr.rel @p0 .LBB2_50-.Ltmp25, $4  }
0x23c: {  	s13 =	sadd.s32 s5, s2;
	[tilespmem:s14+$0x0] =	vst.add.f32.msk $0xffff, v1  }
0x23d: {  	s15 =	sadd.s32 s1, s11;
	[tilespmem:s13+$0x0] =	vst.add.f32.msk $0xffff, v0  }
0x23e: {  	s16 =	sadd.s32 s1, s2;
	[tilespmem:s15+$0x0] =	vst.add.f32.msk $0xffff, v1  }
0x23f: {  	[tilespmem:s16+$0x0] =	vst.add.f32.msk $0xffff, v1  }
0x240: {  	s0 =	sld [smem:$0x7F3];
	_ =	sdelay $0x2  }
0x241: {  	[hbm4b:s0+s20] =	stream.strided.scatter [tilespmem:s22], [sflag:$0x3], $0x8000, s21, s20, $0x38;
	[tilespmem:$0x1C000] =	vst v63  }
0x242: {  	_ =	swait.ge [sflag:s29], $0x8000  }
0x243: {  	s15 =	sld [smem:$0x7FA]  }
0x244: {  	[sflag:s29] =	ssyncset.done $0x0  }
0x245: {  	s31 =	simm.s32 $0x0;
	s16 =	sld [smem:$0x7FC];
	[sflag:s29] =	ssyncadd.s32 $0xFFFF8000  }
0x246: {  	[tilespmem:s31], [sflag:$0x1] =	stream.linear.gather [hbm4b:s15+s31], $0x2000, $0x38;
	[tilespmem:$0x1C000] =	vst v63  }
0x247: {  	_ = 	snop  }
0x248: {  	[tilespmem:s25], [sflag:$0x1] =	stream.strided.gather [hbm4b:s16+s20], $0x8000, s21, s20, $0x38;
	[tilespmem:$0x1C000] =	vst v63  }
0x249: {  	_ =	swait.ge [sflag:s26], $0x2000  }
0x24a: {  	[sflag:s26] =	ssyncset.done $0x0  }
0x24b: {  	[sflag:s26] =	ssyncadd.s32 $0xFFFFE000  }
0x24c: {  	_ =	swait.ge [sflag:s26], $0x8000  }
0x24d: {  	[sflag:s26] =	ssyncset.done $0x0  }
0x24e: {  	s0 =	simm.s32 $0x0;
	[sflag:s26] =	ssyncadd.s32 $0xFFFF8000  }
.LBB2_54:
0x24f: {  	s2 =	simm.s32 $0x0  }
0x250: {  	s3 =	sshll.u32 s0, $0x7;
	s6 =	sand.u32 $0x1C00, s31;
	s1 =	sand.u32 $0x60, s2  }
0x251: {  	s4 =	sor.u32 s3, s6;
	s5 =	sor.u32 $0x10, s1  }
0x252: {  	s10 =	sor.u32 s5, s4  }
0x253: {  	s4 =	sor.u32 s1, s4;
	v0 =	vld [tilespmem:s10+$0x2000]  }
0x254: {  	v1 =	vld [tilespmem:s4+$0x2000];
	_ =	sdelay $0x1  }
0x255: {  	s7 =	sadd.s32 $0xE000, s3  }
0x256: {  	s9 =	sadd.s32 $0x10000, s3;
	s8 =	sadd.s32 $0x12000, s3;
	s12 =	sadd.s32 s6, s7  }
0x257: {  	s11 =	sadd.s32 s6, s9;
	s13 =	sadd.s32 s5, s12;
	[tilespmem:s10+$0xC000] =	vst.add.f32.msk $0xffff, v0;
	s10 =	simm.s32 $0x100  }
.LBB2_55:
0x258: {  	s2 =	sadd.s32 $0x20, s2;
	s14 =	sadd.s32 s6, s8;
	[tilespmem:s13+$0x0] =	vst.add.f32.msk $0xffff, v0;
	s13 =	sadd.s32 s5, s11;
	v2 =	vmov v1  }
0x259: {  	s6 =	sand.u32 $0x1C00, s10;
	s15 =	sand.u32 $0x60, s2;
	[tilespmem:s13+$0x0] =	vst.add.f32.msk $0xffff, v0;
	s13 =	sadd.s32 s5, s14  }
0x25a: {  	s12 =	sadd.s32 s1, s12;
	s16 =	sor.u32 s3, s6;
	s5 =	sor.u32 $0x10, s15;
	[tilespmem:s13+$0x0] =	vst.add.f32.msk $0xffff, v0  }
0x25b: {  	s11 =	sadd.s32 s1, s11;
	s13 =	sor.u32 s5, s16;
	[tilespmem:s4+$0xC000] =	vst.add.f32.msk $0xffff, v2;
	s4 =	sor.u32 s15, s16  }
0x25c: {  	p0 =	slt.u32 s2, $0x3E0;
	s14 =	sadd.s32 s1, s14;
	s1 =	smov.u32 s15;
	v0 =	vld [tilespmem:s13+$0x2000]  }
.Ltmp26:
0x25d: {  	v1 =	vld [tilespmem:s4+$0x2000];
	(pc) =	sbr.rel @p0 .LBB2_55-.Ltmp26, $4  }
0x25e: {  	[tilespmem:s12+$0x0] =	vst.add.f32.msk $0xffff, v2  }
0x25f: {  	[tilespmem:s11+$0x0] =	vst.add.f32.msk $0xffff, v2  }
0x260: {  	s12 =	sadd.s32 s6, s7;
	[tilespmem:s14+$0x0] =	vst.add.f32.msk $0xffff, v2  }
0x261: {  	s10 =	sadd.s32 $0x100, s10;
	s11 =	sadd.s32 s6, s9;
	[tilespmem:s13+$0xC000] =	vst.add.f32.msk $0xffff, v0;
	s13 =	sadd.s32 s5, s12  }
0x262: {  	[tilespmem:s13+$0x0] =	vst.add.f32.msk $0xffff, v0;
	s0 =	sadd.s32 $0x1, s0  }
0x263: {  	s3 =	sadd.s32 s5, s11;
	[tilespmem:s4+$0xC000] =	vst.add.f32.msk $0xffff, v1;
	p0 =	sne.s32 s0, $0x8  }
.Ltmp27:
0x264: {  	s2 =	sadd.s32 s6, s8;
	s14 =	sadd.s32 s1, s12;
	[tilespmem:s3+$0x0] =	vst.add.f32.msk $0xffff, v0;
	(pc) =	sbr.rel @p0 .LBB2_54-.Ltmp27, $4  }
0x265: {  	s13 =	sadd.s32 s5, s2;
	[tilespmem:s14+$0x0] =	vst.add.f32.msk $0xffff, v1  }
0x266: {  	s15 =	sadd.s32 s1, s11;
	[tilespmem:s13+$0x0] =	vst.add.f32.msk $0xffff, v0  }
0x267: {  	s16 =	sadd.s32 s1, s2;
	[tilespmem:s15+$0x0] =	vst.add.f32.msk $0xffff, v1  }
0x268: {  	[tilespmem:s16+$0x0] =	vst.add.f32.msk $0xffff, v1  }
0x269: {  	s0 =	sld [smem:$0x7F6];
	_ =	sdelay $0x2  }
0x26a: {  	[hbm4b:s0+s20] =	stream.strided.scatter [tilespmem:s23], [sflag:$0x4], $0x8000, s21, s20, $0x38;
	[tilespmem:$0x1C000] =	vst v63  }
0x26b: {  	_ =	swait.ge [sflag:s28], $0x8000  }
0x26c: {  	s15 =	sld [smem:$0x7FB]  }
0x26d: {  	[sflag:s28] =	ssyncset.done $0x0  }
0x26e: {  	s31 =	simm.s32 $0x0;
	s16 =	sld [smem:$0x7FD];
	[sflag:s28] =	ssyncadd.s32 $0xFFFF8000  }
0x26f: {  	[tilespmem:s20], [sflag:$0x2] =	stream.linear.gather [hbm4b:s15+s31], $0x2000, $0x38;
	[tilespmem:$0x1C000] =	vst v63  }
0x270: {  	_ = 	snop  }
0x271: {  	[tilespmem:s22], [sflag:$0x2] =	stream.strided.gather [hbm4b:s16+s20], $0x8000, s21, s20, $0x38;
	[tilespmem:$0x1C000] =	vst v63  }
0x272: {  	_ =	swait.ge [sflag:s24], $0x2000  }
0x273: {  	[sflag:s24] =	ssyncset.done $0x0  }
0x274: {  	[sflag:s24] =	ssyncadd.s32 $0xFFFFE000  }
0x275: {  	_ =	swait.ge [sflag:s24], $0x8000  }
0x276: {  	[sflag:s24] =	ssyncset.done $0x0  }
0x277: {  	s0 =	simm.s32 $0x0;
	[sflag:s24] =	ssyncadd.s32 $0xFFFF8000  }
.LBB2_58:
0x278: {  	s2 =	simm.s32 $0x0  }
0x279: {  	s3 =	sshll.u32 s0, $0x7;
	s6 =	sand.u32 $0x1C00, s31;
	s1 =	sand.u32 $0x60, s2  }
0x27a: {  	s4 =	sor.u32 s3, s6;
	s5 =	sor.u32 $0x10, s1  }
0x27b: {  	s10 =	sor.u32 s5, s4  }
0x27c: {  	s4 =	sor.u32 s1, s4;
	v0 =	vld [tilespmem:s10+$0x0]  }
0x27d: {  	v1 =	vld [tilespmem:s4+$0x0];
	_ =	sdelay $0x1  }
0x27e: {  	s7 =	sadd.s32 $0x16000, s3  }
0x27f: {  	s9 =	sadd.s32 $0x18000, s3;
	s8 =	sadd.s32 $0x1A000, s3;
	s12 =	sadd.s32 s6, s7  }
0x280: {  	s11 =	sadd.s32 s6, s9;
	s13 =	sadd.s32 s5, s12;
	[tilespmem:s10+$0x14000] =	vst.add.f32.msk $0xffff, v0;
	s10 =	simm.s32 $0x100  }
.LBB2_59:
0x281: {  	s2 =	sadd.s32 $0x20, s2;
	s14 =	sadd.s32 s6, s8;
	[tilespmem:s13+$0x0] =	vst.add.f32.msk $0xffff, v0;
	s13 =	sadd.s32 s5, s11;
	v2 =	vmov v1  }
0x282: {  	s6 =	sand.u32 $0x1C00, s10;
	s15 =	sand.u32 $0x60, s2;
	[tilespmem:s13+$0x0] =	vst.add.f32.msk $0xffff, v0;
	s13 =	sadd.s32 s5, s14  }
0x283: {  	s12 =	sadd.s32 s1, s12;
	s16 =	sor.u32 s3, s6;
	s5 =	sor.u32 $0x10, s15;
	[tilespmem:s13+$0x0] =	vst.add.f32.msk $0xffff, v0  }
0x284: {  	s11 =	sadd.s32 s1, s11;
	s13 =	sor.u32 s5, s16;
	[tilespmem:s4+$0x14000] =	vst.add.f32.msk $0xffff, v2;
	s4 =	sor.u32 s15, s16  }
0x285: {  	p0 =	slt.u32 s2, $0x3E0;
	s14 =	sadd.s32 s1, s14;
	s1 =	smov.u32 s15;
	v0 =	vld [tilespmem:s13+$0x0]  }
.Ltmp28:
0x286: {  	v1 =	vld [tilespmem:s4+$0x0];
	(pc) =	sbr.rel @p0 .LBB2_59-.Ltmp28, $4  }
0x287: {  	[tilespmem:s12+$0x0] =	vst.add.f32.msk $0xffff, v2  }
0x288: {  	[tilespmem:s11+$0x0] =	vst.add.f32.msk $0xffff, v2  }
0x289: {  	s12 =	sadd.s32 s6, s7;
	[tilespmem:s14+$0x0] =	vst.add.f32.msk $0xffff, v2  }
0x28a: {  	s10 =	sadd.s32 $0x100, s10;
	s11 =	sadd.s32 s6, s9;
	[tilespmem:s13+$0x14000] =	vst.add.f32.msk $0xffff, v0;
	s13 =	sadd.s32 s5, s12  }
0x28b: {  	[tilespmem:s13+$0x0] =	vst.add.f32.msk $0xffff, v0;
	s0 =	sadd.s32 $0x1, s0  }
0x28c: {  	s3 =	sadd.s32 s5, s11;
	[tilespmem:s4+$0x14000] =	vst.add.f32.msk $0xffff, v1;
	p0 =	sne.s32 s0, $0x8  }
.Ltmp29:
0x28d: {  	s2 =	sadd.s32 s6, s8;
	s14 =	sadd.s32 s1, s12;
	[tilespmem:s3+$0x0] =	vst.add.f32.msk $0xffff, v0;
	(pc) =	sbr.rel @p0 .LBB2_58-.Ltmp29, $4  }
0x28e: {  	s13 =	sadd.s32 s5, s2;
	[tilespmem:s14+$0x0] =	vst.add.f32.msk $0xffff, v1  }
0x28f: {  	s15 =	sadd.s32 s1, s11;
	[tilespmem:s13+$0x0] =	vst.add.f32.msk $0xffff, v0  }
0x290: {  	s16 =	sadd.s32 s1, s2;
	[tilespmem:s15+$0x0] =	vst.add.f32.msk $0xffff, v1  }
0x291: {  	[tilespmem:s16+$0x0] =	vst.add.f32.msk $0xffff, v1  }
0x292: {  	[hbm4b:s17+s20] =	stream.strided.scatter [tilespmem:s25], [sflag:$0x3], $0x8000, s21, s20, $0x38;
	[tilespmem:$0x1C000] =	vst v63  }
0x293: {  	_ =	swait.ge [sflag:s29], $0x8000  }
0x294: {  	[sflag:s29] =	ssyncset.done $0x0  }
0x295: {  	[sflag:s29] =	ssyncadd.s32 $0xFFFF8000  }
0x296: {  	_ =	swait.ge [sflag:s26], $0x2000  }
0x297: {  	[sflag:s26] =	ssyncset.done $0x0  }
0x298: {  	[sflag:s26] =	ssyncadd.s32 $0xFFFFE000  }
0x299: {  	_ =	swait.ge [sflag:s26], $0x8000  }
0x29a: {  	[sflag:s26] =	ssyncset.done $0x0  }
0x29b: {  	s31 =	simm.s32 $0x0;
	s0 =	simm.s32 $0x0;
	[sflag:s26] =	ssyncadd.s32 $0xFFFF8000  }
.LBB2_62:
0x29c: {  	s2 =	simm.s32 $0x0  }
0x29d: {  	s3 =	sshll.u32 s0, $0x7;
	s6 =	sand.u32 $0x1C00, s31;
	s1 =	sand.u32 $0x60, s2  }
0x29e: {  	s4 =	sor.u32 s3, s6;
	s5 =	sor.u32 $0x10, s1  }
0x29f: {  	s10 =	sor.u32 s5, s4  }
0x2a0: {  	s4 =	sor.u32 s1, s4;
	v0 =	vld [tilespmem:s10+$0x2000]  }
0x2a1: {  	v1 =	vld [tilespmem:s4+$0x2000];
	_ =	sdelay $0x1  }
0x2a2: {  	s7 =	sadd.s32 $0x6000, s3  }
0x2a3: {  	s9 =	sadd.s32 $0x8000, s3;
	s8 =	sadd.s32 $0xA000, s3;
	s12 =	sadd.s32 s6, s7  }
0x2a4: {  	s11 =	sadd.s32 s6, s9;
	s13 =	sadd.s32 s5, s12;
	[tilespmem:s10+$0x4000] =	vst.add.f32.msk $0xffff, v0;
	s10 =	simm.s32 $0x100  }
.LBB2_63:
0x2a5: {  	s2 =	sadd.s32 $0x20, s2;
	s14 =	sadd.s32 s6, s8;
	[tilespmem:s13+$0x0] =	vst.add.f32.msk $0xffff, v0;
	s13 =	sadd.s32 s5, s11;
	v2 =	vmov v1  }
0x2a6: {  	s6 =	sand.u32 $0x1C00, s10;
	s15 =	sand.u32 $0x60, s2;
	[tilespmem:s13+$0x0] =	vst.add.f32.msk $0xffff, v0;
	s13 =	sadd.s32 s5, s14  }
0x2a7: {  	s12 =	sadd.s32 s1, s12;
	s16 =	sor.u32 s3, s6;
	s5 =	sor.u32 $0x10, s15;
	[tilespmem:s13+$0x0] =	vst.add.f32.msk $0xffff, v0  }
0x2a8: {  	s11 =	sadd.s32 s1, s11;
	s13 =	sor.u32 s5, s16;
	[tilespmem:s4+$0x4000] =	vst.add.f32.msk $0xffff, v2;
	s4 =	sor.u32 s15, s16  }
0x2a9: {  	p0 =	slt.u32 s2, $0x3E0;
	s14 =	sadd.s32 s1, s14;
	s1 =	smov.u32 s15;
	v0 =	vld [tilespmem:s13+$0x2000]  }
.Ltmp30:
0x2aa: {  	v1 =	vld [tilespmem:s4+$0x2000];
	(pc) =	sbr.rel @p0 .LBB2_63-.Ltmp30, $4  }
0x2ab: {  	[tilespmem:s12+$0x0] =	vst.add.f32.msk $0xffff, v2  }
0x2ac: {  	[tilespmem:s11+$0x0] =	vst.add.f32.msk $0xffff, v2  }
0x2ad: {  	s12 =	sadd.s32 s6, s7;
	[tilespmem:s14+$0x0] =	vst.add.f32.msk $0xffff, v2  }
0x2ae: {  	s10 =	sadd.s32 $0x100, s10;
	s11 =	sadd.s32 s6, s9;
	[tilespmem:s13+$0x4000] =	vst.add.f32.msk $0xffff, v0;
	s13 =	sadd.s32 s5, s12  }
0x2af: {  	[tilespmem:s13+$0x0] =	vst.add.f32.msk $0xffff, v0;
	s0 =	sadd.s32 $0x1, s0  }
0x2b0: {  	s3 =	sadd.s32 s5, s11;
	[tilespmem:s4+$0x4000] =	vst.add.f32.msk $0xffff, v1;
	p0 =	sne.s32 s0, $0x8  }
.Ltmp31:
0x2b1: {  	s2 =	sadd.s32 s6, s8;
	s14 =	sadd.s32 s1, s12;
	[tilespmem:s3+$0x0] =	vst.add.f32.msk $0xffff, v0;
	(pc) =	sbr.rel @p0 .LBB2_62-.Ltmp31, $4  }
0x2b2: {  	s13 =	sadd.s32 s5, s2;
	[tilespmem:s14+$0x0] =	vst.add.f32.msk $0xffff, v1  }
0x2b3: {  	s15 =	sadd.s32 s1, s11;
	[tilespmem:s13+$0x0] =	vst.add.f32.msk $0xffff, v0  }
0x2b4: {  	s16 =	sadd.s32 s1, s2;
	[tilespmem:s15+$0x0] =	vst.add.f32.msk $0xffff, v1  }
0x2b5: {  	[tilespmem:s16+$0x0] =	vst.add.f32.msk $0xffff, v1  }
0x2b6: {  	[hbm4b:s18+s20] =	stream.strided.scatter [tilespmem:s22], [sflag:$0x4], $0x8000, s21, s20, $0x38;
	[tilespmem:$0x1C000] =	vst v63  }
0x2b7: {  	s30 =	sadd.s32 $0x1, s30  }
0x2b8: {  	_ =	swait.ge [sflag:s28], $0x8000;
	p0 =	sne.s32 s30, s19  }
.Ltmp32:
0x2b9: {  	[sflag:s28] =	ssyncset.done $0x0;
	(pc) =	sbr.rel @p0 .LBB2_1-.Ltmp32, $4  }
0x2ba: {  	[sflag:s28] =	ssyncadd.s32 $0xFFFF8000  }
0x2bb: {  	_ =	swait.ge [sflag:s29], $0x8000  }
0x2bc: {  	[sflag:s29] =	ssyncset.done $0x0  }
0x2bd: {  	[sflag:s29] =	ssyncadd.s32 $0xFFFF8000  }
0x2be: {  	_ =	sfence.sel $0x180000  }
0x2bf: {  	[bflag:$0x0] =	sbarrier.arrive $0xFFFF  }
0x2c0: {  	_ =	strace $0x90000047  }
0x2c1: {  	s0 =	stileid.u32;
	[bflag:$0x2] =	sbarrier.arrive $0xFFFF  }
0x2c2: {  	p0 =	sne.s32 s0, $0x0;
	s0 =	rddreg [dreg:$0x3]  }
0x2c3: {  	s0 =	sadd.s32 @!p0 $0x100000, s0  }
0x2c4: {  	[sflag:s0] =	ssyncadd.tile.s32 @!p0 $0x1;
	_ =	shalt  }
.Lfunc_end2:
_tile_overlayer_lowered:
.L_overlay_start_2:
0x2c5: {  	(tag) =	ssettag $0x2  }
0x2c6: {  	s0 =	rddreg [dreg:$0x0];
	s2 =	stileid.u32  }
0x2c7: {  	s1 =	rddreg [dreg:$0x1];
	p0 =	sne.s32 s2, $0x0  }
0x2c8: {  	s3 =	rddreg [dreg:$0x2];
	[bflag:$0x3] =	sbarrier.arrive $0xFFFF;
	s2 =	simm.s32 @!p0 $0x1C05  }
0x2c9: {  	[timem:s3], [sflag:s2] =	dma.local @!p0 [hbm:s0], s1  }
0x2ca: {  	s0 =	simm.s32 @!p0 $0x5  }
0x2cb: {  	_ =	swait.ge @!p0 [sflag:s0], s1  }
0x2cc: {  	s1 =	ssub.s32 @!p0 $0x0, s1;
	[sflag:s0] =	ssyncset.done @!p0 $0x0  }
0x2cd: {  	[sflag:s0] =	ssyncadd.s32 @!p0 s1  }
0x2ce: {  	[bflag:$0x3] =	sbarrier.arrive $0xFFFF  }
0x2cf: {  	_ =	shalt  }

</sc_bundles>
